<compile_context>
chip_gen: v7x
topology: tpu7x:2x2x1
jax: 0.10.2.dev20260603
libtpu: 0.0.44.dev20260713+nightly
codegen_flags: <defaults>
</compile_context>

<pallas_src>
import jax
import jax.numpy as jnp
from jax import lax
from jax.experimental import pallas as pl
from jax.experimental.pallas import tpu as pltpu
from jax.experimental.pallas import tpu_sc as plsc

B = 16384
D = 128
L = 16
NC = 2
NS = 16
NW = NC * NS
BPW = B // NW
CH = 32
NCH = BPW // CH
DL = D // L


def _lane_sum(v, lane):
    for k in (1, 2, 4, 8):
        v = v + v.at[lane ^ k].get(mode="promise_in_bounds")
    return v


def _rinorm(acc, lane):
    s = jnp.maximum(_lane_sum(acc, lane), jnp.float32(1e-24))
    i = lax.bitcast_convert_type(s, jnp.int32)
    y = lax.bitcast_convert_type(
        jnp.int32(0x5F3759DF) - lax.shift_right_arithmetic(i, 1), jnp.float32)
    sh = jnp.float32(0.5) * s
    y = y * (jnp.float32(1.5) - sh * y * y)
    return y


def _score(hb, rb, tb, jj, lane):
    hs = [hb[jj, pl.ds(L * i, L)] for i in range(DL)]
    rs = [rb[jj, pl.ds(L * i, L)] for i in range(DL)]
    ts = [tb[jj, pl.ds(L * i, L)] for i in range(DL)]
    ah = ar = at = None
    for i in range(DL):
        ah = hs[i] * hs[i] if ah is None else ah + hs[i] * hs[i]
        ar = rs[i] * rs[i] if ar is None else ar + rs[i] * rs[i]
        at = ts[i] * ts[i] if at is None else at + ts[i] * ts[i]
    ch = _rinorm(ah, lane)
    cr = _rinorm(ar, lane)
    ct = _rinorm(at, lane)
    acc = None
    for i in range(DL):
        v = jnp.abs(hs[i] * ch + rs[i] * cr - ts[i] * ct)
        acc = v if acc is None else acc + v
    return _lane_sum(acc, lane)


def _body(hidx, ridx, tidx, ent, rel, out, hi_v, ri_v, ti_v,
          hb0, rb0, tb0, hb1, rb1, tb1, sc_v, sem0, sem1):
    wid = lax.axis_index("s") * NC + lax.axis_index("c")
    base = pl.multiple_of(wid * BPW, BPW)
    pltpu.sync_copy(hidx.at[pl.ds(base, BPW)], hi_v)
    pltpu.sync_copy(ridx.at[pl.ds(base, BPW)], ri_v)
    pltpu.sync_copy(tidx.at[pl.ds(base, BPW)], ti_v)

    lane = lax.iota(jnp.int32, L)
    bufs = ((hb0, rb0, tb0), (hb1, rb1, tb1))
    sems = (sem0, sem1)

    def issue(cidx, b):
        c = pl.multiple_of(cidx * CH, CH)
        h, r, t = bufs[b]
        pltpu.async_copy(ent.at[hi_v.at[pl.ds(c, CH)]], h, sems[b])
        pltpu.async_copy(rel.at[ri_v.at[pl.ds(c, CH)]], r, sems[b])
        pltpu.async_copy(ent.at[ti_v.at[pl.ds(c, CH)]], t, sems[b])

    def drain(b):
        h, r, t = bufs[b]
        pltpu.make_async_copy(ent.at[pl.ds(0, CH)], h, sems[b]).wait()
        pltpu.make_async_copy(rel.at[pl.ds(0, CH)], r, sems[b]).wait()
        pltpu.make_async_copy(ent.at[pl.ds(0, CH)], t, sems[b]).wait()

    def compute(cidx, b):
        h, r, t = bufs[b]
        c = pl.multiple_of(cidx * CH, CH)

        @pl.loop(0, CH // L)
        def _group(g):
            @pl.loop(0, L, step=2, init_carry=jnp.zeros((L,), jnp.float32))
            def vec(j16, acc):
                s0 = _score(h, r, t, g * L + j16, lane)
                s1 = _score(h, r, t, g * L + j16 + 1, lane)
                acc = jnp.where(lane == j16, s0, acc)
                return jnp.where(lane == j16 + 1, s1, acc)

            off = pl.multiple_of(c + g * L, L)
            sc_v[pl.ds(off, L)] = vec

    issue(0, 0)

    @pl.loop(0, NCH, step=2)
    def _pair(ci):
        for b in range(2):
            cur = ci + b
            issue(jnp.minimum(cur + 1, NCH - 1), 1 - b)
            drain(b)
            compute(cur, b)

    drain(0)

    pltpu.sync_copy(sc_v, out.at[pl.ds(base, BPW)])


_mesh = plsc.VectorSubcoreMesh(
    core_axis_name="c", subcore_axis_name="s", num_cores=NC, num_subcores=NS)

_call = pl.kernel(
    _body,
    out_type=jax.ShapeDtypeStruct((B,), jnp.float32),
    mesh=_mesh,
    scratch_types=[
        pltpu.VMEM((BPW,), jnp.int32),
        pltpu.VMEM((BPW,), jnp.int32),
        pltpu.VMEM((BPW,), jnp.int32),
        pltpu.VMEM((CH, D), jnp.float32),
        pltpu.VMEM((CH, D), jnp.float32),
        pltpu.VMEM((CH, D), jnp.float32),
        pltpu.VMEM((CH, D), jnp.float32),
        pltpu.VMEM((CH, D), jnp.float32),
        pltpu.VMEM((CH, D), jnp.float32),
        pltpu.VMEM((BPW,), jnp.float32),
        pltpu.SemaphoreType.DMA,
        pltpu.SemaphoreType.DMA,
    ],
)


@jax.jit
def kernel(triples, ent_emb, rel_emb):
    hidx = triples[:, 0]
    ridx = triples[:, 1]
    tidx = triples[:, 2]
    return _call(hidx, ridx, tidx, ent_emb, rel_emb)

# --- scband reference (transcript-rebuilt; emitter-appended) ---
"""Pipeline reference for scband-trans-e-57200374448763 (READ-ONLY COPY).

The authoritative reference and input builder live on the scoring server;
editing this copy changes nothing except your own understanding.
"""

import jax, jax.numpy as jnp
import numpy as np

ENT_COUNT = 100000
REL_COUNT = 100000
DIM = 128
BATCH = 16384


def _l2_normalize(x, eps=1e-12):
    # matches torch F.normalize(p=2, dim=1): x / max(||x||_2, eps)
    n = jnp.sqrt(jnp.sum(x * x, axis=1, keepdims=True))
    return x / jnp.maximum(n, eps)


def setup_inputs(seed: int = 0) -> dict:
    key = jax.random.key(seed)
    k1, k2, k3 = jax.random.split(key, 3)
    triples = jax.random.randint(k1, (BATCH, 3), 0, ENT_COUNT, dtype=jnp.int32)
    uniform_range = 6.0 / (DIM ** 0.5)
    ent_emb = jax.random.uniform(k2, (ENT_COUNT, DIM), dtype=jnp.float32,
                                 minval=-uniform_range, maxval=uniform_range)
    # padding_idx=0: torch zeroes row 0 at init
    ent_emb = ent_emb.at[0].set(0.0)
    rel_emb = jax.random.uniform(k3, (REL_COUNT, DIM), dtype=jnp.float32,
                                 minval=-uniform_range, maxval=uniform_range)
    return {"triples": triples, "ent_emb": ent_emb, "rel_emb": rel_emb}


def reference(triples, ent_emb, rel_emb):
    h = jnp.take(ent_emb, triples[:, 0], axis=0)
    r = jnp.take(rel_emb, triples[:, 1], axis=0)
    t = jnp.take(ent_emb, triples[:, 2], axis=0)
    h = _l2_normalize(h)
    r = _l2_normalize(r)
    t = _l2_normalize(t)
    score = jnp.sum(jnp.abs(h + r - t), axis=1)  # p=1 norm
    return score

if __name__ == "__main__":
    import jax
    _d = setup_inputs()
    print(jax.jit(kernel)(*tuple(_d.values())))

</pallas_src>

<mosaic_0001>
#map = affine_map<(d0, d1) -> (0)>
#map1 = affine_map<(d0, d1) -> (0, 0)>
module attributes {stable_mosaic.version = 14 : i64} {
  func.func @_body(%arg0: i32, %arg1: i32, %arg2: memref<16384xi32, #tpu.memory_space<hbm>>, %arg3: memref<16384xi32, #tpu.memory_space<hbm>>, %arg4: memref<16384xi32, #tpu.memory_space<hbm>>, %arg5: memref<100000x128xf32, #tpu.memory_space<hbm>>, %arg6: memref<100000x128xf32, #tpu.memory_space<hbm>>, %arg7: memref<16384xf32, #tpu.memory_space<hbm>>, %arg8: memref<512xi32, #tpu.memory_space<vmem>>, %arg9: memref<512xi32, #tpu.memory_space<vmem>>, %arg10: memref<512xi32, #tpu.memory_space<vmem>>, %arg11: memref<32x128xf32, #tpu.memory_space<vmem>>, %arg12: memref<32x128xf32, #tpu.memory_space<vmem>>, %arg13: memref<32x128xf32, #tpu.memory_space<vmem>>, %arg14: memref<32x128xf32, #tpu.memory_space<vmem>>, %arg15: memref<32x128xf32, #tpu.memory_space<vmem>>, %arg16: memref<32x128xf32, #tpu.memory_space<vmem>>, %arg17: memref<512xf32, #tpu.memory_space<vmem>>, %arg18: memref<!tpu.dma_semaphore, #tpu.memory_space<semaphore_mem>>, %arg19: memref<!tpu.dma_semaphore, #tpu.memory_space<semaphore_mem>>) attributes {dimension_semantics = [#tpu.dimension_semantics<core_parallel>, #tpu.dimension_semantics<subcore_parallel>], iteration_bounds = array<i64: 2, 16>, scalar_prefetch = 0 : i64, scratch_operands = 12 : i64, tpu.core_type = #tpu.core_type<sc_vector_subcore>, window_params = [{transform_indices = #map}, {transform_indices = #map}, {transform_indices = #map}, {transform_indices = #map1}, {transform_indices = #map1}, {transform_indices = #map}]} {
    %mul3A = arith.constant 2 : i32
    %mul3A_0 = arith.muli %arg1, %mul3A : i32
    %add3A = arith.addi %mul3A_0, %arg0 : i32
    %mul3A_1 = arith.constant 512 : i32
    %mul3A_2 = arith.muli %add3A, %mul3A_1 : i32
    %multiple_of3A = tpu.assume_multiple %mul3A_2, 512 : i32
    "tpu.region"() ({
      %run_scoped3A = tpu.sem_alloc : memref<!tpu.dma_semaphore, #tpu.memory_space<semaphore_mem>>
      %dma_start3A_37 = tpu.memref_slice %arg2[%multiple_of3A] : memref<16384xi32, #tpu.memory_space<hbm>> -> memref<512xi32, #tpu.memory_space<hbm>>
      %dma_start3A_38 = tpu.memref_slice %arg2[%multiple_of3A] : memref<16384xi32, #tpu.memory_space<hbm>> -> memref<512xi32, #tpu.memory_space<hbm>>
      tpu.enqueue_dma source(%dma_start3A_38 : memref<512xi32, #tpu.memory_space<hbm>>) target(%arg8 : memref<512xi32, #tpu.memory_space<vmem>>) target_semaphore(%run_scoped3A : memref<!tpu.dma_semaphore, #tpu.memory_space<semaphore_mem>>)
      %dma_wait3A_39 = tpu.memref_slice %arg2[%multiple_of3A] : memref<16384xi32, #tpu.memory_space<hbm>> -> memref<512xi32, #tpu.memory_space<hbm>>
      %dma_wait3A_40 = tpu.memref_slice %arg2[%multiple_of3A] : memref<16384xi32, #tpu.memory_space<hbm>> -> memref<512xi32, #tpu.memory_space<hbm>>
      tpu.wait_dma2 semaphore(%run_scoped3A : memref<!tpu.dma_semaphore, #tpu.memory_space<semaphore_mem>>) src(%dma_wait3A_40 : memref<512xi32, #tpu.memory_space<hbm>>) dst(%arg8 : memref<512xi32, #tpu.memory_space<vmem>>)
      tpu.yield
    }) : () -> ()
    "tpu.region"() ({
      %run_scoped3A = tpu.sem_alloc : memref<!tpu.dma_semaphore, #tpu.memory_space<semaphore_mem>>
      %dma_start3A_37 = tpu.memref_slice %arg3[%multiple_of3A] : memref<16384xi32, #tpu.memory_space<hbm>> -> memref<512xi32, #tpu.memory_space<hbm>>
      %dma_start3A_38 = tpu.memref_slice %arg3[%multiple_of3A] : memref<16384xi32, #tpu.memory_space<hbm>> -> memref<512xi32, #tpu.memory_space<hbm>>
      tpu.enqueue_dma source(%dma_start3A_38 : memref<512xi32, #tpu.memory_space<hbm>>) target(%arg9 : memref<512xi32, #tpu.memory_space<vmem>>) target_semaphore(%run_scoped3A : memref<!tpu.dma_semaphore, #tpu.memory_space<semaphore_mem>>)
      %dma_wait3A_39 = tpu.memref_slice %arg3[%multiple_of3A] : memref<16384xi32, #tpu.memory_space<hbm>> -> memref<512xi32, #tpu.memory_space<hbm>>
      %dma_wait3A_40 = tpu.memref_slice %arg3[%multiple_of3A] : memref<16384xi32, #tpu.memory_space<hbm>> -> memref<512xi32, #tpu.memory_space<hbm>>
      tpu.wait_dma2 semaphore(%run_scoped3A : memref<!tpu.dma_semaphore, #tpu.memory_space<semaphore_mem>>) src(%dma_wait3A_40 : memref<512xi32, #tpu.memory_space<hbm>>) dst(%arg9 : memref<512xi32, #tpu.memory_space<vmem>>)
      tpu.yield
    }) : () -> ()
    "tpu.region"() ({
      %run_scoped3A = tpu.sem_alloc : memref<!tpu.dma_semaphore, #tpu.memory_space<semaphore_mem>>
      %dma_start3A_37 = tpu.memref_slice %arg4[%multiple_of3A] : memref<16384xi32, #tpu.memory_space<hbm>> -> memref<512xi32, #tpu.memory_space<hbm>>
      %dma_start3A_38 = tpu.memref_slice %arg4[%multiple_of3A] : memref<16384xi32, #tpu.memory_space<hbm>> -> memref<512xi32, #tpu.memory_space<hbm>>
      tpu.enqueue_dma source(%dma_start3A_38 : memref<512xi32, #tpu.memory_space<hbm>>) target(%arg10 : memref<512xi32, #tpu.memory_space<vmem>>) target_semaphore(%run_scoped3A : memref<!tpu.dma_semaphore, #tpu.memory_space<semaphore_mem>>)
      %dma_wait3A_39 = tpu.memref_slice %arg4[%multiple_of3A] : memref<16384xi32, #tpu.memory_space<hbm>> -> memref<512xi32, #tpu.memory_space<hbm>>
      %dma_wait3A_40 = tpu.memref_slice %arg4[%multiple_of3A] : memref<16384xi32, #tpu.memory_space<hbm>> -> memref<512xi32, #tpu.memory_space<hbm>>
      tpu.wait_dma2 semaphore(%run_scoped3A : memref<!tpu.dma_semaphore, #tpu.memory_space<semaphore_mem>>) src(%dma_wait3A_40 : memref<512xi32, #tpu.memory_space<hbm>>) dst(%arg10 : memref<512xi32, #tpu.memory_space<vmem>>)
      tpu.yield
    }) : () -> ()
    %iota3A = tpu.iota {dimensions = array<i32: 0>} : vector<16xi32>
    %multiple_of3A_3 = arith.constant 0 : i32
    %multiple_of3A_4 = tpu.assume_multiple %multiple_of3A_3, 32 : i32
    %dma_start3A = tpu.memref_slice %arg8[%multiple_of3A_4] : memref<512xi32, #tpu.memory_space<vmem>> -> memref<32xi32, #tpu.memory_space<vmem>>
    %dma_start3A_5 = arith.constant 0 : i32
    %dma_start3A_6 = arith.constant 0 : i32
    %dma_start3A_7 = tpu.memref_slice %arg5[%dma_start3A_5, %dma_start3A_6] : memref<100000x128xf32, #tpu.memory_space<hbm>> -> memref<100000x128xf32, #tpu.memory_space<hbm>>
    tpu.enqueue_indirect_dma source(%dma_start3A_7 : memref<100000x128xf32, #tpu.memory_space<hbm>>) target(%arg11 : memref<32x128xf32, #tpu.memory_space<vmem>>) offsets(%dma_start3A : memref<32xi32, #tpu.memory_space<vmem>>) semaphore(%arg18 : memref<!tpu.dma_semaphore, #tpu.memory_space<semaphore_mem>>)
    %dma_start3A_8 = tpu.memref_slice %arg9[%multiple_of3A_4] : memref<512xi32, #tpu.memory_space<vmem>> -> memref<32xi32, #tpu.memory_space<vmem>>
    %dma_start3A_9 = arith.constant 0 : i32
    %dma_start3A_10 = arith.constant 0 : i32
    %dma_start3A_11 = tpu.memref_slice %arg6[%dma_start3A_9, %dma_start3A_10] : memref<100000x128xf32, #tpu.memory_space<hbm>> -> memref<100000x128xf32, #tpu.memory_space<hbm>>
    tpu.enqueue_indirect_dma source(%dma_start3A_11 : memref<100000x128xf32, #tpu.memory_space<hbm>>) target(%arg12 : memref<32x128xf32, #tpu.memory_space<vmem>>) offsets(%dma_start3A_8 : memref<32xi32, #tpu.memory_space<vmem>>) semaphore(%arg18 : memref<!tpu.dma_semaphore, #tpu.memory_space<semaphore_mem>>)
    %dma_start3A_12 = tpu.memref_slice %arg10[%multiple_of3A_4] : memref<512xi32, #tpu.memory_space<vmem>> -> memref<32xi32, #tpu.memory_space<vmem>>
    %dma_start3A_13 = arith.constant 0 : i32
    %dma_start3A_14 = arith.constant 0 : i32
    %dma_start3A_15 = tpu.memref_slice %arg5[%dma_start3A_13, %dma_start3A_14] : memref<100000x128xf32, #tpu.memory_space<hbm>> -> memref<100000x128xf32, #tpu.memory_space<hbm>>
    tpu.enqueue_indirect_dma source(%dma_start3A_15 : memref<100000x128xf32, #tpu.memory_space<hbm>>) target(%arg13 : memref<32x128xf32, #tpu.memory_space<vmem>>) offsets(%dma_start3A_12 : memref<32xi32, #tpu.memory_space<vmem>>) semaphore(%arg18 : memref<!tpu.dma_semaphore, #tpu.memory_space<semaphore_mem>>)
    %scan3A = arith.constant 0 : i32
    %scan3A_16 = arith.constant 8 : i32
    %scan3A_17 = arith.addi %scan3A, %scan3A_16 : i32
    %scan3A_18 = arith.constant 1 : i32
    scf.for %scan3A_37 = %scan3A to %scan3A_17 step %scan3A_18  : i32 {
      %mul3A_38 = arith.constant 2 : i32
      %mul3A_39 = arith.muli %scan3A_37, %mul3A_38 : i32
      %add3A_40 = arith.constant 0 : i32
      %add3A_41 = arith.addi %add3A_40, %mul3A_39 : i32
      %add3A_42 = arith.constant 0 : i32
      %add3A_43 = arith.addi %add3A_41, %add3A_42 : i32
      %add3A_44 = arith.constant 1 : i32
      %add3A_45 = arith.addi %add3A_43, %add3A_44 : i32
      %min3A = arith.constant 15 : i32
      %min3A_46 = arith.minsi %add3A_45, %min3A : i32
      %mul3A_47 = arith.constant 32 : i32
      %mul3A_48 = arith.muli %min3A_46, %mul3A_47 : i32
      %multiple_of3A_49 = tpu.assume_multiple %mul3A_48, 32 : i32
      %dma_start3A_50 = tpu.memref_slice %arg8[%multiple_of3A_49] : memref<512xi32, #tpu.memory_space<vmem>> -> memref<32xi32, #tpu.memory_space<vmem>>
      %dma_start3A_51 = arith.constant 0 : i32
      %dma_start3A_52 = arith.constant 0 : i32
      %dma_start3A_53 = tpu.memref_slice %arg5[%dma_start3A_51, %dma_start3A_52] : memref<100000x128xf32, #tpu.memory_space<hbm>> -> memref<100000x128xf32, #tpu.memory_space<hbm>>
      tpu.enqueue_indirect_dma source(%dma_start3A_53 : memref<100000x128xf32, #tpu.memory_space<hbm>>) target(%arg14 : memref<32x128xf32, #tpu.memory_space<vmem>>) offsets(%dma_start3A_50 : memref<32xi32, #tpu.memory_space<vmem>>) semaphore(%arg19 : memref<!tpu.dma_semaphore, #tpu.memory_space<semaphore_mem>>)
      %dma_start3A_54 = tpu.memref_slice %arg9[%multiple_of3A_49] : memref<512xi32, #tpu.memory_space<vmem>> -> memref<32xi32, #tpu.memory_space<vmem>>
      %dma_start3A_55 = arith.constant 0 : i32
      %dma_start3A_56 = arith.constant 0 : i32
      %dma_start3A_57 = tpu.memref_slice %arg6[%dma_start3A_55, %dma_start3A_56] : memref<100000x128xf32, #tpu.memory_space<hbm>> -> memref<100000x128xf32, #tpu.memory_space<hbm>>
      tpu.enqueue_indirect_dma source(%dma_start3A_57 : memref<100000x128xf32, #tpu.memory_space<hbm>>) target(%arg15 : memref<32x128xf32, #tpu.memory_space<vmem>>) offsets(%dma_start3A_54 : memref<32xi32, #tpu.memory_space<vmem>>) semaphore(%arg19 : memref<!tpu.dma_semaphore, #tpu.memory_space<semaphore_mem>>)
      %dma_start3A_58 = tpu.memref_slice %arg10[%multiple_of3A_49] : memref<512xi32, #tpu.memory_space<vmem>> -> memref<32xi32, #tpu.memory_space<vmem>>
      %dma_start3A_59 = arith.constant 0 : i32
      %dma_start3A_60 = arith.constant 0 : i32
      %dma_start3A_61 = tpu.memref_slice %arg5[%dma_start3A_59, %dma_start3A_60] : memref<100000x128xf32, #tpu.memory_space<hbm>> -> memref<100000x128xf32, #tpu.memory_space<hbm>>
      tpu.enqueue_indirect_dma source(%dma_start3A_61 : memref<100000x128xf32, #tpu.memory_space<hbm>>) target(%arg16 : memref<32x128xf32, #tpu.memory_space<vmem>>) offsets(%dma_start3A_58 : memref<32xi32, #tpu.memory_space<vmem>>) semaphore(%arg19 : memref<!tpu.dma_semaphore, #tpu.memory_space<semaphore_mem>>)
      %dma_wait3A_62 = arith.constant 0 : i32
      %dma_wait3A_63 = arith.constant 0 : i32
      %dma_wait3A_64 = tpu.memref_slice %arg5[%dma_wait3A_62, %dma_wait3A_63] : memref<100000x128xf32, #tpu.memory_space<hbm>> -> memref<32x128xf32, #tpu.memory_space<hbm>>
      %dma_wait3A_65 = arith.constant 0 : i32
      %dma_wait3A_66 = arith.constant 0 : i32
      %dma_wait3A_67 = tpu.memref_slice %arg5[%dma_wait3A_65, %dma_wait3A_66] : memref<100000x128xf32, #tpu.memory_space<hbm>> -> memref<32x128xf32, #tpu.memory_space<hbm>>
      tpu.wait_dma2 semaphore(%arg18 : memref<!tpu.dma_semaphore, #tpu.memory_space<semaphore_mem>>) src(%dma_wait3A_67 : memref<32x128xf32, #tpu.memory_space<hbm>>) dst(%arg11 : memref<32x128xf32, #tpu.memory_space<vmem>>)
      %dma_wait3A_68 = arith.constant 0 : i32
      %dma_wait3A_69 = arith.constant 0 : i32
      %dma_wait3A_70 = tpu.memref_slice %arg6[%dma_wait3A_68, %dma_wait3A_69] : memref<100000x128xf32, #tpu.memory_space<hbm>> -> memref<32x128xf32, #tpu.memory_space<hbm>>
      %dma_wait3A_71 = arith.constant 0 : i32
      %dma_wait3A_72 = arith.constant 0 : i32
      %dma_wait3A_73 = tpu.memref_slice %arg6[%dma_wait3A_71, %dma_wait3A_72] : memref<100000x128xf32, #tpu.memory_space<hbm>> -> memref<32x128xf32, #tpu.memory_space<hbm>>
      tpu.wait_dma2 semaphore(%arg18 : memref<!tpu.dma_semaphore, #tpu.memory_space<semaphore_mem>>) src(%dma_wait3A_73 : memref<32x128xf32, #tpu.memory_space<hbm>>) dst(%arg12 : memref<32x128xf32, #tpu.memory_space<vmem>>)
      %dma_wait3A_74 = arith.constant 0 : i32
      %dma_wait3A_75 = arith.constant 0 : i32
      %dma_wait3A_76 = tpu.memref_slice %arg5[%dma_wait3A_74, %dma_wait3A_75] : memref<100000x128xf32, #tpu.memory_space<hbm>> -> memref<32x128xf32, #tpu.memory_space<hbm>>
      %dma_wait3A_77 = arith.constant 0 : i32
      %dma_wait3A_78 = arith.constant 0 : i32
      %dma_wait3A_79 = tpu.memref_slice %arg5[%dma_wait3A_77, %dma_wait3A_78] : memref<100000x128xf32, #tpu.memory_space<hbm>> -> memref<32x128xf32, #tpu.memory_space<hbm>>
      tpu.wait_dma2 semaphore(%arg18 : memref<!tpu.dma_semaphore, #tpu.memory_space<semaphore_mem>>) src(%dma_wait3A_79 : memref<32x128xf32, #tpu.memory_space<hbm>>) dst(%arg13 : memref<32x128xf32, #tpu.memory_space<vmem>>)
      %mul3A_80 = arith.constant 32 : i32
      %mul3A_81 = arith.muli %add3A_43, %mul3A_80 : i32
      %multiple_of3A_82 = tpu.assume_multiple %mul3A_81, 32 : i32
      %scan3A_83 = arith.constant 0 : i32
      %scan3A_84 = arith.constant 2 : i32
      %scan3A_85 = arith.addi %scan3A_83, %scan3A_84 : i32
      %scan3A_86 = arith.constant 1 : i32
      scf.for %scan3A_135 = %scan3A_83 to %scan3A_85 step %scan3A_86  : i32 {
        %mul3A_136 = arith.constant 1 : i32
        %mul3A_137 = arith.muli %scan3A_135, %mul3A_136 : i32
        %add3A_138 = arith.constant 0 : i32
        %add3A_139 = arith.addi %add3A_138, %mul3A_137 : i32
        %broadcast_in_dim3A = arith.constant 0.000000e+00 : f32
        %broadcast_in_dim3A_140 = vector.broadcast %broadcast_in_dim3A : f32 to vector<16xf32>
        %scan3A_141 = arith.constant 0 : i32
        %scan3A_142 = arith.constant 8 : i32
        %scan3A_143 = arith.addi %scan3A_141, %scan3A_142 : i32
        %scan3A_144 = arith.constant 1 : i32
        %scan3A_145 = scf.for %scan3A_154 = %scan3A_141 to %scan3A_143 step %scan3A_144 iter_args(%scan3A_155 = %broadcast_in_dim3A_140) -> (vector<16xf32>)  : i32 {
          %mul3A_156 = arith.constant 2 : i32
          %mul3A_157 = arith.muli %scan3A_154, %mul3A_156 : i32
          %add3A_158 = arith.constant 0 : i32
          %add3A_159 = arith.addi %add3A_158, %mul3A_157 : i32
          %mul3A_160 = arith.constant 16 : i32
          %mul3A_161 = arith.muli %add3A_139, %mul3A_160 : i32
          %add3A_162 = arith.addi %mul3A_161, %add3A_159 : i32
          %get3A = arith.index_cast %add3A_162 : i32 to index
          %get3A_163 = arith.constant 0 : index
          %get3A_164 = tpu.vector_load %arg11[%get3A, %get3A_163] {strides = array<i32>} : memref<32x128xf32, #tpu.memory_space<vmem>>, vector<1x16xf32>,
          %get3A_165 = vector.shape_cast %get3A_164 : vector<1x16xf32> to vector<16xf32>
          %get3A_166 = arith.index_cast %add3A_162 : i32 to index
          %get3A_167 = arith.constant 16 : index
          %get3A_168 = tpu.vector_load %arg11[%get3A_166, %get3A_167] {strides = array<i32>} : memref<32x128xf32, #tpu.memory_space<vmem>>, vector<1x16xf32>,
          %get3A_169 = vector.shape_cast %get3A_168 : vector<1x16xf32> to vector<16xf32>
          %get3A_170 = arith.index_cast %add3A_162 : i32 to index
          %get3A_171 = arith.constant 32 : index
          %get3A_172 = tpu.vector_load %arg11[%get3A_170, %get3A_171] {strides = array<i32>} : memref<32x128xf32, #tpu.memory_space<vmem>>, vector<1x16xf32>,
          %get3A_173 = vector.shape_cast %get3A_172 : vector<1x16xf32> to vector<16xf32>
          %get3A_174 = arith.index_cast %add3A_162 : i32 to index
          %get3A_175 = arith.constant 48 : index
          %get3A_176 = tpu.vector_load %arg11[%get3A_174, %get3A_175] {strides = array<i32>} : memref<32x128xf32, #tpu.memory_space<vmem>>, vector<1x16xf32>,
          %get3A_177 = vector.shape_cast %get3A_176 : vector<1x16xf32> to vector<16xf32>
          %get3A_178 = arith.index_cast %add3A_162 : i32 to index
          %get3A_179 = arith.constant 64 : index
          %get3A_180 = tpu.vector_load %arg11[%get3A_178, %get3A_179] {strides = array<i32>} : memref<32x128xf32, #tpu.memory_space<vmem>>, vector<1x16xf32>,
          %get3A_181 = vector.shape_cast %get3A_180 : vector<1x16xf32> to vector<16xf32>
          %get3A_182 = arith.index_cast %add3A_162 : i32 to index
          %get3A_183 = arith.constant 80 : index
          %get3A_184 = tpu.vector_load %arg11[%get3A_182, %get3A_183] {strides = array<i32>} : memref<32x128xf32, #tpu.memory_space<vmem>>, vector<1x16xf32>,
          %get3A_185 = vector.shape_cast %get3A_184 : vector<1x16xf32> to vector<16xf32>
          %get3A_186 = arith.index_cast %add3A_162 : i32 to index
          %get3A_187 = arith.constant 96 : index
          %get3A_188 = tpu.vector_load %arg11[%get3A_186, %get3A_187] {strides = array<i32>} : memref<32x128xf32, #tpu.memory_space<vmem>>, vector<1x16xf32>,
          %get3A_189 = vector.shape_cast %get3A_188 : vector<1x16xf32> to vector<16xf32>
          %get3A_190 = arith.index_cast %add3A_162 : i32 to index
          %get3A_191 = arith.constant 112 : index
          %get3A_192 = tpu.vector_load %arg11[%get3A_190, %get3A_191] {strides = array<i32>} : memref<32x128xf32, #tpu.memory_space<vmem>>, vector<1x16xf32>,
          %get3A_193 = vector.shape_cast %get3A_192 : vector<1x16xf32> to vector<16xf32>
          %get3A_194 = arith.index_cast %add3A_162 : i32 to index
          %get3A_195 = arith.constant 0 : index
          %get3A_196 = tpu.vector_load %arg12[%get3A_194, %get3A_195] {strides = array<i32>} : memref<32x128xf32, #tpu.memory_space<vmem>>, vector<1x16xf32>,
          %get3A_197 = vector.shape_cast %get3A_196 : vector<1x16xf32> to vector<16xf32>
          %get3A_198 = arith.index_cast %add3A_162 : i32 to index
          %get3A_199 = arith.constant 16 : index
          %get3A_200 = tpu.vector_load %arg12[%get3A_198, %get3A_199] {strides = array<i32>} : memref<32x128xf32, #tpu.memory_space<vmem>>, vector<1x16xf32>,
          %get3A_201 = vector.shape_cast %get3A_200 : vector<1x16xf32> to vector<16xf32>
          %get3A_202 = arith.index_cast %add3A_162 : i32 to index
          %get3A_203 = arith.constant 32 : index
          %get3A_204 = tpu.vector_load %arg12[%get3A_202, %get3A_203] {strides = array<i32>} : memref<32x128xf32, #tpu.memory_space<vmem>>, vector<1x16xf32>,
          %get3A_205 = vector.shape_cast %get3A_204 : vector<1x16xf32> to vector<16xf32>
          %get3A_206 = arith.index_cast %add3A_162 : i32 to index
          %get3A_207 = arith.constant 48 : index
          %get3A_208 = tpu.vector_load %arg12[%get3A_206, %get3A_207] {strides = array<i32>} : memref<32x128xf32, #tpu.memory_space<vmem>>, vector<1x16xf32>,
          %get3A_209 = vector.shape_cast %get3A_208 : vector<1x16xf32> to vector<16xf32>
          %get3A_210 = arith.index_cast %add3A_162 : i32 to index
          %get3A_211 = arith.constant 64 : index
          %get3A_212 = tpu.vector_load %arg12[%get3A_210, %get3A_211] {strides = array<i32>} : memref<32x128xf32, #tpu.memory_space<vmem>>, vector<1x16xf32>,
          %get3A_213 = vector.shape_cast %get3A_212 : vector<1x16xf32> to vector<16xf32>
          %get3A_214 = arith.index_cast %add3A_162 : i32 to index
          %get3A_215 = arith.constant 80 : index
          %get3A_216 = tpu.vector_load %arg12[%get3A_214, %get3A_215] {strides = array<i32>} : memref<32x128xf32, #tpu.memory_space<vmem>>, vector<1x16xf32>,
          %get3A_217 = vector.shape_cast %get3A_216 : vector<1x16xf32> to vector<16xf32>
          %get3A_218 = arith.index_cast %add3A_162 : i32 to index
          %get3A_219 = arith.constant 96 : index
          %get3A_220 = tpu.vector_load %arg12[%get3A_218, %get3A_219] {strides = array<i32>} : memref<32x128xf32, #tpu.memory_space<vmem>>, vector<1x16xf32>,
          %get3A_221 = vector.shape_cast %get3A_220 : vector<1x16xf32> to vector<16xf32>
          %get3A_222 = arith.index_cast %add3A_162 : i32 to index
          %get3A_223 = arith.constant 112 : index
          %get3A_224 = tpu.vector_load %arg12[%get3A_222, %get3A_223] {strides = array<i32>} : memref<32x128xf32, #tpu.memory_space<vmem>>, vector<1x16xf32>,
          %get3A_225 = vector.shape_cast %get3A_224 : vector<1x16xf32> to vector<16xf32>
          %get3A_226 = arith.index_cast %add3A_162 : i32 to index
          %get3A_227 = arith.constant 0 : index
          %get3A_228 = tpu.vector_load %arg13[%get3A_226, %get3A_227] {strides = array<i32>} : memref<32x128xf32, #tpu.memory_space<vmem>>, vector<1x16xf32>,
          %get3A_229 = vector.shape_cast %get3A_228 : vector<1x16xf32> to vector<16xf32>
          %get3A_230 = arith.index_cast %add3A_162 : i32 to index
          %get3A_231 = arith.constant 16 : index
          %get3A_232 = tpu.vector_load %arg13[%get3A_230, %get3A_231] {strides = array<i32>} : memref<32x128xf32, #tpu.memory_space<vmem>>, vector<1x16xf32>,
          %get3A_233 = vector.shape_cast %get3A_232 : vector<1x16xf32> to vector<16xf32>
          %get3A_234 = arith.index_cast %add3A_162 : i32 to index
          %get3A_235 = arith.constant 32 : index
          %get3A_236 = tpu.vector_load %arg13[%get3A_234, %get3A_235] {strides = array<i32>} : memref<32x128xf32, #tpu.memory_space<vmem>>, vector<1x16xf32>,
          %get3A_237 = vector.shape_cast %get3A_236 : vector<1x16xf32> to vector<16xf32>
          %get3A_238 = arith.index_cast %add3A_162 : i32 to index
          %get3A_239 = arith.constant 48 : index
          %get3A_240 = tpu.vector_load %arg13[%get3A_238, %get3A_239] {strides = array<i32>} : memref<32x128xf32, #tpu.memory_space<vmem>>, vector<1x16xf32>,
          %get3A_241 = vector.shape_cast %get3A_240 : vector<1x16xf32> to vector<16xf32>
          %get3A_242 = arith.index_cast %add3A_162 : i32 to index
          %get3A_243 = arith.constant 64 : index
          %get3A_244 = tpu.vector_load %arg13[%get3A_242, %get3A_243] {strides = array<i32>} : memref<32x128xf32, #tpu.memory_space<vmem>>, vector<1x16xf32>,
          %get3A_245 = vector.shape_cast %get3A_244 : vector<1x16xf32> to vector<16xf32>
          %get3A_246 = arith.index_cast %add3A_162 : i32 to index
          %get3A_247 = arith.constant 80 : index
          %get3A_248 = tpu.vector_load %arg13[%get3A_246, %get3A_247] {strides = array<i32>} : memref<32x128xf32, #tpu.memory_space<vmem>>, vector<1x16xf32>,
          %get3A_249 = vector.shape_cast %get3A_248 : vector<1x16xf32> to vector<16xf32>
          %get3A_250 = arith.index_cast %add3A_162 : i32 to index
          %get3A_251 = arith.constant 96 : index
          %get3A_252 = tpu.vector_load %arg13[%get3A_250, %get3A_251] {strides = array<i32>} : memref<32x128xf32, #tpu.memory_space<vmem>>, vector<1x16xf32>,
          %get3A_253 = vector.shape_cast %get3A_252 : vector<1x16xf32> to vector<16xf32>
          %get3A_254 = arith.index_cast %add3A_162 : i32 to index
          %get3A_255 = arith.constant 112 : index
          %get3A_256 = tpu.vector_load %arg13[%get3A_254, %get3A_255] {strides = array<i32>} : memref<32x128xf32, #tpu.memory_space<vmem>>, vector<1x16xf32>,
          %get3A_257 = vector.shape_cast %get3A_256 : vector<1x16xf32> to vector<16xf32>
          %mul3A_258 = arith.mulf %get3A_165, %get3A_165 : vector<16xf32>
          %mul3A_259 = arith.mulf %get3A_197, %get3A_197 : vector<16xf32>
          %mul3A_260 = arith.mulf %get3A_229, %get3A_229 : vector<16xf32>
          %mul3A_261 = arith.mulf %get3A_169, %get3A_169 : vector<16xf32>
          %add3A_262 = arith.addf %mul3A_258, %mul3A_261 : vector<16xf32>
          %mul3A_263 = arith.mulf %get3A_201, %get3A_201 : vector<16xf32>
          %add3A_264 = arith.addf %mul3A_259, %mul3A_263 : vector<16xf32>
          %mul3A_265 = arith.mulf %get3A_233, %get3A_233 : vector<16xf32>
          %add3A_266 = arith.addf %mul3A_260, %mul3A_265 : vector<16xf32>
          %mul3A_267 = arith.mulf %get3A_173, %get3A_173 : vector<16xf32>
          %add3A_268 = arith.addf %add3A_262, %mul3A_267 : vector<16xf32>
          %mul3A_269 = arith.mulf %get3A_205, %get3A_205 : vector<16xf32>
          %add3A_270 = arith.addf %add3A_264, %mul3A_269 : vector<16xf32>
          %mul3A_271 = arith.mulf %get3A_237, %get3A_237 : vector<16xf32>
          %add3A_272 = arith.addf %add3A_266, %mul3A_271 : vector<16xf32>
          %mul3A_273 = arith.mulf %get3A_177, %get3A_177 : vector<16xf32>
          %add3A_274 = arith.addf %add3A_268, %mul3A_273 : vector<16xf32>
          %mul3A_275 = arith.mulf %get3A_209, %get3A_209 : vector<16xf32>
          %add3A_276 = arith.addf %add3A_270, %mul3A_275 : vector<16xf32>
          %mul3A_277 = arith.mulf %get3A_241, %get3A_241 : vector<16xf32>
          %add3A_278 = arith.addf %add3A_272, %mul3A_277 : vector<16xf32>
          %mul3A_279 = arith.mulf %get3A_181, %get3A_181 : vector<16xf32>
          %add3A_280 = arith.addf %add3A_274, %mul3A_279 : vector<16xf32>
          %mul3A_281 = arith.mulf %get3A_213, %get3A_213 : vector<16xf32>
          %add3A_282 = arith.addf %add3A_276, %mul3A_281 : vector<16xf32>
          %mul3A_283 = arith.mulf %get3A_245, %get3A_245 : vector<16xf32>
          %add3A_284 = arith.addf %add3A_278, %mul3A_283 : vector<16xf32>
          %mul3A_285 = arith.mulf %get3A_185, %get3A_185 : vector<16xf32>
          %add3A_286 = arith.addf %add3A_280, %mul3A_285 : vector<16xf32>
          %mul3A_287 = arith.mulf %get3A_217, %get3A_217 : vector<16xf32>
          %add3A_288 = arith.addf %add3A_282, %mul3A_287 : vector<16xf32>
          %mul3A_289 = arith.mulf %get3A_249, %get3A_249 : vector<16xf32>
          %add3A_290 = arith.addf %add3A_284, %mul3A_289 : vector<16xf32>
          %mul3A_291 = arith.mulf %get3A_189, %get3A_189 : vector<16xf32>
          %add3A_292 = arith.addf %add3A_286, %mul3A_291 : vector<16xf32>
          %mul3A_293 = arith.mulf %get3A_221, %get3A_221 : vector<16xf32>
          %add3A_294 = arith.addf %add3A_288, %mul3A_293 : vector<16xf32>
          %mul3A_295 = arith.mulf %get3A_253, %get3A_253 : vector<16xf32>
          %add3A_296 = arith.addf %add3A_290, %mul3A_295 : vector<16xf32>
          %mul3A_297 = arith.mulf %get3A_193, %get3A_193 : vector<16xf32>
          %add3A_298 = arith.addf %add3A_292, %mul3A_297 : vector<16xf32>
          %mul3A_299 = arith.mulf %get3A_225, %get3A_225 : vector<16xf32>
          %add3A_300 = arith.addf %add3A_294, %mul3A_299 : vector<16xf32>
          %mul3A_301 = arith.mulf %get3A_257, %get3A_257 : vector<16xf32>
          %add3A_302 = arith.addf %add3A_296, %mul3A_301 : vector<16xf32>
          %xor3A = arith.constant 1 : i32
          %xor3A_303 = vector.broadcast %xor3A : i32 to vector<16xi32>
          %xor3A_304 = arith.xori %iota3A, %xor3A_303 : vector<16xi32>
          %lt3A = arith.constant 0 : i32
          %lt3A_305 = vector.broadcast %lt3A : i32 to vector<16xi32>
          %lt3A_306 = arith.cmpi slt, %xor3A_304, %lt3A_305 : vector<16xi32>
          %add3A_307 = arith.constant 16 : i32
          %add3A_308 = vector.broadcast %add3A_307 : i32 to vector<16xi32>
          %add3A_309 = arith.addi %xor3A_304, %add3A_308 : vector<16xi32>
          %select_n3A = arith.select %lt3A_306, %add3A_309, %xor3A_304 : vector<16xi1>, vector<16xi32>
          %broadcast_in_dim3A_310 = vector.shape_cast %select_n3A : vector<16xi32> to vector<16x1xi32>
          %gather3A = vector.shape_cast %broadcast_in_dim3A_310 : vector<16x1xi32> to vector<16xi32>
          %gather3A_311 = tpu.dynamic_gather %add3A_298[%gather3A] in [0] : vector<16xf32>, vector<16xi32> -> vector<16xf32>
          %add3A_312 = arith.addf %add3A_298, %gather3A_311 : vector<16xf32>
          %xor3A_313 = arith.constant 2 : i32
          %xor3A_314 = vector.broadcast %xor3A_313 : i32 to vector<16xi32>
          %xor3A_315 = arith.xori %iota3A, %xor3A_314 : vector<16xi32>
          %lt3A_316 = arith.constant 0 : i32
          %lt3A_317 = vector.broadcast %lt3A_316 : i32 to vector<16xi32>
          %lt3A_318 = arith.cmpi slt, %xor3A_315, %lt3A_317 : vector<16xi32>
          %add3A_319 = arith.constant 16 : i32
          %add3A_320 = vector.broadcast %add3A_319 : i32 to vector<16xi32>
          %add3A_321 = arith.addi %xor3A_315, %add3A_320 : vector<16xi32>
          %select_n3A_322 = arith.select %lt3A_318, %add3A_321, %xor3A_315 : vector<16xi1>, vector<16xi32>
          %broadcast_in_dim3A_323 = vector.shape_cast %select_n3A_322 : vector<16xi32> to vector<16x1xi32>
          %gather3A_324 = vector.shape_cast %broadcast_in_dim3A_323 : vector<16x1xi32> to vector<16xi32>
          %gather3A_325 = tpu.dynamic_gather %add3A_312[%gather3A_324] in [0] : vector<16xf32>, vector<16xi32> -> vector<16xf32>
          %add3A_326 = arith.addf %add3A_312, %gather3A_325 : vector<16xf32>
          %xor3A_327 = arith.constant 4 : i32
          %xor3A_328 = vector.broadcast %xor3A_327 : i32 to vector<16xi32>
          %xor3A_329 = arith.xori %iota3A, %xor3A_328 : vector<16xi32>
          %lt3A_330 = arith.constant 0 : i32
          %lt3A_331 = vector.broadcast %lt3A_330 : i32 to vector<16xi32>
          %lt3A_332 = arith.cmpi slt, %xor3A_329, %lt3A_331 : vector<16xi32>
          %add3A_333 = arith.constant 16 : i32
          %add3A_334 = vector.broadcast %add3A_333 : i32 to vector<16xi32>
          %add3A_335 = arith.addi %xor3A_329, %add3A_334 : vector<16xi32>
          %select_n3A_336 = arith.select %lt3A_332, %add3A_335, %xor3A_329 : vector<16xi1>, vector<16xi32>
          %broadcast_in_dim3A_337 = vector.shape_cast %select_n3A_336 : vector<16xi32> to vector<16x1xi32>
          %gather3A_338 = vector.shape_cast %broadcast_in_dim3A_337 : vector<16x1xi32> to vector<16xi32>
          %gather3A_339 = tpu.dynamic_gather %add3A_326[%gather3A_338] in [0] : vector<16xf32>, vector<16xi32> -> vector<16xf32>
          %add3A_340 = arith.addf %add3A_326, %gather3A_339 : vector<16xf32>
          %xor3A_341 = arith.constant 8 : i32
          %xor3A_342 = vector.broadcast %xor3A_341 : i32 to vector<16xi32>
          %xor3A_343 = arith.xori %iota3A, %xor3A_342 : vector<16xi32>
          %lt3A_344 = arith.constant 0 : i32
          %lt3A_345 = vector.broadcast %lt3A_344 : i32 to vector<16xi32>
          %lt3A_346 = arith.cmpi slt, %xor3A_343, %lt3A_345 : vector<16xi32>
          %add3A_347 = arith.constant 16 : i32
          %add3A_348 = vector.broadcast %add3A_347 : i32 to vector<16xi32>
          %add3A_349 = arith.addi %xor3A_343, %add3A_348 : vector<16xi32>
          %select_n3A_350 = arith.select %lt3A_346, %add3A_349, %xor3A_343 : vector<16xi1>, vector<16xi32>
          %broadcast_in_dim3A_351 = vector.shape_cast %select_n3A_350 : vector<16xi32> to vector<16x1xi32>
          %gather3A_352 = vector.shape_cast %broadcast_in_dim3A_351 : vector<16x1xi32> to vector<16xi32>
          %gather3A_353 = tpu.dynamic_gather %add3A_340[%gather3A_352] in [0] : vector<16xf32>, vector<16xi32> -> vector<16xf32>
          %add3A_354 = arith.addf %add3A_340, %gather3A_353 : vector<16xf32>
          %max3A = arith.constant 1.000000e-24 : f32
          %max3A_355 = vector.broadcast %max3A : f32 to vector<16xf32>
          %max3A_356 = arith.maximumf %add3A_354, %max3A_355 : vector<16xf32>
          %bitcast_convert_type3A = tpu.bitcast %max3A_356 : vector<16xf32> -> vector<16xi32>
          %shift_right_arithmetic3A = arith.constant 1 : i32
          %shift_right_arithmetic3A_357 = vector.broadcast %shift_right_arithmetic3A : i32 to vector<16xi32>
          %shift_right_arithmetic3A_358 = arith.shrsi %bitcast_convert_type3A, %shift_right_arithmetic3A_357 : vector<16xi32>
          %sub3A = arith.constant 1597463007 : i32
          %sub3A_359 = vector.broadcast %sub3A : i32 to vector<16xi32>
          %sub3A_360 = arith.subi %sub3A_359, %shift_right_arithmetic3A_358 : vector<16xi32>
          %bitcast_convert_type3A_361 = tpu.bitcast %sub3A_360 : vector<16xi32> -> vector<16xf32>
          %mul3A_362 = arith.constant 5.000000e-01 : f32
          %mul3A_363 = vector.broadcast %mul3A_362 : f32 to vector<16xf32>
          %mul3A_364 = arith.mulf %mul3A_363, %max3A_356 : vector<16xf32>
          %mul3A_365 = arith.mulf %mul3A_364, %bitcast_convert_type3A_361 : vector<16xf32>
          %mul3A_366 = arith.mulf %mul3A_365, %bitcast_convert_type3A_361 : vector<16xf32>
          %sub3A_367 = arith.constant 1.500000e+00 : f32
          %sub3A_368 = vector.broadcast %sub3A_367 : f32 to vector<16xf32>
          %sub3A_369 = arith.subf %sub3A_368, %mul3A_366 : vector<16xf32>
          %mul3A_370 = arith.mulf %bitcast_convert_type3A_361, %sub3A_369 : vector<16xf32>
          %xor3A_371 = arith.constant 1 : i32
          %xor3A_372 = vector.broadcast %xor3A_371 : i32 to vector<16xi32>
          %xor3A_373 = arith.xori %iota3A, %xor3A_372 : vector<16xi32>
          %lt3A_374 = arith.constant 0 : i32
          %lt3A_375 = vector.broadcast %lt3A_374 : i32 to vector<16xi32>
          %lt3A_376 = arith.cmpi slt, %xor3A_373, %lt3A_375 : vector<16xi32>
          %add3A_377 = arith.constant 16 : i32
          %add3A_378 = vector.broadcast %add3A_377 : i32 to vector<16xi32>
          %add3A_379 = arith.addi %xor3A_373, %add3A_378 : vector<16xi32>
          %select_n3A_380 = arith.select %lt3A_376, %add3A_379, %xor3A_373 : vector<16xi1>, vector<16xi32>
          %broadcast_in_dim3A_381 = vector.shape_cast %select_n3A_380 : vector<16xi32> to vector<16x1xi32>
          %gather3A_382 = vector.shape_cast %broadcast_in_dim3A_381 : vector<16x1xi32> to vector<16xi32>
          %gather3A_383 = tpu.dynamic_gather %add3A_300[%gather3A_382] in [0] : vector<16xf32>, vector<16xi32> -> vector<16xf32>
          %add3A_384 = arith.addf %add3A_300, %gather3A_383 : vector<16xf32>
          %xor3A_385 = arith.constant 2 : i32
          %xor3A_386 = vector.broadcast %xor3A_385 : i32 to vector<16xi32>
          %xor3A_387 = arith.xori %iota3A, %xor3A_386 : vector<16xi32>
          %lt3A_388 = arith.constant 0 : i32
          %lt3A_389 = vector.broadcast %lt3A_388 : i32 to vector<16xi32>
          %lt3A_390 = arith.cmpi slt, %xor3A_387, %lt3A_389 : vector<16xi32>
          %add3A_391 = arith.constant 16 : i32
          %add3A_392 = vector.broadcast %add3A_391 : i32 to vector<16xi32>
          %add3A_393 = arith.addi %xor3A_387, %add3A_392 : vector<16xi32>
          %select_n3A_394 = arith.select %lt3A_390, %add3A_393, %xor3A_387 : vector<16xi1>, vector<16xi32>
          %broadcast_in_dim3A_395 = vector.shape_cast %select_n3A_394 : vector<16xi32> to vector<16x1xi32>
          %gather3A_396 = vector.shape_cast %broadcast_in_dim3A_395 : vector<16x1xi32> to vector<16xi32>
          %gather3A_397 = tpu.dynamic_gather %add3A_384[%gather3A_396] in [0] : vector<16xf32>, vector<16xi32> -> vector<16xf32>
          %add3A_398 = arith.addf %add3A_384, %gather3A_397 : vector<16xf32>
          %xor3A_399 = arith.constant 4 : i32
          %xor3A_400 = vector.broadcast %xor3A_399 : i32 to vector<16xi32>
          %xor3A_401 = arith.xori %iota3A, %xor3A_400 : vector<16xi32>
          %lt3A_402 = arith.constant 0 : i32
          %lt3A_403 = vector.broadcast %lt3A_402 : i32 to vector<16xi32>
          %lt3A_404 = arith.cmpi slt, %xor3A_401, %lt3A_403 : vector<16xi32>
          %add3A_405 = arith.constant 16 : i32
          %add3A_406 = vector.broadcast %add3A_405 : i32 to vector<16xi32>
          %add3A_407 = arith.addi %xor3A_401, %add3A_406 : vector<16xi32>
          %select_n3A_408 = arith.select %lt3A_404, %add3A_407, %xor3A_401 : vector<16xi1>, vector<16xi32>
          %broadcast_in_dim3A_409 = vector.shape_cast %select_n3A_408 : vector<16xi32> to vector<16x1xi32>
          %gather3A_410 = vector.shape_cast %broadcast_in_dim3A_409 : vector<16x1xi32> to vector<16xi32>
          %gather3A_411 = tpu.dynamic_gather %add3A_398[%gather3A_410] in [0] : vector<16xf32>, vector<16xi32> -> vector<16xf32>
          %add3A_412 = arith.addf %add3A_398, %gather3A_411 : vector<16xf32>
          %xor3A_413 = arith.constant 8 : i32
          %xor3A_414 = vector.broadcast %xor3A_413 : i32 to vector<16xi32>
          %xor3A_415 = arith.xori %iota3A, %xor3A_414 : vector<16xi32>
          %lt3A_416 = arith.constant 0 : i32
          %lt3A_417 = vector.broadcast %lt3A_416 : i32 to vector<16xi32>
          %lt3A_418 = arith.cmpi slt, %xor3A_415, %lt3A_417 : vector<16xi32>
          %add3A_419 = arith.constant 16 : i32
          %add3A_420 = vector.broadcast %add3A_419 : i32 to vector<16xi32>
          %add3A_421 = arith.addi %xor3A_415, %add3A_420 : vector<16xi32>
          %select_n3A_422 = arith.select %lt3A_418, %add3A_421, %xor3A_415 : vector<16xi1>, vector<16xi32>
          %broadcast_in_dim3A_423 = vector.shape_cast %select_n3A_422 : vector<16xi32> to vector<16x1xi32>
          %gather3A_424 = vector.shape_cast %broadcast_in_dim3A_423 : vector<16x1xi32> to vector<16xi32>
          %gather3A_425 = tpu.dynamic_gather %add3A_412[%gather3A_424] in [0] : vector<16xf32>, vector<16xi32> -> vector<16xf32>
          %add3A_426 = arith.addf %add3A_412, %gather3A_425 : vector<16xf32>
          %max3A_427 = arith.constant 1.000000e-24 : f32
          %max3A_428 = vector.broadcast %max3A_427 : f32 to vector<16xf32>
          %max3A_429 = arith.maximumf %add3A_426, %max3A_428 : vector<16xf32>
          %bitcast_convert_type3A_430 = tpu.bitcast %max3A_429 : vector<16xf32> -> vector<16xi32>
          %shift_right_arithmetic3A_431 = arith.constant 1 : i32
          %shift_right_arithmetic3A_432 = vector.broadcast %shift_right_arithmetic3A_431 : i32 to vector<16xi32>
          %shift_right_arithmetic3A_433 = arith.shrsi %bitcast_convert_type3A_430, %shift_right_arithmetic3A_432 : vector<16xi32>
          %sub3A_434 = arith.constant 1597463007 : i32
          %sub3A_435 = vector.broadcast %sub3A_434 : i32 to vector<16xi32>
          %sub3A_436 = arith.subi %sub3A_435, %shift_right_arithmetic3A_433 : vector<16xi32>
          %bitcast_convert_type3A_437 = tpu.bitcast %sub3A_436 : vector<16xi32> -> vector<16xf32>
          %mul3A_438 = arith.constant 5.000000e-01 : f32
          %mul3A_439 = vector.broadcast %mul3A_438 : f32 to vector<16xf32>
          %mul3A_440 = arith.mulf %mul3A_439, %max3A_429 : vector<16xf32>
          %mul3A_441 = arith.mulf %mul3A_440, %bitcast_convert_type3A_437 : vector<16xf32>
          %mul3A_442 = arith.mulf %mul3A_441, %bitcast_convert_type3A_437 : vector<16xf32>
          %sub3A_443 = arith.constant 1.500000e+00 : f32
          %sub3A_444 = vector.broadcast %sub3A_443 : f32 to vector<16xf32>
          %sub3A_445 = arith.subf %sub3A_444, %mul3A_442 : vector<16xf32>
          %mul3A_446 = arith.mulf %bitcast_convert_type3A_437, %sub3A_445 : vector<16xf32>
          %xor3A_447 = arith.constant 1 : i32
          %xor3A_448 = vector.broadcast %xor3A_447 : i32 to vector<16xi32>
          %xor3A_449 = arith.xori %iota3A, %xor3A_448 : vector<16xi32>
          %lt3A_450 = arith.constant 0 : i32
          %lt3A_451 = vector.broadcast %lt3A_450 : i32 to vector<16xi32>
          %lt3A_452 = arith.cmpi slt, %xor3A_449, %lt3A_451 : vector<16xi32>
          %add3A_453 = arith.constant 16 : i32
          %add3A_454 = vector.broadcast %add3A_453 : i32 to vector<16xi32>
          %add3A_455 = arith.addi %xor3A_449, %add3A_454 : vector<16xi32>
          %select_n3A_456 = arith.select %lt3A_452, %add3A_455, %xor3A_449 : vector<16xi1>, vector<16xi32>
          %broadcast_in_dim3A_457 = vector.shape_cast %select_n3A_456 : vector<16xi32> to vector<16x1xi32>
          %gather3A_458 = vector.shape_cast %broadcast_in_dim3A_457 : vector<16x1xi32> to vector<16xi32>
          %gather3A_459 = tpu.dynamic_gather %add3A_302[%gather3A_458] in [0] : vector<16xf32>, vector<16xi32> -> vector<16xf32>
          %add3A_460 = arith.addf %add3A_302, %gather3A_459 : vector<16xf32>
          %xor3A_461 = arith.constant 2 : i32
          %xor3A_462 = vector.broadcast %xor3A_461 : i32 to vector<16xi32>
          %xor3A_463 = arith.xori %iota3A, %xor3A_462 : vector<16xi32>
          %lt3A_464 = arith.constant 0 : i32
          %lt3A_465 = vector.broadcast %lt3A_464 : i32 to vector<16xi32>
          %lt3A_466 = arith.cmpi slt, %xor3A_463, %lt3A_465 : vector<16xi32>
          %add3A_467 = arith.constant 16 : i32
          %add3A_468 = vector.broadcast %add3A_467 : i32 to vector<16xi32>
          %add3A_469 = arith.addi %xor3A_463, %add3A_468 : vector<16xi32>
          %select_n3A_470 = arith.select %lt3A_466, %add3A_469, %xor3A_463 : vector<16xi1>, vector<16xi32>
          %broadcast_in_dim3A_471 = vector.shape_cast %select_n3A_470 : vector<16xi32> to vector<16x1xi32>
          %gather3A_472 = vector.shape_cast %broadcast_in_dim3A_471 : vector<16x1xi32> to vector<16xi32>
          %gather3A_473 = tpu.dynamic_gather %add3A_460[%gather3A_472] in [0] : vector<16xf32>, vector<16xi32> -> vector<16xf32>
          %add3A_474 = arith.addf %add3A_460, %gather3A_473 : vector<16xf32>
          %xor3A_475 = arith.constant 4 : i32
          %xor3A_476 = vector.broadcast %xor3A_475 : i32 to vector<16xi32>
          %xor3A_477 = arith.xori %iota3A, %xor3A_476 : vector<16xi32>
          %lt3A_478 = arith.constant 0 : i32
          %lt3A_479 = vector.broadcast %lt3A_478 : i32 to vector<16xi32>
          %lt3A_480 = arith.cmpi slt, %xor3A_477, %lt3A_479 : vector<16xi32>
          %add3A_481 = arith.constant 16 : i32
          %add3A_482 = vector.broadcast %add3A_481 : i32 to vector<16xi32>
          %add3A_483 = arith.addi %xor3A_477, %add3A_482 : vector<16xi32>
          %select_n3A_484 = arith.select %lt3A_480, %add3A_483, %xor3A_477 : vector<16xi1>, vector<16xi32>
          %broadcast_in_dim3A_485 = vector.shape_cast %select_n3A_484 : vector<16xi32> to vector<16x1xi32>
          %gather3A_486 = vector.shape_cast %broadcast_in_dim3A_485 : vector<16x1xi32> to vector<16xi32>
          %gather3A_487 = tpu.dynamic_gather %add3A_474[%gather3A_486] in [0] : vector<16xf32>, vector<16xi32> -> vector<16xf32>
          %add3A_488 = arith.addf %add3A_474, %gather3A_487 : vector<16xf32>
          %xor3A_489 = arith.constant 8 : i32
          %xor3A_490 = vector.broadcast %xor3A_489 : i32 to vector<16xi32>
          %xor3A_491 = arith.xori %iota3A, %xor3A_490 : vector<16xi32>
          %lt3A_492 = arith.constant 0 : i32
          %lt3A_493 = vector.broadcast %lt3A_492 : i32 to vector<16xi32>
          %lt3A_494 = arith.cmpi slt, %xor3A_491, %lt3A_493 : vector<16xi32>
          %add3A_495 = arith.constant 16 : i32
          %add3A_496 = vector.broadcast %add3A_495 : i32 to vector<16xi32>
          %add3A_497 = arith.addi %xor3A_491, %add3A_496 : vector<16xi32>
          %select_n3A_498 = arith.select %lt3A_494, %add3A_497, %xor3A_491 : vector<16xi1>, vector<16xi32>
          %broadcast_in_dim3A_499 = vector.shape_cast %select_n3A_498 : vector<16xi32> to vector<16x1xi32>
          %gather3A_500 = vector.shape_cast %broadcast_in_dim3A_499 : vector<16x1xi32> to vector<16xi32>
          %gather3A_501 = tpu.dynamic_gather %add3A_488[%gather3A_500] in [0] : vector<16xf32>, vector<16xi32> -> vector<16xf32>
          %add3A_502 = arith.addf %add3A_488, %gather3A_501 : vector<16xf32>
          %max3A_503 = arith.constant 1.000000e-24 : f32
          %max3A_504 = vector.broadcast %max3A_503 : f32 to vector<16xf32>
          %max3A_505 = arith.maximumf %add3A_502, %max3A_504 : vector<16xf32>
          %bitcast_convert_type3A_506 = tpu.bitcast %max3A_505 : vector<16xf32> -> vector<16xi32>
          %shift_right_arithmetic3A_507 = arith.constant 1 : i32
          %shift_right_arithmetic3A_508 = vector.broadcast %shift_right_arithmetic3A_507 : i32 to vector<16xi32>
          %shift_right_arithmetic3A_509 = arith.shrsi %bitcast_convert_type3A_506, %shift_right_arithmetic3A_508 : vector<16xi32>
          %sub3A_510 = arith.constant 1597463007 : i32
          %sub3A_511 = vector.broadcast %sub3A_510 : i32 to vector<16xi32>
          %sub3A_512 = arith.subi %sub3A_511, %shift_right_arithmetic3A_509 : vector<16xi32>
          %bitcast_convert_type3A_513 = tpu.bitcast %sub3A_512 : vector<16xi32> -> vector<16xf32>
          %mul3A_514 = arith.constant 5.000000e-01 : f32
          %mul3A_515 = vector.broadcast %mul3A_514 : f32 to vector<16xf32>
          %mul3A_516 = arith.mulf %mul3A_515, %max3A_505 : vector<16xf32>
          %mul3A_517 = arith.mulf %mul3A_516, %bitcast_convert_type3A_513 : vector<16xf32>
          %mul3A_518 = arith.mulf %mul3A_517, %bitcast_convert_type3A_513 : vector<16xf32>
          %sub3A_519 = arith.constant 1.500000e+00 : f32
          %sub3A_520 = vector.broadcast %sub3A_519 : f32 to vector<16xf32>
          %sub3A_521 = arith.subf %sub3A_520, %mul3A_518 : vector<16xf32>
          %mul3A_522 = arith.mulf %bitcast_convert_type3A_513, %sub3A_521 : vector<16xf32>
          %mul3A_523 = arith.mulf %get3A_165, %mul3A_370 : vector<16xf32>
          %mul3A_524 = arith.mulf %get3A_197, %mul3A_446 : vector<16xf32>
          %add3A_525 = arith.addf %mul3A_523, %mul3A_524 : vector<16xf32>
          %mul3A_526 = arith.mulf %get3A_229, %mul3A_522 : vector<16xf32>
          %sub3A_527 = arith.subf %add3A_525, %mul3A_526 : vector<16xf32>
          %abs3A = math.absf %sub3A_527 : vector<16xf32>
          %mul3A_528 = arith.mulf %get3A_169, %mul3A_370 : vector<16xf32>
          %mul3A_529 = arith.mulf %get3A_201, %mul3A_446 : vector<16xf32>
          %add3A_530 = arith.addf %mul3A_528, %mul3A_529 : vector<16xf32>
          %mul3A_531 = arith.mulf %get3A_233, %mul3A_522 : vector<16xf32>
          %sub3A_532 = arith.subf %add3A_530, %mul3A_531 : vector<16xf32>
          %abs3A_533 = math.absf %sub3A_532 : vector<16xf32>
          %add3A_534 = arith.addf %abs3A, %abs3A_533 : vector<16xf32>
          %mul3A_535 = arith.mulf %get3A_173, %mul3A_370 : vector<16xf32>
          %mul3A_536 = arith.mulf %get3A_205, %mul3A_446 : vector<16xf32>
          %add3A_537 = arith.addf %mul3A_535, %mul3A_536 : vector<16xf32>
          %mul3A_538 = arith.mulf %get3A_237, %mul3A_522 : vector<16xf32>
          %sub3A_539 = arith.subf %add3A_537, %mul3A_538 : vector<16xf32>
          %abs3A_540 = math.absf %sub3A_539 : vector<16xf32>
          %add3A_541 = arith.addf %add3A_534, %abs3A_540 : vector<16xf32>
          %mul3A_542 = arith.mulf %get3A_177, %mul3A_370 : vector<16xf32>
          %mul3A_543 = arith.mulf %get3A_209, %mul3A_446 : vector<16xf32>
          %add3A_544 = arith.addf %mul3A_542, %mul3A_543 : vector<16xf32>
          %mul3A_545 = arith.mulf %get3A_241, %mul3A_522 : vector<16xf32>
          %sub3A_546 = arith.subf %add3A_544, %mul3A_545 : vector<16xf32>
          %abs3A_547 = math.absf %sub3A_546 : vector<16xf32>
          %add3A_548 = arith.addf %add3A_541, %abs3A_547 : vector<16xf32>
          %mul3A_549 = arith.mulf %get3A_181, %mul3A_370 : vector<16xf32>
          %mul3A_550 = arith.mulf %get3A_213, %mul3A_446 : vector<16xf32>
          %add3A_551 = arith.addf %mul3A_549, %mul3A_550 : vector<16xf32>
          %mul3A_552 = arith.mulf %get3A_245, %mul3A_522 : vector<16xf32>
          %sub3A_553 = arith.subf %add3A_551, %mul3A_552 : vector<16xf32>
          %abs3A_554 = math.absf %sub3A_553 : vector<16xf32>
          %add3A_555 = arith.addf %add3A_548, %abs3A_554 : vector<16xf32>
          %mul3A_556 = arith.mulf %get3A_185, %mul3A_370 : vector<16xf32>
          %mul3A_557 = arith.mulf %get3A_217, %mul3A_446 : vector<16xf32>
          %add3A_558 = arith.addf %mul3A_556, %mul3A_557 : vector<16xf32>
          %mul3A_559 = arith.mulf %get3A_249, %mul3A_522 : vector<16xf32>
          %sub3A_560 = arith.subf %add3A_558, %mul3A_559 : vector<16xf32>
          %abs3A_561 = math.absf %sub3A_560 : vector<16xf32>
          %add3A_562 = arith.addf %add3A_555, %abs3A_561 : vector<16xf32>
          %mul3A_563 = arith.mulf %get3A_189, %mul3A_370 : vector<16xf32>
          %mul3A_564 = arith.mulf %get3A_221, %mul3A_446 : vector<16xf32>
          %add3A_565 = arith.addf %mul3A_563, %mul3A_564 : vector<16xf32>
          %mul3A_566 = arith.mulf %get3A_253, %mul3A_522 : vector<16xf32>
          %sub3A_567 = arith.subf %add3A_565, %mul3A_566 : vector<16xf32>
          %abs3A_568 = math.absf %sub3A_567 : vector<16xf32>
          %add3A_569 = arith.addf %add3A_562, %abs3A_568 : vector<16xf32>
          %mul3A_570 = arith.mulf %get3A_193, %mul3A_370 : vector<16xf32>
          %mul3A_571 = arith.mulf %get3A_225, %mul3A_446 : vector<16xf32>
          %add3A_572 = arith.addf %mul3A_570, %mul3A_571 : vector<16xf32>
          %mul3A_573 = arith.mulf %get3A_257, %mul3A_522 : vector<16xf32>
          %sub3A_574 = arith.subf %add3A_572, %mul3A_573 : vector<16xf32>
          %abs3A_575 = math.absf %sub3A_574 : vector<16xf32>
          %add3A_576 = arith.addf %add3A_569, %abs3A_575 : vector<16xf32>
          %xor3A_577 = arith.constant 1 : i32
          %xor3A_578 = vector.broadcast %xor3A_577 : i32 to vector<16xi32>
          %xor3A_579 = arith.xori %iota3A, %xor3A_578 : vector<16xi32>
          %lt3A_580 = arith.constant 0 : i32
          %lt3A_581 = vector.broadcast %lt3A_580 : i32 to vector<16xi32>
          %lt3A_582 = arith.cmpi slt, %xor3A_579, %lt3A_581 : vector<16xi32>
          %add3A_583 = arith.constant 16 : i32
          %add3A_584 = vector.broadcast %add3A_583 : i32 to vector<16xi32>
          %add3A_585 = arith.addi %xor3A_579, %add3A_584 : vector<16xi32>
          %select_n3A_586 = arith.select %lt3A_582, %add3A_585, %xor3A_579 : vector<16xi1>, vector<16xi32>
          %broadcast_in_dim3A_587 = vector.shape_cast %select_n3A_586 : vector<16xi32> to vector<16x1xi32>
          %gather3A_588 = vector.shape_cast %broadcast_in_dim3A_587 : vector<16x1xi32> to vector<16xi32>
          %gather3A_589 = tpu.dynamic_gather %add3A_576[%gather3A_588] in [0] : vector<16xf32>, vector<16xi32> -> vector<16xf32>
          %add3A_590 = arith.addf %add3A_576, %gather3A_589 : vector<16xf32>
          %xor3A_591 = arith.constant 2 : i32
          %xor3A_592 = vector.broadcast %xor3A_591 : i32 to vector<16xi32>
          %xor3A_593 = arith.xori %iota3A, %xor3A_592 : vector<16xi32>
          %lt3A_594 = arith.constant 0 : i32
          %lt3A_595 = vector.broadcast %lt3A_594 : i32 to vector<16xi32>
          %lt3A_596 = arith.cmpi slt, %xor3A_593, %lt3A_595 : vector<16xi32>
          %add3A_597 = arith.constant 16 : i32
          %add3A_598 = vector.broadcast %add3A_597 : i32 to vector<16xi32>
          %add3A_599 = arith.addi %xor3A_593, %add3A_598 : vector<16xi32>
          %select_n3A_600 = arith.select %lt3A_596, %add3A_599, %xor3A_593 : vector<16xi1>, vector<16xi32>
          %broadcast_in_dim3A_601 = vector.shape_cast %select_n3A_600 : vector<16xi32> to vector<16x1xi32>
          %gather3A_602 = vector.shape_cast %broadcast_in_dim3A_601 : vector<16x1xi32> to vector<16xi32>
          %gather3A_603 = tpu.dynamic_gather %add3A_590[%gather3A_602] in [0] : vector<16xf32>, vector<16xi32> -> vector<16xf32>
          %add3A_604 = arith.addf %add3A_590, %gather3A_603 : vector<16xf32>
          %xor3A_605 = arith.constant 4 : i32
          %xor3A_606 = vector.broadcast %xor3A_605 : i32 to vector<16xi32>
          %xor3A_607 = arith.xori %iota3A, %xor3A_606 : vector<16xi32>
          %lt3A_608 = arith.constant 0 : i32
          %lt3A_609 = vector.broadcast %lt3A_608 : i32 to vector<16xi32>
          %lt3A_610 = arith.cmpi slt, %xor3A_607, %lt3A_609 : vector<16xi32>
          %add3A_611 = arith.constant 16 : i32
          %add3A_612 = vector.broadcast %add3A_611 : i32 to vector<16xi32>
          %add3A_613 = arith.addi %xor3A_607, %add3A_612 : vector<16xi32>
          %select_n3A_614 = arith.select %lt3A_610, %add3A_613, %xor3A_607 : vector<16xi1>, vector<16xi32>
          %broadcast_in_dim3A_615 = vector.shape_cast %select_n3A_614 : vector<16xi32> to vector<16x1xi32>
          %gather3A_616 = vector.shape_cast %broadcast_in_dim3A_615 : vector<16x1xi32> to vector<16xi32>
          %gather3A_617 = tpu.dynamic_gather %add3A_604[%gather3A_616] in [0] : vector<16xf32>, vector<16xi32> -> vector<16xf32>
          %add3A_618 = arith.addf %add3A_604, %gather3A_617 : vector<16xf32>
          %xor3A_619 = arith.constant 8 : i32
          %xor3A_620 = vector.broadcast %xor3A_619 : i32 to vector<16xi32>
          %xor3A_621 = arith.xori %iota3A, %xor3A_620 : vector<16xi32>
          %lt3A_622 = arith.constant 0 : i32
          %lt3A_623 = vector.broadcast %lt3A_622 : i32 to vector<16xi32>
          %lt3A_624 = arith.cmpi slt, %xor3A_621, %lt3A_623 : vector<16xi32>
          %add3A_625 = arith.constant 16 : i32
          %add3A_626 = vector.broadcast %add3A_625 : i32 to vector<16xi32>
          %add3A_627 = arith.addi %xor3A_621, %add3A_626 : vector<16xi32>
          %select_n3A_628 = arith.select %lt3A_624, %add3A_627, %xor3A_621 : vector<16xi1>, vector<16xi32>
          %broadcast_in_dim3A_629 = vector.shape_cast %select_n3A_628 : vector<16xi32> to vector<16x1xi32>
          %gather3A_630 = vector.shape_cast %broadcast_in_dim3A_629 : vector<16x1xi32> to vector<16xi32>
          %gather3A_631 = tpu.dynamic_gather %add3A_618[%gather3A_630] in [0] : vector<16xf32>, vector<16xi32> -> vector<16xf32>
          %add3A_632 = arith.addf %add3A_618, %gather3A_631 : vector<16xf32>
          %mul3A_633 = arith.constant 16 : i32
          %mul3A_634 = arith.muli %add3A_139, %mul3A_633 : i32
          %add3A_635 = arith.addi %mul3A_634, %add3A_159 : i32
          %add3A_636 = arith.constant 1 : i32
          %add3A_637 = arith.addi %add3A_635, %add3A_636 : i32
          %get3A_638 = arith.index_cast %add3A_637 : i32 to index
          %get3A_639 = arith.constant 0 : index
          %get3A_640 = tpu.vector_load %arg11[%get3A_638, %get3A_639] {strides = array<i32>} : memref<32x128xf32, #tpu.memory_space<vmem>>, vector<1x16xf32>,
          %get3A_641 = vector.shape_cast %get3A_640 : vector<1x16xf32> to vector<16xf32>
          %get3A_642 = arith.index_cast %add3A_637 : i32 to index
          %get3A_643 = arith.constant 16 : index
          %get3A_644 = tpu.vector_load %arg11[%get3A_642, %get3A_643] {strides = array<i32>} : memref<32x128xf32, #tpu.memory_space<vmem>>, vector<1x16xf32>,
          %get3A_645 = vector.shape_cast %get3A_644 : vector<1x16xf32> to vector<16xf32>
          %get3A_646 = arith.index_cast %add3A_637 : i32 to index
          %get3A_647 = arith.constant 32 : index
          %get3A_648 = tpu.vector_load %arg11[%get3A_646, %get3A_647] {strides = array<i32>} : memref<32x128xf32, #tpu.memory_space<vmem>>, vector<1x16xf32>,
          %get3A_649 = vector.shape_cast %get3A_648 : vector<1x16xf32> to vector<16xf32>
          %get3A_650 = arith.index_cast %add3A_637 : i32 to index
          %get3A_651 = arith.constant 48 : index
          %get3A_652 = tpu.vector_load %arg11[%get3A_650, %get3A_651] {strides = array<i32>} : memref<32x128xf32, #tpu.memory_space<vmem>>, vector<1x16xf32>,
          %get3A_653 = vector.shape_cast %get3A_652 : vector<1x16xf32> to vector<16xf32>
          %get3A_654 = arith.index_cast %add3A_637 : i32 to index
          %get3A_655 = arith.constant 64 : index
          %get3A_656 = tpu.vector_load %arg11[%get3A_654, %get3A_655] {strides = array<i32>} : memref<32x128xf32, #tpu.memory_space<vmem>>, vector<1x16xf32>,
          %get3A_657 = vector.shape_cast %get3A_656 : vector<1x16xf32> to vector<16xf32>
          %get3A_658 = arith.index_cast %add3A_637 : i32 to index
          %get3A_659 = arith.constant 80 : index
          %get3A_660 = tpu.vector_load %arg11[%get3A_658, %get3A_659] {strides = array<i32>} : memref<32x128xf32, #tpu.memory_space<vmem>>, vector<1x16xf32>,
          %get3A_661 = vector.shape_cast %get3A_660 : vector<1x16xf32> to vector<16xf32>
          %get3A_662 = arith.index_cast %add3A_637 : i32 to index
          %get3A_663 = arith.constant 96 : index
          %get3A_664 = tpu.vector_load %arg11[%get3A_662, %get3A_663] {strides = array<i32>} : memref<32x128xf32, #tpu.memory_space<vmem>>, vector<1x16xf32>,
          %get3A_665 = vector.shape_cast %get3A_664 : vector<1x16xf32> to vector<16xf32>
          %get3A_666 = arith.index_cast %add3A_637 : i32 to index
          %get3A_667 = arith.constant 112 : index
          %get3A_668 = tpu.vector_load %arg11[%get3A_666, %get3A_667] {strides = array<i32>} : memref<32x128xf32, #tpu.memory_space<vmem>>, vector<1x16xf32>,
          %get3A_669 = vector.shape_cast %get3A_668 : vector<1x16xf32> to vector<16xf32>
          %get3A_670 = arith.index_cast %add3A_637 : i32 to index
          %get3A_671 = arith.constant 0 : index
          %get3A_672 = tpu.vector_load %arg12[%get3A_670, %get3A_671] {strides = array<i32>} : memref<32x128xf32, #tpu.memory_space<vmem>>, vector<1x16xf32>,
          %get3A_673 = vector.shape_cast %get3A_672 : vector<1x16xf32> to vector<16xf32>
          %get3A_674 = arith.index_cast %add3A_637 : i32 to index
          %get3A_675 = arith.constant 16 : index
          %get3A_676 = tpu.vector_load %arg12[%get3A_674, %get3A_675] {strides = array<i32>} : memref<32x128xf32, #tpu.memory_space<vmem>>, vector<1x16xf32>,
          %get3A_677 = vector.shape_cast %get3A_676 : vector<1x16xf32> to vector<16xf32>
          %get3A_678 = arith.index_cast %add3A_637 : i32 to index
          %get3A_679 = arith.constant 32 : index
          %get3A_680 = tpu.vector_load %arg12[%get3A_678, %get3A_679] {strides = array<i32>} : memref<32x128xf32, #tpu.memory_space<vmem>>, vector<1x16xf32>,
          %get3A_681 = vector.shape_cast %get3A_680 : vector<1x16xf32> to vector<16xf32>
          %get3A_682 = arith.index_cast %add3A_637 : i32 to index
          %get3A_683 = arith.constant 48 : index
          %get3A_684 = tpu.vector_load %arg12[%get3A_682, %get3A_683] {strides = array<i32>} : memref<32x128xf32, #tpu.memory_space<vmem>>, vector<1x16xf32>,
          %get3A_685 = vector.shape_cast %get3A_684 : vector<1x16xf32> to vector<16xf32>
          %get3A_686 = arith.index_cast %add3A_637 : i32 to index
          %get3A_687 = arith.constant 64 : index
          %get3A_688 = tpu.vector_load %arg12[%get3A_686, %get3A_687] {strides = array<i32>} : memref<32x128xf32, #tpu.memory_space<vmem>>, vector<1x16xf32>,
          %get3A_689 = vector.shape_cast %get3A_688 : vector<1x16xf32> to vector<16xf32>
          %get3A_690 = arith.index_cast %add3A_637 : i32 to index
          %get3A_691 = arith.constant 80 : index
          %get3A_692 = tpu.vector_load %arg12[%get3A_690, %get3A_691] {strides = array<i32>} : memref<32x128xf32, #tpu.memory_space<vmem>>, vector<1x16xf32>,
          %get3A_693 = vector.shape_cast %get3A_692 : vector<1x16xf32> to vector<16xf32>
          %get3A_694 = arith.index_cast %add3A_637 : i32 to index
          %get3A_695 = arith.constant 96 : index
          %get3A_696 = tpu.vector_load %arg12[%get3A_694, %get3A_695] {strides = array<i32>} : memref<32x128xf32, #tpu.memory_space<vmem>>, vector<1x16xf32>,
          %get3A_697 = vector.shape_cast %get3A_696 : vector<1x16xf32> to vector<16xf32>
          %get3A_698 = arith.index_cast %add3A_637 : i32 to index
          %get3A_699 = arith.constant 112 : index
          %get3A_700 = tpu.vector_load %arg12[%get3A_698, %get3A_699] {strides = array<i32>} : memref<32x128xf32, #tpu.memory_space<vmem>>, vector<1x16xf32>,
          %get3A_701 = vector.shape_cast %get3A_700 : vector<1x16xf32> to vector<16xf32>
          %get3A_702 = arith.index_cast %add3A_637 : i32 to index
          %get3A_703 = arith.constant 0 : index
          %get3A_704 = tpu.vector_load %arg13[%get3A_702, %get3A_703] {strides = array<i32>} : memref<32x128xf32, #tpu.memory_space<vmem>>, vector<1x16xf32>,
          %get3A_705 = vector.shape_cast %get3A_704 : vector<1x16xf32> to vector<16xf32>
          %get3A_706 = arith.index_cast %add3A_637 : i32 to index
          %get3A_707 = arith.constant 16 : index
          %get3A_708 = tpu.vector_load %arg13[%get3A_706, %get3A_707] {strides = array<i32>} : memref<32x128xf32, #tpu.memory_space<vmem>>, vector<1x16xf32>,
          %get3A_709 = vector.shape_cast %get3A_708 : vector<1x16xf32> to vector<16xf32>
          %get3A_710 = arith.index_cast %add3A_637 : i32 to index
          %get3A_711 = arith.constant 32 : index
          %get3A_712 = tpu.vector_load %arg13[%get3A_710, %get3A_711] {strides = array<i32>} : memref<32x128xf32, #tpu.memory_space<vmem>>, vector<1x16xf32>,
          %get3A_713 = vector.shape_cast %get3A_712 : vector<1x16xf32> to vector<16xf32>
          %get3A_714 = arith.index_cast %add3A_637 : i32 to index
          %get3A_715 = arith.constant 48 : index
          %get3A_716 = tpu.vector_load %arg13[%get3A_714, %get3A_715] {strides = array<i32>} : memref<32x128xf32, #tpu.memory_space<vmem>>, vector<1x16xf32>,
          %get3A_717 = vector.shape_cast %get3A_716 : vector<1x16xf32> to vector<16xf32>
          %get3A_718 = arith.index_cast %add3A_637 : i32 to index
          %get3A_719 = arith.constant 64 : index
          %get3A_720 = tpu.vector_load %arg13[%get3A_718, %get3A_719] {strides = array<i32>} : memref<32x128xf32, #tpu.memory_space<vmem>>, vector<1x16xf32>,
          %get3A_721 = vector.shape_cast %get3A_720 : vector<1x16xf32> to vector<16xf32>
          %get3A_722 = arith.index_cast %add3A_637 : i32 to index
          %get3A_723 = arith.constant 80 : index
          %get3A_724 = tpu.vector_load %arg13[%get3A_722, %get3A_723] {strides = array<i32>} : memref<32x128xf32, #tpu.memory_space<vmem>>, vector<1x16xf32>,
          %get3A_725 = vector.shape_cast %get3A_724 : vector<1x16xf32> to vector<16xf32>
          %get3A_726 = arith.index_cast %add3A_637 : i32 to index
          %get3A_727 = arith.constant 96 : index
          %get3A_728 = tpu.vector_load %arg13[%get3A_726, %get3A_727] {strides = array<i32>} : memref<32x128xf32, #tpu.memory_space<vmem>>, vector<1x16xf32>,
          %get3A_729 = vector.shape_cast %get3A_728 : vector<1x16xf32> to vector<16xf32>
          %get3A_730 = arith.index_cast %add3A_637 : i32 to index
          %get3A_731 = arith.constant 112 : index
          %get3A_732 = tpu.vector_load %arg13[%get3A_730, %get3A_731] {strides = array<i32>} : memref<32x128xf32, #tpu.memory_space<vmem>>, vector<1x16xf32>,
          %get3A_733 = vector.shape_cast %get3A_732 : vector<1x16xf32> to vector<16xf32>
          %mul3A_734 = arith.mulf %get3A_641, %get3A_641 : vector<16xf32>
          %mul3A_735 = arith.mulf %get3A_673, %get3A_673 : vector<16xf32>
          %mul3A_736 = arith.mulf %get3A_705, %get3A_705 : vector<16xf32>
          %mul3A_737 = arith.mulf %get3A_645, %get3A_645 : vector<16xf32>
          %add3A_738 = arith.addf %mul3A_734, %mul3A_737 : vector<16xf32>
          %mul3A_739 = arith.mulf %get3A_677, %get3A_677 : vector<16xf32>
          %add3A_740 = arith.addf %mul3A_735, %mul3A_739 : vector<16xf32>
          %mul3A_741 = arith.mulf %get3A_709, %get3A_709 : vector<16xf32>
          %add3A_742 = arith.addf %mul3A_736, %mul3A_741 : vector<16xf32>
          %mul3A_743 = arith.mulf %get3A_649, %get3A_649 : vector<16xf32>
          %add3A_744 = arith.addf %add3A_738, %mul3A_743 : vector<16xf32>
          %mul3A_745 = arith.mulf %get3A_681, %get3A_681 : vector<16xf32>
          %add3A_746 = arith.addf %add3A_740, %mul3A_745 : vector<16xf32>
          %mul3A_747 = arith.mulf %get3A_713, %get3A_713 : vector<16xf32>
          %add3A_748 = arith.addf %add3A_742, %mul3A_747 : vector<16xf32>
          %mul3A_749 = arith.mulf %get3A_653, %get3A_653 : vector<16xf32>
          %add3A_750 = arith.addf %add3A_744, %mul3A_749 : vector<16xf32>
          %mul3A_751 = arith.mulf %get3A_685, %get3A_685 : vector<16xf32>
          %add3A_752 = arith.addf %add3A_746, %mul3A_751 : vector<16xf32>
          %mul3A_753 = arith.mulf %get3A_717, %get3A_717 : vector<16xf32>
          %add3A_754 = arith.addf %add3A_748, %mul3A_753 : vector<16xf32>
          %mul3A_755 = arith.mulf %get3A_657, %get3A_657 : vector<16xf32>
          %add3A_756 = arith.addf %add3A_750, %mul3A_755 : vector<16xf32>
          %mul3A_757 = arith.mulf %get3A_689, %get3A_689 : vector<16xf32>
          %add3A_758 = arith.addf %add3A_752, %mul3A_757 : vector<16xf32>
          %mul3A_759 = arith.mulf %get3A_721, %get3A_721 : vector<16xf32>
          %add3A_760 = arith.addf %add3A_754, %mul3A_759 : vector<16xf32>
          %mul3A_761 = arith.mulf %get3A_661, %get3A_661 : vector<16xf32>
          %add3A_762 = arith.addf %add3A_756, %mul3A_761 : vector<16xf32>
          %mul3A_763 = arith.mulf %get3A_693, %get3A_693 : vector<16xf32>
          %add3A_764 = arith.addf %add3A_758, %mul3A_763 : vector<16xf32>
          %mul3A_765 = arith.mulf %get3A_725, %get3A_725 : vector<16xf32>
          %add3A_766 = arith.addf %add3A_760, %mul3A_765 : vector<16xf32>
          %mul3A_767 = arith.mulf %get3A_665, %get3A_665 : vector<16xf32>
          %add3A_768 = arith.addf %add3A_762, %mul3A_767 : vector<16xf32>
          %mul3A_769 = arith.mulf %get3A_697, %get3A_697 : vector<16xf32>
          %add3A_770 = arith.addf %add3A_764, %mul3A_769 : vector<16xf32>
          %mul3A_771 = arith.mulf %get3A_729, %get3A_729 : vector<16xf32>
          %add3A_772 = arith.addf %add3A_766, %mul3A_771 : vector<16xf32>
          %mul3A_773 = arith.mulf %get3A_669, %get3A_669 : vector<16xf32>
          %add3A_774 = arith.addf %add3A_768, %mul3A_773 : vector<16xf32>
          %mul3A_775 = arith.mulf %get3A_701, %get3A_701 : vector<16xf32>
          %add3A_776 = arith.addf %add3A_770, %mul3A_775 : vector<16xf32>
          %mul3A_777 = arith.mulf %get3A_733, %get3A_733 : vector<16xf32>
          %add3A_778 = arith.addf %add3A_772, %mul3A_777 : vector<16xf32>
          %xor3A_779 = arith.constant 1 : i32
          %xor3A_780 = vector.broadcast %xor3A_779 : i32 to vector<16xi32>
          %xor3A_781 = arith.xori %iota3A, %xor3A_780 : vector<16xi32>
          %lt3A_782 = arith.constant 0 : i32
          %lt3A_783 = vector.broadcast %lt3A_782 : i32 to vector<16xi32>
          %lt3A_784 = arith.cmpi slt, %xor3A_781, %lt3A_783 : vector<16xi32>
          %add3A_785 = arith.constant 16 : i32
          %add3A_786 = vector.broadcast %add3A_785 : i32 to vector<16xi32>
          %add3A_787 = arith.addi %xor3A_781, %add3A_786 : vector<16xi32>
          %select_n3A_788 = arith.select %lt3A_784, %add3A_787, %xor3A_781 : vector<16xi1>, vector<16xi32>
          %broadcast_in_dim3A_789 = vector.shape_cast %select_n3A_788 : vector<16xi32> to vector<16x1xi32>
          %gather3A_790 = vector.shape_cast %broadcast_in_dim3A_789 : vector<16x1xi32> to vector<16xi32>
          %gather3A_791 = tpu.dynamic_gather %add3A_774[%gather3A_790] in [0] : vector<16xf32>, vector<16xi32> -> vector<16xf32>
          %add3A_792 = arith.addf %add3A_774, %gather3A_791 : vector<16xf32>
          %xor3A_793 = arith.constant 2 : i32
          %xor3A_794 = vector.broadcast %xor3A_793 : i32 to vector<16xi32>
          %xor3A_795 = arith.xori %iota3A, %xor3A_794 : vector<16xi32>
          %lt3A_796 = arith.constant 0 : i32
          %lt3A_797 = vector.broadcast %lt3A_796 : i32 to vector<16xi32>
          %lt3A_798 = arith.cmpi slt, %xor3A_795, %lt3A_797 : vector<16xi32>
          %add3A_799 = arith.constant 16 : i32
          %add3A_800 = vector.broadcast %add3A_799 : i32 to vector<16xi32>
          %add3A_801 = arith.addi %xor3A_795, %add3A_800 : vector<16xi32>
          %select_n3A_802 = arith.select %lt3A_798, %add3A_801, %xor3A_795 : vector<16xi1>, vector<16xi32>
          %broadcast_in_dim3A_803 = vector.shape_cast %select_n3A_802 : vector<16xi32> to vector<16x1xi32>
          %gather3A_804 = vector.shape_cast %broadcast_in_dim3A_803 : vector<16x1xi32> to vector<16xi32>
          %gather3A_805 = tpu.dynamic_gather %add3A_792[%gather3A_804] in [0] : vector<16xf32>, vector<16xi32> -> vector<16xf32>
          %add3A_806 = arith.addf %add3A_792, %gather3A_805 : vector<16xf32>
          %xor3A_807 = arith.constant 4 : i32
          %xor3A_808 = vector.broadcast %xor3A_807 : i32 to vector<16xi32>
          %xor3A_809 = arith.xori %iota3A, %xor3A_808 : vector<16xi32>
          %lt3A_810 = arith.constant 0 : i32
          %lt3A_811 = vector.broadcast %lt3A_810 : i32 to vector<16xi32>
          %lt3A_812 = arith.cmpi slt, %xor3A_809, %lt3A_811 : vector<16xi32>
          %add3A_813 = arith.constant 16 : i32
          %add3A_814 = vector.broadcast %add3A_813 : i32 to vector<16xi32>
          %add3A_815 = arith.addi %xor3A_809, %add3A_814 : vector<16xi32>
          %select_n3A_816 = arith.select %lt3A_812, %add3A_815, %xor3A_809 : vector<16xi1>, vector<16xi32>
          %broadcast_in_dim3A_817 = vector.shape_cast %select_n3A_816 : vector<16xi32> to vector<16x1xi32>
          %gather3A_818 = vector.shape_cast %broadcast_in_dim3A_817 : vector<16x1xi32> to vector<16xi32>
          %gather3A_819 = tpu.dynamic_gather %add3A_806[%gather3A_818] in [0] : vector<16xf32>, vector<16xi32> -> vector<16xf32>
          %add3A_820 = arith.addf %add3A_806, %gather3A_819 : vector<16xf32>
          %xor3A_821 = arith.constant 8 : i32
          %xor3A_822 = vector.broadcast %xor3A_821 : i32 to vector<16xi32>
          %xor3A_823 = arith.xori %iota3A, %xor3A_822 : vector<16xi32>
          %lt3A_824 = arith.constant 0 : i32
          %lt3A_825 = vector.broadcast %lt3A_824 : i32 to vector<16xi32>
          %lt3A_826 = arith.cmpi slt, %xor3A_823, %lt3A_825 : vector<16xi32>
          %add3A_827 = arith.constant 16 : i32
          %add3A_828 = vector.broadcast %add3A_827 : i32 to vector<16xi32>
          %add3A_829 = arith.addi %xor3A_823, %add3A_828 : vector<16xi32>
          %select_n3A_830 = arith.select %lt3A_826, %add3A_829, %xor3A_823 : vector<16xi1>, vector<16xi32>
          %broadcast_in_dim3A_831 = vector.shape_cast %select_n3A_830 : vector<16xi32> to vector<16x1xi32>
          %gather3A_832 = vector.shape_cast %broadcast_in_dim3A_831 : vector<16x1xi32> to vector<16xi32>
          %gather3A_833 = tpu.dynamic_gather %add3A_820[%gather3A_832] in [0] : vector<16xf32>, vector<16xi32> -> vector<16xf32>
          %add3A_834 = arith.addf %add3A_820, %gather3A_833 : vector<16xf32>
          %max3A_835 = arith.constant 1.000000e-24 : f32
          %max3A_836 = vector.broadcast %max3A_835 : f32 to vector<16xf32>
          %max3A_837 = arith.maximumf %add3A_834, %max3A_836 : vector<16xf32>
          %bitcast_convert_type3A_838 = tpu.bitcast %max3A_837 : vector<16xf32> -> vector<16xi32>
          %shift_right_arithmetic3A_839 = arith.constant 1 : i32
          %shift_right_arithmetic3A_840 = vector.broadcast %shift_right_arithmetic3A_839 : i32 to vector<16xi32>
          %shift_right_arithmetic3A_841 = arith.shrsi %bitcast_convert_type3A_838, %shift_right_arithmetic3A_840 : vector<16xi32>
          %sub3A_842 = arith.constant 1597463007 : i32
          %sub3A_843 = vector.broadcast %sub3A_842 : i32 to vector<16xi32>
          %sub3A_844 = arith.subi %sub3A_843, %shift_right_arithmetic3A_841 : vector<16xi32>
          %bitcast_convert_type3A_845 = tpu.bitcast %sub3A_844 : vector<16xi32> -> vector<16xf32>
          %mul3A_846 = arith.constant 5.000000e-01 : f32
          %mul3A_847 = vector.broadcast %mul3A_846 : f32 to vector<16xf32>
          %mul3A_848 = arith.mulf %mul3A_847, %max3A_837 : vector<16xf32>
          %mul3A_849 = arith.mulf %mul3A_848, %bitcast_convert_type3A_845 : vector<16xf32>
          %mul3A_850 = arith.mulf %mul3A_849, %bitcast_convert_type3A_845 : vector<16xf32>
          %sub3A_851 = arith.constant 1.500000e+00 : f32
          %sub3A_852 = vector.broadcast %sub3A_851 : f32 to vector<16xf32>
          %sub3A_853 = arith.subf %sub3A_852, %mul3A_850 : vector<16xf32>
          %mul3A_854 = arith.mulf %bitcast_convert_type3A_845, %sub3A_853 : vector<16xf32>
          %xor3A_855 = arith.constant 1 : i32
          %xor3A_856 = vector.broadcast %xor3A_855 : i32 to vector<16xi32>
          %xor3A_857 = arith.xori %iota3A, %xor3A_856 : vector<16xi32>
          %lt3A_858 = arith.constant 0 : i32
          %lt3A_859 = vector.broadcast %lt3A_858 : i32 to vector<16xi32>
          %lt3A_860 = arith.cmpi slt, %xor3A_857, %lt3A_859 : vector<16xi32>
          %add3A_861 = arith.constant 16 : i32
          %add3A_862 = vector.broadcast %add3A_861 : i32 to vector<16xi32>
          %add3A_863 = arith.addi %xor3A_857, %add3A_862 : vector<16xi32>
          %select_n3A_864 = arith.select %lt3A_860, %add3A_863, %xor3A_857 : vector<16xi1>, vector<16xi32>
          %broadcast_in_dim3A_865 = vector.shape_cast %select_n3A_864 : vector<16xi32> to vector<16x1xi32>
          %gather3A_866 = vector.shape_cast %broadcast_in_dim3A_865 : vector<16x1xi32> to vector<16xi32>
          %gather3A_867 = tpu.dynamic_gather %add3A_776[%gather3A_866] in [0] : vector<16xf32>, vector<16xi32> -> vector<16xf32>
          %add3A_868 = arith.addf %add3A_776, %gather3A_867 : vector<16xf32>
          %xor3A_869 = arith.constant 2 : i32
          %xor3A_870 = vector.broadcast %xor3A_869 : i32 to vector<16xi32>
          %xor3A_871 = arith.xori %iota3A, %xor3A_870 : vector<16xi32>
          %lt3A_872 = arith.constant 0 : i32
          %lt3A_873 = vector.broadcast %lt3A_872 : i32 to vector<16xi32>
          %lt3A_874 = arith.cmpi slt, %xor3A_871, %lt3A_873 : vector<16xi32>
          %add3A_875 = arith.constant 16 : i32
          %add3A_876 = vector.broadcast %add3A_875 : i32 to vector<16xi32>
          %add3A_877 = arith.addi %xor3A_871, %add3A_876 : vector<16xi32>
          %select_n3A_878 = arith.select %lt3A_874, %add3A_877, %xor3A_871 : vector<16xi1>, vector<16xi32>
          %broadcast_in_dim3A_879 = vector.shape_cast %select_n3A_878 : vector<16xi32> to vector<16x1xi32>
          %gather3A_880 = vector.shape_cast %broadcast_in_dim3A_879 : vector<16x1xi32> to vector<16xi32>
          %gather3A_881 = tpu.dynamic_gather %add3A_868[%gather3A_880] in [0] : vector<16xf32>, vector<16xi32> -> vector<16xf32>
          %add3A_882 = arith.addf %add3A_868, %gather3A_881 : vector<16xf32>
          %xor3A_883 = arith.constant 4 : i32
          %xor3A_884 = vector.broadcast %xor3A_883 : i32 to vector<16xi32>
          %xor3A_885 = arith.xori %iota3A, %xor3A_884 : vector<16xi32>
          %lt3A_886 = arith.constant 0 : i32
          %lt3A_887 = vector.broadcast %lt3A_886 : i32 to vector<16xi32>
          %lt3A_888 = arith.cmpi slt, %xor3A_885, %lt3A_887 : vector<16xi32>
          %add3A_889 = arith.constant 16 : i32
          %add3A_890 = vector.broadcast %add3A_889 : i32 to vector<16xi32>
          %add3A_891 = arith.addi %xor3A_885, %add3A_890 : vector<16xi32>
          %select_n3A_892 = arith.select %lt3A_888, %add3A_891, %xor3A_885 : vector<16xi1>, vector<16xi32>
          %broadcast_in_dim3A_893 = vector.shape_cast %select_n3A_892 : vector<16xi32> to vector<16x1xi32>
          %gather3A_894 = vector.shape_cast %broadcast_in_dim3A_893 : vector<16x1xi32> to vector<16xi32>
          %gather3A_895 = tpu.dynamic_gather %add3A_882[%gather3A_894] in [0] : vector<16xf32>, vector<16xi32> -> vector<16xf32>
          %add3A_896 = arith.addf %add3A_882, %gather3A_895 : vector<16xf32>
          %xor3A_897 = arith.constant 8 : i32
          %xor3A_898 = vector.broadcast %xor3A_897 : i32 to vector<16xi32>
          %xor3A_899 = arith.xori %iota3A, %xor3A_898 : vector<16xi32>
          %lt3A_900 = arith.constant 0 : i32
          %lt3A_901 = vector.broadcast %lt3A_900 : i32 to vector<16xi32>
          %lt3A_902 = arith.cmpi slt, %xor3A_899, %lt3A_901 : vector<16xi32>
          %add3A_903 = arith.constant 16 : i32
          %add3A_904 = vector.broadcast %add3A_903 : i32 to vector<16xi32>
          %add3A_905 = arith.addi %xor3A_899, %add3A_904 : vector<16xi32>
          %select_n3A_906 = arith.select %lt3A_902, %add3A_905, %xor3A_899 : vector<16xi1>, vector<16xi32>
          %broadcast_in_dim3A_907 = vector.shape_cast %select_n3A_906 : vector<16xi32> to vector<16x1xi32>
          %gather3A_908 = vector.shape_cast %broadcast_in_dim3A_907 : vector<16x1xi32> to vector<16xi32>
          %gather3A_909 = tpu.dynamic_gather %add3A_896[%gather3A_908] in [0] : vector<16xf32>, vector<16xi32> -> vector<16xf32>
          %add3A_910 = arith.addf %add3A_896, %gather3A_909 : vector<16xf32>
          %max3A_911 = arith.constant 1.000000e-24 : f32
          %max3A_912 = vector.broadcast %max3A_911 : f32 to vector<16xf32>
          %max3A_913 = arith.maximumf %add3A_910, %max3A_912 : vector<16xf32>
          %bitcast_convert_type3A_914 = tpu.bitcast %max3A_913 : vector<16xf32> -> vector<16xi32>
          %shift_right_arithmetic3A_915 = arith.constant 1 : i32
          %shift_right_arithmetic3A_916 = vector.broadcast %shift_right_arithmetic3A_915 : i32 to vector<16xi32>
          %shift_right_arithmetic3A_917 = arith.shrsi %bitcast_convert_type3A_914, %shift_right_arithmetic3A_916 : vector<16xi32>
          %sub3A_918 = arith.constant 1597463007 : i32
          %sub3A_919 = vector.broadcast %sub3A_918 : i32 to vector<16xi32>
          %sub3A_920 = arith.subi %sub3A_919, %shift_right_arithmetic3A_917 : vector<16xi32>
          %bitcast_convert_type3A_921 = tpu.bitcast %sub3A_920 : vector<16xi32> -> vector<16xf32>
          %mul3A_922 = arith.constant 5.000000e-01 : f32
          %mul3A_923 = vector.broadcast %mul3A_922 : f32 to vector<16xf32>
          %mul3A_924 = arith.mulf %mul3A_923, %max3A_913 : vector<16xf32>
          %mul3A_925 = arith.mulf %mul3A_924, %bitcast_convert_type3A_921 : vector<16xf32>
          %mul3A_926 = arith.mulf %mul3A_925, %bitcast_convert_type3A_921 : vector<16xf32>
          %sub3A_927 = arith.constant 1.500000e+00 : f32
          %sub3A_928 = vector.broadcast %sub3A_927 : f32 to vector<16xf32>
          %sub3A_929 = arith.subf %sub3A_928, %mul3A_926 : vector<16xf32>
          %mul3A_930 = arith.mulf %bitcast_convert_type3A_921, %sub3A_929 : vector<16xf32>
          %xor3A_931 = arith.constant 1 : i32
          %xor3A_932 = vector.broadcast %xor3A_931 : i32 to vector<16xi32>
          %xor3A_933 = arith.xori %iota3A, %xor3A_932 : vector<16xi32>
          %lt3A_934 = arith.constant 0 : i32
          %lt3A_935 = vector.broadcast %lt3A_934 : i32 to vector<16xi32>
          %lt3A_936 = arith.cmpi slt, %xor3A_933, %lt3A_935 : vector<16xi32>
          %add3A_937 = arith.constant 16 : i32
          %add3A_938 = vector.broadcast %add3A_937 : i32 to vector<16xi32>
          %add3A_939 = arith.addi %xor3A_933, %add3A_938 : vector<16xi32>
          %select_n3A_940 = arith.select %lt3A_936, %add3A_939, %xor3A_933 : vector<16xi1>, vector<16xi32>
          %broadcast_in_dim3A_941 = vector.shape_cast %select_n3A_940 : vector<16xi32> to vector<16x1xi32>
          %gather3A_942 = vector.shape_cast %broadcast_in_dim3A_941 : vector<16x1xi32> to vector<16xi32>
          %gather3A_943 = tpu.dynamic_gather %add3A_778[%gather3A_942] in [0] : vector<16xf32>, vector<16xi32> -> vector<16xf32>
          %add3A_944 = arith.addf %add3A_778, %gather3A_943 : vector<16xf32>
          %xor3A_945 = arith.constant 2 : i32
          %xor3A_946 = vector.broadcast %xor3A_945 : i32 to vector<16xi32>
          %xor3A_947 = arith.xori %iota3A, %xor3A_946 : vector<16xi32>
          %lt3A_948 = arith.constant 0 : i32
          %lt3A_949 = vector.broadcast %lt3A_948 : i32 to vector<16xi32>
          %lt3A_950 = arith.cmpi slt, %xor3A_947, %lt3A_949 : vector<16xi32>
          %add3A_951 = arith.constant 16 : i32
          %add3A_952 = vector.broadcast %add3A_951 : i32 to vector<16xi32>
          %add3A_953 = arith.addi %xor3A_947, %add3A_952 : vector<16xi32>
          %select_n3A_954 = arith.select %lt3A_950, %add3A_953, %xor3A_947 : vector<16xi1>, vector<16xi32>
          %broadcast_in_dim3A_955 = vector.shape_cast %select_n3A_954 : vector<16xi32> to vector<16x1xi32>
          %gather3A_956 = vector.shape_cast %broadcast_in_dim3A_955 : vector<16x1xi32> to vector<16xi32>
          %gather3A_957 = tpu.dynamic_gather %add3A_944[%gather3A_956] in [0] : vector<16xf32>, vector<16xi32> -> vector<16xf32>
          %add3A_958 = arith.addf %add3A_944, %gather3A_957 : vector<16xf32>
          %xor3A_959 = arith.constant 4 : i32
          %xor3A_960 = vector.broadcast %xor3A_959 : i32 to vector<16xi32>
          %xor3A_961 = arith.xori %iota3A, %xor3A_960 : vector<16xi32>
          %lt3A_962 = arith.constant 0 : i32
          %lt3A_963 = vector.broadcast %lt3A_962 : i32 to vector<16xi32>
          %lt3A_964 = arith.cmpi slt, %xor3A_961, %lt3A_963 : vector<16xi32>
          %add3A_965 = arith.constant 16 : i32
          %add3A_966 = vector.broadcast %add3A_965 : i32 to vector<16xi32>
          %add3A_967 = arith.addi %xor3A_961, %add3A_966 : vector<16xi32>
          %select_n3A_968 = arith.select %lt3A_964, %add3A_967, %xor3A_961 : vector<16xi1>, vector<16xi32>
          %broadcast_in_dim3A_969 = vector.shape_cast %select_n3A_968 : vector<16xi32> to vector<16x1xi32>
          %gather3A_970 = vector.shape_cast %broadcast_in_dim3A_969 : vector<16x1xi32> to vector<16xi32>
          %gather3A_971 = tpu.dynamic_gather %add3A_958[%gather3A_970] in [0] : vector<16xf32>, vector<16xi32> -> vector<16xf32>
          %add3A_972 = arith.addf %add3A_958, %gather3A_971 : vector<16xf32>
          %xor3A_973 = arith.constant 8 : i32
          %xor3A_974 = vector.broadcast %xor3A_973 : i32 to vector<16xi32>
          %xor3A_975 = arith.xori %iota3A, %xor3A_974 : vector<16xi32>
          %lt3A_976 = arith.constant 0 : i32
          %lt3A_977 = vector.broadcast %lt3A_976 : i32 to vector<16xi32>
          %lt3A_978 = arith.cmpi slt, %xor3A_975, %lt3A_977 : vector<16xi32>
          %add3A_979 = arith.constant 16 : i32
          %add3A_980 = vector.broadcast %add3A_979 : i32 to vector<16xi32>
          %add3A_981 = arith.addi %xor3A_975, %add3A_980 : vector<16xi32>
          %select_n3A_982 = arith.select %lt3A_978, %add3A_981, %xor3A_975 : vector<16xi1>, vector<16xi32>
          %broadcast_in_dim3A_983 = vector.shape_cast %select_n3A_982 : vector<16xi32> to vector<16x1xi32>
          %gather3A_984 = vector.shape_cast %broadcast_in_dim3A_983 : vector<16x1xi32> to vector<16xi32>
          %gather3A_985 = tpu.dynamic_gather %add3A_972[%gather3A_984] in [0] : vector<16xf32>, vector<16xi32> -> vector<16xf32>
          %add3A_986 = arith.addf %add3A_972, %gather3A_985 : vector<16xf32>
          %max3A_987 = arith.constant 1.000000e-24 : f32
          %max3A_988 = vector.broadcast %max3A_987 : f32 to vector<16xf32>
          %max3A_989 = arith.maximumf %add3A_986, %max3A_988 : vector<16xf32>
          %bitcast_convert_type3A_990 = tpu.bitcast %max3A_989 : vector<16xf32> -> vector<16xi32>
          %shift_right_arithmetic3A_991 = arith.constant 1 : i32
          %shift_right_arithmetic3A_992 = vector.broadcast %shift_right_arithmetic3A_991 : i32 to vector<16xi32>
          %shift_right_arithmetic3A_993 = arith.shrsi %bitcast_convert_type3A_990, %shift_right_arithmetic3A_992 : vector<16xi32>
          %sub3A_994 = arith.constant 1597463007 : i32
          %sub3A_995 = vector.broadcast %sub3A_994 : i32 to vector<16xi32>
          %sub3A_996 = arith.subi %sub3A_995, %shift_right_arithmetic3A_993 : vector<16xi32>
          %bitcast_convert_type3A_997 = tpu.bitcast %sub3A_996 : vector<16xi32> -> vector<16xf32>
          %mul3A_998 = arith.constant 5.000000e-01 : f32
          %mul3A_999 = vector.broadcast %mul3A_998 : f32 to vector<16xf32>
          %mul3A_1000 = arith.mulf %mul3A_999, %max3A_989 : vector<16xf32>
          %mul3A_1001 = arith.mulf %mul3A_1000, %bitcast_convert_type3A_997 : vector<16xf32>
          %mul3A_1002 = arith.mulf %mul3A_1001, %bitcast_convert_type3A_997 : vector<16xf32>
          %sub3A_1003 = arith.constant 1.500000e+00 : f32
          %sub3A_1004 = vector.broadcast %sub3A_1003 : f32 to vector<16xf32>
          %sub3A_1005 = arith.subf %sub3A_1004, %mul3A_1002 : vector<16xf32>
          %mul3A_1006 = arith.mulf %bitcast_convert_type3A_997, %sub3A_1005 : vector<16xf32>
          %mul3A_1007 = arith.mulf %get3A_641, %mul3A_854 : vector<16xf32>
          %mul3A_1008 = arith.mulf %get3A_673, %mul3A_930 : vector<16xf32>
          %add3A_1009 = arith.addf %mul3A_1007, %mul3A_1008 : vector<16xf32>
          %mul3A_1010 = arith.mulf %get3A_705, %mul3A_1006 : vector<16xf32>
          %sub3A_1011 = arith.subf %add3A_1009, %mul3A_1010 : vector<16xf32>
          %abs3A_1012 = math.absf %sub3A_1011 : vector<16xf32>
          %mul3A_1013 = arith.mulf %get3A_645, %mul3A_854 : vector<16xf32>
          %mul3A_1014 = arith.mulf %get3A_677, %mul3A_930 : vector<16xf32>
          %add3A_1015 = arith.addf %mul3A_1013, %mul3A_1014 : vector<16xf32>
          %mul3A_1016 = arith.mulf %get3A_709, %mul3A_1006 : vector<16xf32>
          %sub3A_1017 = arith.subf %add3A_1015, %mul3A_1016 : vector<16xf32>
          %abs3A_1018 = math.absf %sub3A_1017 : vector<16xf32>
          %add3A_1019 = arith.addf %abs3A_1012, %abs3A_1018 : vector<16xf32>
          %mul3A_1020 = arith.mulf %get3A_649, %mul3A_854 : vector<16xf32>
          %mul3A_1021 = arith.mulf %get3A_681, %mul3A_930 : vector<16xf32>
          %add3A_1022 = arith.addf %mul3A_1020, %mul3A_1021 : vector<16xf32>
          %mul3A_1023 = arith.mulf %get3A_713, %mul3A_1006 : vector<16xf32>
          %sub3A_1024 = arith.subf %add3A_1022, %mul3A_1023 : vector<16xf32>
          %abs3A_1025 = math.absf %sub3A_1024 : vector<16xf32>
          %add3A_1026 = arith.addf %add3A_1019, %abs3A_1025 : vector<16xf32>
          %mul3A_1027 = arith.mulf %get3A_653, %mul3A_854 : vector<16xf32>
          %mul3A_1028 = arith.mulf %get3A_685, %mul3A_930 : vector<16xf32>
          %add3A_1029 = arith.addf %mul3A_1027, %mul3A_1028 : vector<16xf32>
          %mul3A_1030 = arith.mulf %get3A_717, %mul3A_1006 : vector<16xf32>
          %sub3A_1031 = arith.subf %add3A_1029, %mul3A_1030 : vector<16xf32>
          %abs3A_1032 = math.absf %sub3A_1031 : vector<16xf32>
          %add3A_1033 = arith.addf %add3A_1026, %abs3A_1032 : vector<16xf32>
          %mul3A_1034 = arith.mulf %get3A_657, %mul3A_854 : vector<16xf32>
          %mul3A_1035 = arith.mulf %get3A_689, %mul3A_930 : vector<16xf32>
          %add3A_1036 = arith.addf %mul3A_1034, %mul3A_1035 : vector<16xf32>
          %mul3A_1037 = arith.mulf %get3A_721, %mul3A_1006 : vector<16xf32>
          %sub3A_1038 = arith.subf %add3A_1036, %mul3A_1037 : vector<16xf32>
          %abs3A_1039 = math.absf %sub3A_1038 : vector<16xf32>
          %add3A_1040 = arith.addf %add3A_1033, %abs3A_1039 : vector<16xf32>
          %mul3A_1041 = arith.mulf %get3A_661, %mul3A_854 : vector<16xf32>
          %mul3A_1042 = arith.mulf %get3A_693, %mul3A_930 : vector<16xf32>
          %add3A_1043 = arith.addf %mul3A_1041, %mul3A_1042 : vector<16xf32>
          %mul3A_1044 = arith.mulf %get3A_725, %mul3A_1006 : vector<16xf32>
          %sub3A_1045 = arith.subf %add3A_1043, %mul3A_1044 : vector<16xf32>
          %abs3A_1046 = math.absf %sub3A_1045 : vector<16xf32>
          %add3A_1047 = arith.addf %add3A_1040, %abs3A_1046 : vector<16xf32>
          %mul3A_1048 = arith.mulf %get3A_665, %mul3A_854 : vector<16xf32>
          %mul3A_1049 = arith.mulf %get3A_697, %mul3A_930 : vector<16xf32>
          %add3A_1050 = arith.addf %mul3A_1048, %mul3A_1049 : vector<16xf32>
          %mul3A_1051 = arith.mulf %get3A_729, %mul3A_1006 : vector<16xf32>
          %sub3A_1052 = arith.subf %add3A_1050, %mul3A_1051 : vector<16xf32>
          %abs3A_1053 = math.absf %sub3A_1052 : vector<16xf32>
          %add3A_1054 = arith.addf %add3A_1047, %abs3A_1053 : vector<16xf32>
          %mul3A_1055 = arith.mulf %get3A_669, %mul3A_854 : vector<16xf32>
          %mul3A_1056 = arith.mulf %get3A_701, %mul3A_930 : vector<16xf32>
          %add3A_1057 = arith.addf %mul3A_1055, %mul3A_1056 : vector<16xf32>
          %mul3A_1058 = arith.mulf %get3A_733, %mul3A_1006 : vector<16xf32>
          %sub3A_1059 = arith.subf %add3A_1057, %mul3A_1058 : vector<16xf32>
          %abs3A_1060 = math.absf %sub3A_1059 : vector<16xf32>
          %add3A_1061 = arith.addf %add3A_1054, %abs3A_1060 : vector<16xf32>
          %xor3A_1062 = arith.constant 1 : i32
          %xor3A_1063 = vector.broadcast %xor3A_1062 : i32 to vector<16xi32>
          %xor3A_1064 = arith.xori %iota3A, %xor3A_1063 : vector<16xi32>
          %lt3A_1065 = arith.constant 0 : i32
          %lt3A_1066 = vector.broadcast %lt3A_1065 : i32 to vector<16xi32>
          %lt3A_1067 = arith.cmpi slt, %xor3A_1064, %lt3A_1066 : vector<16xi32>
          %add3A_1068 = arith.constant 16 : i32
          %add3A_1069 = vector.broadcast %add3A_1068 : i32 to vector<16xi32>
          %add3A_1070 = arith.addi %xor3A_1064, %add3A_1069 : vector<16xi32>
          %select_n3A_1071 = arith.select %lt3A_1067, %add3A_1070, %xor3A_1064 : vector<16xi1>, vector<16xi32>
          %broadcast_in_dim3A_1072 = vector.shape_cast %select_n3A_1071 : vector<16xi32> to vector<16x1xi32>
          %gather3A_1073 = vector.shape_cast %broadcast_in_dim3A_1072 : vector<16x1xi32> to vector<16xi32>
          %gather3A_1074 = tpu.dynamic_gather %add3A_1061[%gather3A_1073] in [0] : vector<16xf32>, vector<16xi32> -> vector<16xf32>
          %add3A_1075 = arith.addf %add3A_1061, %gather3A_1074 : vector<16xf32>
          %xor3A_1076 = arith.constant 2 : i32
          %xor3A_1077 = vector.broadcast %xor3A_1076 : i32 to vector<16xi32>
          %xor3A_1078 = arith.xori %iota3A, %xor3A_1077 : vector<16xi32>
          %lt3A_1079 = arith.constant 0 : i32
          %lt3A_1080 = vector.broadcast %lt3A_1079 : i32 to vector<16xi32>
          %lt3A_1081 = arith.cmpi slt, %xor3A_1078, %lt3A_1080 : vector<16xi32>
          %add3A_1082 = arith.constant 16 : i32
          %add3A_1083 = vector.broadcast %add3A_1082 : i32 to vector<16xi32>
          %add3A_1084 = arith.addi %xor3A_1078, %add3A_1083 : vector<16xi32>
          %select_n3A_1085 = arith.select %lt3A_1081, %add3A_1084, %xor3A_1078 : vector<16xi1>, vector<16xi32>
          %broadcast_in_dim3A_1086 = vector.shape_cast %select_n3A_1085 : vector<16xi32> to vector<16x1xi32>
          %gather3A_1087 = vector.shape_cast %broadcast_in_dim3A_1086 : vector<16x1xi32> to vector<16xi32>
          %gather3A_1088 = tpu.dynamic_gather %add3A_1075[%gather3A_1087] in [0] : vector<16xf32>, vector<16xi32> -> vector<16xf32>
          %add3A_1089 = arith.addf %add3A_1075, %gather3A_1088 : vector<16xf32>
          %xor3A_1090 = arith.constant 4 : i32
          %xor3A_1091 = vector.broadcast %xor3A_1090 : i32 to vector<16xi32>
          %xor3A_1092 = arith.xori %iota3A, %xor3A_1091 : vector<16xi32>
          %lt3A_1093 = arith.constant 0 : i32
          %lt3A_1094 = vector.broadcast %lt3A_1093 : i32 to vector<16xi32>
          %lt3A_1095 = arith.cmpi slt, %xor3A_1092, %lt3A_1094 : vector<16xi32>
          %add3A_1096 = arith.constant 16 : i32
          %add3A_1097 = vector.broadcast %add3A_1096 : i32 to vector<16xi32>
          %add3A_1098 = arith.addi %xor3A_1092, %add3A_1097 : vector<16xi32>
          %select_n3A_1099 = arith.select %lt3A_1095, %add3A_1098, %xor3A_1092 : vector<16xi1>, vector<16xi32>
          %broadcast_in_dim3A_1100 = vector.shape_cast %select_n3A_1099 : vector<16xi32> to vector<16x1xi32>
          %gather3A_1101 = vector.shape_cast %broadcast_in_dim3A_1100 : vector<16x1xi32> to vector<16xi32>
          %gather3A_1102 = tpu.dynamic_gather %add3A_1089[%gather3A_1101] in [0] : vector<16xf32>, vector<16xi32> -> vector<16xf32>
          %add3A_1103 = arith.addf %add3A_1089, %gather3A_1102 : vector<16xf32>
          %xor3A_1104 = arith.constant 8 : i32
          %xor3A_1105 = vector.broadcast %xor3A_1104 : i32 to vector<16xi32>
          %xor3A_1106 = arith.xori %iota3A, %xor3A_1105 : vector<16xi32>
          %lt3A_1107 = arith.constant 0 : i32
          %lt3A_1108 = vector.broadcast %lt3A_1107 : i32 to vector<16xi32>
          %lt3A_1109 = arith.cmpi slt, %xor3A_1106, %lt3A_1108 : vector<16xi32>
          %add3A_1110 = arith.constant 16 : i32
          %add3A_1111 = vector.broadcast %add3A_1110 : i32 to vector<16xi32>
          %add3A_1112 = arith.addi %xor3A_1106, %add3A_1111 : vector<16xi32>
          %select_n3A_1113 = arith.select %lt3A_1109, %add3A_1112, %xor3A_1106 : vector<16xi1>, vector<16xi32>
          %broadcast_in_dim3A_1114 = vector.shape_cast %select_n3A_1113 : vector<16xi32> to vector<16x1xi32>
          %gather3A_1115 = vector.shape_cast %broadcast_in_dim3A_1114 : vector<16x1xi32> to vector<16xi32>
          %gather3A_1116 = tpu.dynamic_gather %add3A_1103[%gather3A_1115] in [0] : vector<16xf32>, vector<16xi32> -> vector<16xf32>
          %add3A_1117 = arith.addf %add3A_1103, %gather3A_1116 : vector<16xf32>
          %eq3A = vector.broadcast %add3A_159 : i32 to vector<16xi32>
          %eq3A_1118 = arith.cmpi eq, %iota3A, %eq3A : vector<16xi32>
          %select_n3A_1119 = arith.select %eq3A_1118, %add3A_632, %scan3A_155 : vector<16xi1>, vector<16xf32>
          %add3A_1120 = arith.constant 1 : i32
          %add3A_1121 = arith.addi %add3A_159, %add3A_1120 : i32
          %eq3A_1122 = vector.broadcast %add3A_1121 : i32 to vector<16xi32>
          %eq3A_1123 = arith.cmpi eq, %iota3A, %eq3A_1122 : vector<16xi32>
          %select_n3A_1124 = arith.select %eq3A_1123, %add3A_1117, %select_n3A_1119 : vector<16xi1>, vector<16xf32>
          scf.yield %select_n3A_1124 : vector<16xf32>
        }
        %scan3A_146 = arith.constant 8 : i32
        %mul3A_147 = arith.constant 16 : i32
        %mul3A_148 = arith.muli %add3A_139, %mul3A_147 : i32
        %add3A_149 = arith.addi %multiple_of3A_82, %mul3A_148 : i32
        %multiple_of3A_150 = tpu.assume_multiple %add3A_149, 16 : i32
        %swap3A = arith.index_cast %multiple_of3A_150 : i32 to index
        %swap3A_151 = tpu.vector_load %arg17[%swap3A] {strides = array<i32>} : memref<512xf32, #tpu.memory_space<vmem>>, vector<16xf32>,
        %swap3A_152 = vector.shape_cast %swap3A_151 : vector<16xf32> to vector<16xf32>
        %swap3A_153 = vector.shape_cast %scan3A_145 : vector<16xf32> to vector<16xf32>
        tpu.vector_store %arg17[%swap3A], %swap3A_153 {strides = array<i32>} : memref<512xf32, #tpu.memory_space<vmem>>, vector<16xf32>,
      }
      %scan3A_87 = arith.constant 2 : i32
      %add3A_88 = arith.constant 1 : i32
      %add3A_89 = arith.addi %add3A_41, %add3A_88 : i32
      %add3A_90 = arith.constant 1 : i32
      %add3A_91 = arith.addi %add3A_89, %add3A_90 : i32
      %min3A_92 = arith.constant 15 : i32
      %min3A_93 = arith.minsi %add3A_91, %min3A_92 : i32
      %mul3A_94 = arith.constant 32 : i32
      %mul3A_95 = arith.muli %min3A_93, %mul3A_94 : i32
      %multiple_of3A_96 = tpu.assume_multiple %mul3A_95, 32 : i32
      %dma_start3A_97 = tpu.memref_slice %arg8[%multiple_of3A_96] : memref<512xi32, #tpu.memory_space<vmem>> -> memref<32xi32, #tpu.memory_space<vmem>>
      %dma_start3A_98 = arith.constant 0 : i32
      %dma_start3A_99 = arith.constant 0 : i32
      %dma_start3A_100 = tpu.memref_slice %arg5[%dma_start3A_98, %dma_start3A_99] : memref<100000x128xf32, #tpu.memory_space<hbm>> -> memref<100000x128xf32, #tpu.memory_space<hbm>>
      tpu.enqueue_indirect_dma source(%dma_start3A_100 : memref<100000x128xf32, #tpu.memory_space<hbm>>) target(%arg11 : memref<32x128xf32, #tpu.memory_space<vmem>>) offsets(%dma_start3A_97 : memref<32xi32, #tpu.memory_space<vmem>>) semaphore(%arg18 : memref<!tpu.dma_semaphore, #tpu.memory_space<semaphore_mem>>)
      %dma_start3A_101 = tpu.memref_slice %arg9[%multiple_of3A_96] : memref<512xi32, #tpu.memory_space<vmem>> -> memref<32xi32, #tpu.memory_space<vmem>>
      %dma_start3A_102 = arith.constant 0 : i32
      %dma_start3A_103 = arith.constant 0 : i32
      %dma_start3A_104 = tpu.memref_slice %arg6[%dma_start3A_102, %dma_start3A_103] : memref<100000x128xf32, #tpu.memory_space<hbm>> -> memref<100000x128xf32, #tpu.memory_space<hbm>>
      tpu.enqueue_indirect_dma source(%dma_start3A_104 : memref<100000x128xf32, #tpu.memory_space<hbm>>) target(%arg12 : memref<32x128xf32, #tpu.memory_space<vmem>>) offsets(%dma_start3A_101 : memref<32xi32, #tpu.memory_space<vmem>>) semaphore(%arg18 : memref<!tpu.dma_semaphore, #tpu.memory_space<semaphore_mem>>)
      %dma_start3A_105 = tpu.memref_slice %arg10[%multiple_of3A_96] : memref<512xi32, #tpu.memory_space<vmem>> -> memref<32xi32, #tpu.memory_space<vmem>>
      %dma_start3A_106 = arith.constant 0 : i32
      %dma_start3A_107 = arith.constant 0 : i32
      %dma_start3A_108 = tpu.memref_slice %arg5[%dma_start3A_106, %dma_start3A_107] : memref<100000x128xf32, #tpu.memory_space<hbm>> -> memref<100000x128xf32, #tpu.memory_space<hbm>>
      tpu.enqueue_indirect_dma source(%dma_start3A_108 : memref<100000x128xf32, #tpu.memory_space<hbm>>) target(%arg13 : memref<32x128xf32, #tpu.memory_space<vmem>>) offsets(%dma_start3A_105 : memref<32xi32, #tpu.memory_space<vmem>>) semaphore(%arg18 : memref<!tpu.dma_semaphore, #tpu.memory_space<semaphore_mem>>)
      %dma_wait3A_109 = arith.constant 0 : i32
      %dma_wait3A_110 = arith.constant 0 : i32
      %dma_wait3A_111 = tpu.memref_slice %arg5[%dma_wait3A_109, %dma_wait3A_110] : memref<100000x128xf32, #tpu.memory_space<hbm>> -> memref<32x128xf32, #tpu.memory_space<hbm>>
      %dma_wait3A_112 = arith.constant 0 : i32
      %dma_wait3A_113 = arith.constant 0 : i32
      %dma_wait3A_114 = tpu.memref_slice %arg5[%dma_wait3A_112, %dma_wait3A_113] : memref<100000x128xf32, #tpu.memory_space<hbm>> -> memref<32x128xf32, #tpu.memory_space<hbm>>
      tpu.wait_dma2 semaphore(%arg19 : memref<!tpu.dma_semaphore, #tpu.memory_space<semaphore_mem>>) src(%dma_wait3A_114 : memref<32x128xf32, #tpu.memory_space<hbm>>) dst(%arg14 : memref<32x128xf32, #tpu.memory_space<vmem>>)
      %dma_wait3A_115 = arith.constant 0 : i32
      %dma_wait3A_116 = arith.constant 0 : i32
      %dma_wait3A_117 = tpu.memref_slice %arg6[%dma_wait3A_115, %dma_wait3A_116] : memref<100000x128xf32, #tpu.memory_space<hbm>> -> memref<32x128xf32, #tpu.memory_space<hbm>>
      %dma_wait3A_118 = arith.constant 0 : i32
      %dma_wait3A_119 = arith.constant 0 : i32
      %dma_wait3A_120 = tpu.memref_slice %arg6[%dma_wait3A_118, %dma_wait3A_119] : memref<100000x128xf32, #tpu.memory_space<hbm>> -> memref<32x128xf32, #tpu.memory_space<hbm>>
      tpu.wait_dma2 semaphore(%arg19 : memref<!tpu.dma_semaphore, #tpu.memory_space<semaphore_mem>>) src(%dma_wait3A_120 : memref<32x128xf32, #tpu.memory_space<hbm>>) dst(%arg15 : memref<32x128xf32, #tpu.memory_space<vmem>>)
      %dma_wait3A_121 = arith.constant 0 : i32
      %dma_wait3A_122 = arith.constant 0 : i32
      %dma_wait3A_123 = tpu.memref_slice %arg5[%dma_wait3A_121, %dma_wait3A_122] : memref<100000x128xf32, #tpu.memory_space<hbm>> -> memref<32x128xf32, #tpu.memory_space<hbm>>
      %dma_wait3A_124 = arith.constant 0 : i32
      %dma_wait3A_125 = arith.constant 0 : i32
      %dma_wait3A_126 = tpu.memref_slice %arg5[%dma_wait3A_124, %dma_wait3A_125] : memref<100000x128xf32, #tpu.memory_space<hbm>> -> memref<32x128xf32, #tpu.memory_space<hbm>>
      tpu.wait_dma2 semaphore(%arg19 : memref<!tpu.dma_semaphore, #tpu.memory_space<semaphore_mem>>) src(%dma_wait3A_126 : memref<32x128xf32, #tpu.memory_space<hbm>>) dst(%arg16 : memref<32x128xf32, #tpu.memory_space<vmem>>)
      %mul3A_127 = arith.constant 32 : i32
      %mul3A_128 = arith.muli %add3A_89, %mul3A_127 : i32
      %multiple_of3A_129 = tpu.assume_multiple %mul3A_128, 32 : i32
      %scan3A_130 = arith.constant 0 : i32
      %scan3A_131 = arith.constant 2 : i32
      %scan3A_132 = arith.addi %scan3A_130, %scan3A_131 : i32
      %scan3A_133 = arith.constant 1 : i32
      scf.for %scan3A_135 = %scan3A_130 to %scan3A_132 step %scan3A_133  : i32 {
        %mul3A_136 = arith.constant 1 : i32
        %mul3A_137 = arith.muli %scan3A_135, %mul3A_136 : i32
        %add3A_138 = arith.constant 0 : i32
        %add3A_139 = arith.addi %add3A_138, %mul3A_137 : i32
        %broadcast_in_dim3A = arith.constant 0.000000e+00 : f32
        %broadcast_in_dim3A_140 = vector.broadcast %broadcast_in_dim3A : f32 to vector<16xf32>
        %scan3A_141 = arith.constant 0 : i32
        %scan3A_142 = arith.constant 8 : i32
        %scan3A_143 = arith.addi %scan3A_141, %scan3A_142 : i32
        %scan3A_144 = arith.constant 1 : i32
        %scan3A_145 = scf.for %scan3A_154 = %scan3A_141 to %scan3A_143 step %scan3A_144 iter_args(%scan3A_155 = %broadcast_in_dim3A_140) -> (vector<16xf32>)  : i32 {
          %mul3A_156 = arith.constant 2 : i32
          %mul3A_157 = arith.muli %scan3A_154, %mul3A_156 : i32
          %add3A_158 = arith.constant 0 : i32
          %add3A_159 = arith.addi %add3A_158, %mul3A_157 : i32
          %mul3A_160 = arith.constant 16 : i32
          %mul3A_161 = arith.muli %add3A_139, %mul3A_160 : i32
          %add3A_162 = arith.addi %mul3A_161, %add3A_159 : i32
          %get3A = arith.index_cast %add3A_162 : i32 to index
          %get3A_163 = arith.constant 0 : index
          %get3A_164 = tpu.vector_load %arg14[%get3A, %get3A_163] {strides = array<i32>} : memref<32x128xf32, #tpu.memory_space<vmem>>, vector<1x16xf32>,
          %get3A_165 = vector.shape_cast %get3A_164 : vector<1x16xf32> to vector<16xf32>
          %get3A_166 = arith.index_cast %add3A_162 : i32 to index
          %get3A_167 = arith.constant 16 : index
          %get3A_168 = tpu.vector_load %arg14[%get3A_166, %get3A_167] {strides = array<i32>} : memref<32x128xf32, #tpu.memory_space<vmem>>, vector<1x16xf32>,
          %get3A_169 = vector.shape_cast %get3A_168 : vector<1x16xf32> to vector<16xf32>
          %get3A_170 = arith.index_cast %add3A_162 : i32 to index
          %get3A_171 = arith.constant 32 : index
          %get3A_172 = tpu.vector_load %arg14[%get3A_170, %get3A_171] {strides = array<i32>} : memref<32x128xf32, #tpu.memory_space<vmem>>, vector<1x16xf32>,
          %get3A_173 = vector.shape_cast %get3A_172 : vector<1x16xf32> to vector<16xf32>
          %get3A_174 = arith.index_cast %add3A_162 : i32 to index
          %get3A_175 = arith.constant 48 : index
          %get3A_176 = tpu.vector_load %arg14[%get3A_174, %get3A_175] {strides = array<i32>} : memref<32x128xf32, #tpu.memory_space<vmem>>, vector<1x16xf32>,
          %get3A_177 = vector.shape_cast %get3A_176 : vector<1x16xf32> to vector<16xf32>
          %get3A_178 = arith.index_cast %add3A_162 : i32 to index
          %get3A_179 = arith.constant 64 : index
          %get3A_180 = tpu.vector_load %arg14[%get3A_178, %get3A_179] {strides = array<i32>} : memref<32x128xf32, #tpu.memory_space<vmem>>, vector<1x16xf32>,
          %get3A_181 = vector.shape_cast %get3A_180 : vector<1x16xf32> to vector<16xf32>
          %get3A_182 = arith.index_cast %add3A_162 : i32 to index
          %get3A_183 = arith.constant 80 : index
          %get3A_184 = tpu.vector_load %arg14[%get3A_182, %get3A_183] {strides = array<i32>} : memref<32x128xf32, #tpu.memory_space<vmem>>, vector<1x16xf32>,
          %get3A_185 = vector.shape_cast %get3A_184 : vector<1x16xf32> to vector<16xf32>
          %get3A_186 = arith.index_cast %add3A_162 : i32 to index
          %get3A_187 = arith.constant 96 : index
          %get3A_188 = tpu.vector_load %arg14[%get3A_186, %get3A_187] {strides = array<i32>} : memref<32x128xf32, #tpu.memory_space<vmem>>, vector<1x16xf32>,
          %get3A_189 = vector.shape_cast %get3A_188 : vector<1x16xf32> to vector<16xf32>
          %get3A_190 = arith.index_cast %add3A_162 : i32 to index
          %get3A_191 = arith.constant 112 : index
          %get3A_192 = tpu.vector_load %arg14[%get3A_190, %get3A_191] {strides = array<i32>} : memref<32x128xf32, #tpu.memory_space<vmem>>, vector<1x16xf32>,
          %get3A_193 = vector.shape_cast %get3A_192 : vector<1x16xf32> to vector<16xf32>
          %get3A_194 = arith.index_cast %add3A_162 : i32 to index
          %get3A_195 = arith.constant 0 : index
          %get3A_196 = tpu.vector_load %arg15[%get3A_194, %get3A_195] {strides = array<i32>} : memref<32x128xf32, #tpu.memory_space<vmem>>, vector<1x16xf32>,
          %get3A_197 = vector.shape_cast %get3A_196 : vector<1x16xf32> to vector<16xf32>
          %get3A_198 = arith.index_cast %add3A_162 : i32 to index
          %get3A_199 = arith.constant 16 : index
          %get3A_200 = tpu.vector_load %arg15[%get3A_198, %get3A_199] {strides = array<i32>} : memref<32x128xf32, #tpu.memory_space<vmem>>, vector<1x16xf32>,
          %get3A_201 = vector.shape_cast %get3A_200 : vector<1x16xf32> to vector<16xf32>
          %get3A_202 = arith.index_cast %add3A_162 : i32 to index
          %get3A_203 = arith.constant 32 : index
          %get3A_204 = tpu.vector_load %arg15[%get3A_202, %get3A_203] {strides = array<i32>} : memref<32x128xf32, #tpu.memory_space<vmem>>, vector<1x16xf32>,
          %get3A_205 = vector.shape_cast %get3A_204 : vector<1x16xf32> to vector<16xf32>
          %get3A_206 = arith.index_cast %add3A_162 : i32 to index
          %get3A_207 = arith.constant 48 : index
          %get3A_208 = tpu.vector_load %arg15[%get3A_206, %get3A_207] {strides = array<i32>} : memref<32x128xf32, #tpu.memory_space<vmem>>, vector<1x16xf32>,
          %get3A_209 = vector.shape_cast %get3A_208 : vector<1x16xf32> to vector<16xf32>
          %get3A_210 = arith.index_cast %add3A_162 : i32 to index
          %get3A_211 = arith.constant 64 : index
          %get3A_212 = tpu.vector_load %arg15[%get3A_210, %get3A_211] {strides = array<i32>} : memref<32x128xf32, #tpu.memory_space<vmem>>, vector<1x16xf32>,
          %get3A_213 = vector.shape_cast %get3A_212 : vector<1x16xf32> to vector<16xf32>
          %get3A_214 = arith.index_cast %add3A_162 : i32 to index
          %get3A_215 = arith.constant 80 : index
          %get3A_216 = tpu.vector_load %arg15[%get3A_214, %get3A_215] {strides = array<i32>} : memref<32x128xf32, #tpu.memory_space<vmem>>, vector<1x16xf32>,
          %get3A_217 = vector.shape_cast %get3A_216 : vector<1x16xf32> to vector<16xf32>
          %get3A_218 = arith.index_cast %add3A_162 : i32 to index
          %get3A_219 = arith.constant 96 : index
          %get3A_220 = tpu.vector_load %arg15[%get3A_218, %get3A_219] {strides = array<i32>} : memref<32x128xf32, #tpu.memory_space<vmem>>, vector<1x16xf32>,
          %get3A_221 = vector.shape_cast %get3A_220 : vector<1x16xf32> to vector<16xf32>
          %get3A_222 = arith.index_cast %add3A_162 : i32 to index
          %get3A_223 = arith.constant 112 : index
          %get3A_224 = tpu.vector_load %arg15[%get3A_222, %get3A_223] {strides = array<i32>} : memref<32x128xf32, #tpu.memory_space<vmem>>, vector<1x16xf32>,
          %get3A_225 = vector.shape_cast %get3A_224 : vector<1x16xf32> to vector<16xf32>
          %get3A_226 = arith.index_cast %add3A_162 : i32 to index
          %get3A_227 = arith.constant 0 : index
          %get3A_228 = tpu.vector_load %arg16[%get3A_226, %get3A_227] {strides = array<i32>} : memref<32x128xf32, #tpu.memory_space<vmem>>, vector<1x16xf32>,
          %get3A_229 = vector.shape_cast %get3A_228 : vector<1x16xf32> to vector<16xf32>
          %get3A_230 = arith.index_cast %add3A_162 : i32 to index
          %get3A_231 = arith.constant 16 : index
          %get3A_232 = tpu.vector_load %arg16[%get3A_230, %get3A_231] {strides = array<i32>} : memref<32x128xf32, #tpu.memory_space<vmem>>, vector<1x16xf32>,
          %get3A_233 = vector.shape_cast %get3A_232 : vector<1x16xf32> to vector<16xf32>
          %get3A_234 = arith.index_cast %add3A_162 : i32 to index
          %get3A_235 = arith.constant 32 : index
          %get3A_236 = tpu.vector_load %arg16[%get3A_234, %get3A_235] {strides = array<i32>} : memref<32x128xf32, #tpu.memory_space<vmem>>, vector<1x16xf32>,
          %get3A_237 = vector.shape_cast %get3A_236 : vector<1x16xf32> to vector<16xf32>
          %get3A_238 = arith.index_cast %add3A_162 : i32 to index
          %get3A_239 = arith.constant 48 : index
          %get3A_240 = tpu.vector_load %arg16[%get3A_238, %get3A_239] {strides = array<i32>} : memref<32x128xf32, #tpu.memory_space<vmem>>, vector<1x16xf32>,
          %get3A_241 = vector.shape_cast %get3A_240 : vector<1x16xf32> to vector<16xf32>
          %get3A_242 = arith.index_cast %add3A_162 : i32 to index
          %get3A_243 = arith.constant 64 : index
          %get3A_244 = tpu.vector_load %arg16[%get3A_242, %get3A_243] {strides = array<i32>} : memref<32x128xf32, #tpu.memory_space<vmem>>, vector<1x16xf32>,
          %get3A_245 = vector.shape_cast %get3A_244 : vector<1x16xf32> to vector<16xf32>
          %get3A_246 = arith.index_cast %add3A_162 : i32 to index
          %get3A_247 = arith.constant 80 : index
          %get3A_248 = tpu.vector_load %arg16[%get3A_246, %get3A_247] {strides = array<i32>} : memref<32x128xf32, #tpu.memory_space<vmem>>, vector<1x16xf32>,
          %get3A_249 = vector.shape_cast %get3A_248 : vector<1x16xf32> to vector<16xf32>
          %get3A_250 = arith.index_cast %add3A_162 : i32 to index
          %get3A_251 = arith.constant 96 : index
          %get3A_252 = tpu.vector_load %arg16[%get3A_250, %get3A_251] {strides = array<i32>} : memref<32x128xf32, #tpu.memory_space<vmem>>, vector<1x16xf32>,
          %get3A_253 = vector.shape_cast %get3A_252 : vector<1x16xf32> to vector<16xf32>
          %get3A_254 = arith.index_cast %add3A_162 : i32 to index
          %get3A_255 = arith.constant 112 : index
          %get3A_256 = tpu.vector_load %arg16[%get3A_254, %get3A_255] {strides = array<i32>} : memref<32x128xf32, #tpu.memory_space<vmem>>, vector<1x16xf32>,
          %get3A_257 = vector.shape_cast %get3A_256 : vector<1x16xf32> to vector<16xf32>
          %mul3A_258 = arith.mulf %get3A_165, %get3A_165 : vector<16xf32>
          %mul3A_259 = arith.mulf %get3A_197, %get3A_197 : vector<16xf32>
          %mul3A_260 = arith.mulf %get3A_229, %get3A_229 : vector<16xf32>
          %mul3A_261 = arith.mulf %get3A_169, %get3A_169 : vector<16xf32>
          %add3A_262 = arith.addf %mul3A_258, %mul3A_261 : vector<16xf32>
          %mul3A_263 = arith.mulf %get3A_201, %get3A_201 : vector<16xf32>
          %add3A_264 = arith.addf %mul3A_259, %mul3A_263 : vector<16xf32>
          %mul3A_265 = arith.mulf %get3A_233, %get3A_233 : vector<16xf32>
          %add3A_266 = arith.addf %mul3A_260, %mul3A_265 : vector<16xf32>
          %mul3A_267 = arith.mulf %get3A_173, %get3A_173 : vector<16xf32>
          %add3A_268 = arith.addf %add3A_262, %mul3A_267 : vector<16xf32>
          %mul3A_269 = arith.mulf %get3A_205, %get3A_205 : vector<16xf32>
          %add3A_270 = arith.addf %add3A_264, %mul3A_269 : vector<16xf32>
          %mul3A_271 = arith.mulf %get3A_237, %get3A_237 : vector<16xf32>
          %add3A_272 = arith.addf %add3A_266, %mul3A_271 : vector<16xf32>
          %mul3A_273 = arith.mulf %get3A_177, %get3A_177 : vector<16xf32>
          %add3A_274 = arith.addf %add3A_268, %mul3A_273 : vector<16xf32>
          %mul3A_275 = arith.mulf %get3A_209, %get3A_209 : vector<16xf32>
          %add3A_276 = arith.addf %add3A_270, %mul3A_275 : vector<16xf32>
          %mul3A_277 = arith.mulf %get3A_241, %get3A_241 : vector<16xf32>
          %add3A_278 = arith.addf %add3A_272, %mul3A_277 : vector<16xf32>
          %mul3A_279 = arith.mulf %get3A_181, %get3A_181 : vector<16xf32>
          %add3A_280 = arith.addf %add3A_274, %mul3A_279 : vector<16xf32>
          %mul3A_281 = arith.mulf %get3A_213, %get3A_213 : vector<16xf32>
          %add3A_282 = arith.addf %add3A_276, %mul3A_281 : vector<16xf32>
          %mul3A_283 = arith.mulf %get3A_245, %get3A_245 : vector<16xf32>
          %add3A_284 = arith.addf %add3A_278, %mul3A_283 : vector<16xf32>
          %mul3A_285 = arith.mulf %get3A_185, %get3A_185 : vector<16xf32>
          %add3A_286 = arith.addf %add3A_280, %mul3A_285 : vector<16xf32>
          %mul3A_287 = arith.mulf %get3A_217, %get3A_217 : vector<16xf32>
          %add3A_288 = arith.addf %add3A_282, %mul3A_287 : vector<16xf32>
          %mul3A_289 = arith.mulf %get3A_249, %get3A_249 : vector<16xf32>
          %add3A_290 = arith.addf %add3A_284, %mul3A_289 : vector<16xf32>
          %mul3A_291 = arith.mulf %get3A_189, %get3A_189 : vector<16xf32>
          %add3A_292 = arith.addf %add3A_286, %mul3A_291 : vector<16xf32>
          %mul3A_293 = arith.mulf %get3A_221, %get3A_221 : vector<16xf32>
          %add3A_294 = arith.addf %add3A_288, %mul3A_293 : vector<16xf32>
          %mul3A_295 = arith.mulf %get3A_253, %get3A_253 : vector<16xf32>
          %add3A_296 = arith.addf %add3A_290, %mul3A_295 : vector<16xf32>
          %mul3A_297 = arith.mulf %get3A_193, %get3A_193 : vector<16xf32>
          %add3A_298 = arith.addf %add3A_292, %mul3A_297 : vector<16xf32>
          %mul3A_299 = arith.mulf %get3A_225, %get3A_225 : vector<16xf32>
          %add3A_300 = arith.addf %add3A_294, %mul3A_299 : vector<16xf32>
          %mul3A_301 = arith.mulf %get3A_257, %get3A_257 : vector<16xf32>
          %add3A_302 = arith.addf %add3A_296, %mul3A_301 : vector<16xf32>
          %xor3A = arith.constant 1 : i32
          %xor3A_303 = vector.broadcast %xor3A : i32 to vector<16xi32>
          %xor3A_304 = arith.xori %iota3A, %xor3A_303 : vector<16xi32>
          %lt3A = arith.constant 0 : i32
          %lt3A_305 = vector.broadcast %lt3A : i32 to vector<16xi32>
          %lt3A_306 = arith.cmpi slt, %xor3A_304, %lt3A_305 : vector<16xi32>
          %add3A_307 = arith.constant 16 : i32
          %add3A_308 = vector.broadcast %add3A_307 : i32 to vector<16xi32>
          %add3A_309 = arith.addi %xor3A_304, %add3A_308 : vector<16xi32>
          %select_n3A = arith.select %lt3A_306, %add3A_309, %xor3A_304 : vector<16xi1>, vector<16xi32>
          %broadcast_in_dim3A_310 = vector.shape_cast %select_n3A : vector<16xi32> to vector<16x1xi32>
          %gather3A = vector.shape_cast %broadcast_in_dim3A_310 : vector<16x1xi32> to vector<16xi32>
          %gather3A_311 = tpu.dynamic_gather %add3A_298[%gather3A] in [0] : vector<16xf32>, vector<16xi32> -> vector<16xf32>
          %add3A_312 = arith.addf %add3A_298, %gather3A_311 : vector<16xf32>
          %xor3A_313 = arith.constant 2 : i32
          %xor3A_314 = vector.broadcast %xor3A_313 : i32 to vector<16xi32>
          %xor3A_315 = arith.xori %iota3A, %xor3A_314 : vector<16xi32>
          %lt3A_316 = arith.constant 0 : i32
          %lt3A_317 = vector.broadcast %lt3A_316 : i32 to vector<16xi32>
          %lt3A_318 = arith.cmpi slt, %xor3A_315, %lt3A_317 : vector<16xi32>
          %add3A_319 = arith.constant 16 : i32
          %add3A_320 = vector.broadcast %add3A_319 : i32 to vector<16xi32>
          %add3A_321 = arith.addi %xor3A_315, %add3A_320 : vector<16xi32>
          %select_n3A_322 = arith.select %lt3A_318, %add3A_321, %xor3A_315 : vector<16xi1>, vector<16xi32>
          %broadcast_in_dim3A_323 = vector.shape_cast %select_n3A_322 : vector<16xi32> to vector<16x1xi32>
          %gather3A_324 = vector.shape_cast %broadcast_in_dim3A_323 : vector<16x1xi32> to vector<16xi32>
          %gather3A_325 = tpu.dynamic_gather %add3A_312[%gather3A_324] in [0] : vector<16xf32>, vector<16xi32> -> vector<16xf32>
          %add3A_326 = arith.addf %add3A_312, %gather3A_325 : vector<16xf32>
          %xor3A_327 = arith.constant 4 : i32
          %xor3A_328 = vector.broadcast %xor3A_327 : i32 to vector<16xi32>
          %xor3A_329 = arith.xori %iota3A, %xor3A_328 : vector<16xi32>
          %lt3A_330 = arith.constant 0 : i32
          %lt3A_331 = vector.broadcast %lt3A_330 : i32 to vector<16xi32>
          %lt3A_332 = arith.cmpi slt, %xor3A_329, %lt3A_331 : vector<16xi32>
          %add3A_333 = arith.constant 16 : i32
          %add3A_334 = vector.broadcast %add3A_333 : i32 to vector<16xi32>
          %add3A_335 = arith.addi %xor3A_329, %add3A_334 : vector<16xi32>
          %select_n3A_336 = arith.select %lt3A_332, %add3A_335, %xor3A_329 : vector<16xi1>, vector<16xi32>
          %broadcast_in_dim3A_337 = vector.shape_cast %select_n3A_336 : vector<16xi32> to vector<16x1xi32>
          %gather3A_338 = vector.shape_cast %broadcast_in_dim3A_337 : vector<16x1xi32> to vector<16xi32>
          %gather3A_339 = tpu.dynamic_gather %add3A_326[%gather3A_338] in [0] : vector<16xf32>, vector<16xi32> -> vector<16xf32>
          %add3A_340 = arith.addf %add3A_326, %gather3A_339 : vector<16xf32>
          %xor3A_341 = arith.constant 8 : i32
          %xor3A_342 = vector.broadcast %xor3A_341 : i32 to vector<16xi32>
          %xor3A_343 = arith.xori %iota3A, %xor3A_342 : vector<16xi32>
          %lt3A_344 = arith.constant 0 : i32
          %lt3A_345 = vector.broadcast %lt3A_344 : i32 to vector<16xi32>
          %lt3A_346 = arith.cmpi slt, %xor3A_343, %lt3A_345 : vector<16xi32>
          %add3A_347 = arith.constant 16 : i32
          %add3A_348 = vector.broadcast %add3A_347 : i32 to vector<16xi32>
          %add3A_349 = arith.addi %xor3A_343, %add3A_348 : vector<16xi32>
          %select_n3A_350 = arith.select %lt3A_346, %add3A_349, %xor3A_343 : vector<16xi1>, vector<16xi32>
          %broadcast_in_dim3A_351 = vector.shape_cast %select_n3A_350 : vector<16xi32> to vector<16x1xi32>
          %gather3A_352 = vector.shape_cast %broadcast_in_dim3A_351 : vector<16x1xi32> to vector<16xi32>
          %gather3A_353 = tpu.dynamic_gather %add3A_340[%gather3A_352] in [0] : vector<16xf32>, vector<16xi32> -> vector<16xf32>
          %add3A_354 = arith.addf %add3A_340, %gather3A_353 : vector<16xf32>
          %max3A = arith.constant 1.000000e-24 : f32
          %max3A_355 = vector.broadcast %max3A : f32 to vector<16xf32>
          %max3A_356 = arith.maximumf %add3A_354, %max3A_355 : vector<16xf32>
          %bitcast_convert_type3A = tpu.bitcast %max3A_356 : vector<16xf32> -> vector<16xi32>
          %shift_right_arithmetic3A = arith.constant 1 : i32
          %shift_right_arithmetic3A_357 = vector.broadcast %shift_right_arithmetic3A : i32 to vector<16xi32>
          %shift_right_arithmetic3A_358 = arith.shrsi %bitcast_convert_type3A, %shift_right_arithmetic3A_357 : vector<16xi32>
          %sub3A = arith.constant 1597463007 : i32
          %sub3A_359 = vector.broadcast %sub3A : i32 to vector<16xi32>
          %sub3A_360 = arith.subi %sub3A_359, %shift_right_arithmetic3A_358 : vector<16xi32>
          %bitcast_convert_type3A_361 = tpu.bitcast %sub3A_360 : vector<16xi32> -> vector<16xf32>
          %mul3A_362 = arith.constant 5.000000e-01 : f32
          %mul3A_363 = vector.broadcast %mul3A_362 : f32 to vector<16xf32>
          %mul3A_364 = arith.mulf %mul3A_363, %max3A_356 : vector<16xf32>
          %mul3A_365 = arith.mulf %mul3A_364, %bitcast_convert_type3A_361 : vector<16xf32>
          %mul3A_366 = arith.mulf %mul3A_365, %bitcast_convert_type3A_361 : vector<16xf32>
          %sub3A_367 = arith.constant 1.500000e+00 : f32
          %sub3A_368 = vector.broadcast %sub3A_367 : f32 to vector<16xf32>
          %sub3A_369 = arith.subf %sub3A_368, %mul3A_366 : vector<16xf32>
          %mul3A_370 = arith.mulf %bitcast_convert_type3A_361, %sub3A_369 : vector<16xf32>
          %xor3A_371 = arith.constant 1 : i32
          %xor3A_372 = vector.broadcast %xor3A_371 : i32 to vector<16xi32>
          %xor3A_373 = arith.xori %iota3A, %xor3A_372 : vector<16xi32>
          %lt3A_374 = arith.constant 0 : i32
          %lt3A_375 = vector.broadcast %lt3A_374 : i32 to vector<16xi32>
          %lt3A_376 = arith.cmpi slt, %xor3A_373, %lt3A_375 : vector<16xi32>
          %add3A_377 = arith.constant 16 : i32
          %add3A_378 = vector.broadcast %add3A_377 : i32 to vector<16xi32>
          %add3A_379 = arith.addi %xor3A_373, %add3A_378 : vector<16xi32>
          %select_n3A_380 = arith.select %lt3A_376, %add3A_379, %xor3A_373 : vector<16xi1>, vector<16xi32>
          %broadcast_in_dim3A_381 = vector.shape_cast %select_n3A_380 : vector<16xi32> to vector<16x1xi32>
          %gather3A_382 = vector.shape_cast %broadcast_in_dim3A_381 : vector<16x1xi32> to vector<16xi32>
          %gather3A_383 = tpu.dynamic_gather %add3A_300[%gather3A_382] in [0] : vector<16xf32>, vector<16xi32> -> vector<16xf32>
          %add3A_384 = arith.addf %add3A_300, %gather3A_383 : vector<16xf32>
          %xor3A_385 = arith.constant 2 : i32
          %xor3A_386 = vector.broadcast %xor3A_385 : i32 to vector<16xi32>
          %xor3A_387 = arith.xori %iota3A, %xor3A_386 : vector<16xi32>
          %lt3A_388 = arith.constant 0 : i32
          %lt3A_389 = vector.broadcast %lt3A_388 : i32 to vector<16xi32>
          %lt3A_390 = arith.cmpi slt, %xor3A_387, %lt3A_389 : vector<16xi32>
          %add3A_391 = arith.constant 16 : i32
          %add3A_392 = vector.broadcast %add3A_391 : i32 to vector<16xi32>
          %add3A_393 = arith.addi %xor3A_387, %add3A_392 : vector<16xi32>
          %select_n3A_394 = arith.select %lt3A_390, %add3A_393, %xor3A_387 : vector<16xi1>, vector<16xi32>
          %broadcast_in_dim3A_395 = vector.shape_cast %select_n3A_394 : vector<16xi32> to vector<16x1xi32>
          %gather3A_396 = vector.shape_cast %broadcast_in_dim3A_395 : vector<16x1xi32> to vector<16xi32>
          %gather3A_397 = tpu.dynamic_gather %add3A_384[%gather3A_396] in [0] : vector<16xf32>, vector<16xi32> -> vector<16xf32>
          %add3A_398 = arith.addf %add3A_384, %gather3A_397 : vector<16xf32>
          %xor3A_399 = arith.constant 4 : i32
          %xor3A_400 = vector.broadcast %xor3A_399 : i32 to vector<16xi32>
          %xor3A_401 = arith.xori %iota3A, %xor3A_400 : vector<16xi32>
          %lt3A_402 = arith.constant 0 : i32
          %lt3A_403 = vector.broadcast %lt3A_402 : i32 to vector<16xi32>
          %lt3A_404 = arith.cmpi slt, %xor3A_401, %lt3A_403 : vector<16xi32>
          %add3A_405 = arith.constant 16 : i32
          %add3A_406 = vector.broadcast %add3A_405 : i32 to vector<16xi32>
          %add3A_407 = arith.addi %xor3A_401, %add3A_406 : vector<16xi32>
          %select_n3A_408 = arith.select %lt3A_404, %add3A_407, %xor3A_401 : vector<16xi1>, vector<16xi32>
          %broadcast_in_dim3A_409 = vector.shape_cast %select_n3A_408 : vector<16xi32> to vector<16x1xi32>
          %gather3A_410 = vector.shape_cast %broadcast_in_dim3A_409 : vector<16x1xi32> to vector<16xi32>
          %gather3A_411 = tpu.dynamic_gather %add3A_398[%gather3A_410] in [0] : vector<16xf32>, vector<16xi32> -> vector<16xf32>
          %add3A_412 = arith.addf %add3A_398, %gather3A_411 : vector<16xf32>
          %xor3A_413 = arith.constant 8 : i32
          %xor3A_414 = vector.broadcast %xor3A_413 : i32 to vector<16xi32>
          %xor3A_415 = arith.xori %iota3A, %xor3A_414 : vector<16xi32>
          %lt3A_416 = arith.constant 0 : i32
          %lt3A_417 = vector.broadcast %lt3A_416 : i32 to vector<16xi32>
          %lt3A_418 = arith.cmpi slt, %xor3A_415, %lt3A_417 : vector<16xi32>
          %add3A_419 = arith.constant 16 : i32
          %add3A_420 = vector.broadcast %add3A_419 : i32 to vector<16xi32>
          %add3A_421 = arith.addi %xor3A_415, %add3A_420 : vector<16xi32>
          %select_n3A_422 = arith.select %lt3A_418, %add3A_421, %xor3A_415 : vector<16xi1>, vector<16xi32>
          %broadcast_in_dim3A_423 = vector.shape_cast %select_n3A_422 : vector<16xi32> to vector<16x1xi32>
          %gather3A_424 = vector.shape_cast %broadcast_in_dim3A_423 : vector<16x1xi32> to vector<16xi32>
          %gather3A_425 = tpu.dynamic_gather %add3A_412[%gather3A_424] in [0] : vector<16xf32>, vector<16xi32> -> vector<16xf32>
          %add3A_426 = arith.addf %add3A_412, %gather3A_425 : vector<16xf32>
          %max3A_427 = arith.constant 1.000000e-24 : f32
          %max3A_428 = vector.broadcast %max3A_427 : f32 to vector<16xf32>
          %max3A_429 = arith.maximumf %add3A_426, %max3A_428 : vector<16xf32>
          %bitcast_convert_type3A_430 = tpu.bitcast %max3A_429 : vector<16xf32> -> vector<16xi32>
          %shift_right_arithmetic3A_431 = arith.constant 1 : i32
          %shift_right_arithmetic3A_432 = vector.broadcast %shift_right_arithmetic3A_431 : i32 to vector<16xi32>
          %shift_right_arithmetic3A_433 = arith.shrsi %bitcast_convert_type3A_430, %shift_right_arithmetic3A_432 : vector<16xi32>
          %sub3A_434 = arith.constant 1597463007 : i32
          %sub3A_435 = vector.broadcast %sub3A_434 : i32 to vector<16xi32>
          %sub3A_436 = arith.subi %sub3A_435, %shift_right_arithmetic3A_433 : vector<16xi32>
          %bitcast_convert_type3A_437 = tpu.bitcast %sub3A_436 : vector<16xi32> -> vector<16xf32>
          %mul3A_438 = arith.constant 5.000000e-01 : f32
          %mul3A_439 = vector.broadcast %mul3A_438 : f32 to vector<16xf32>
          %mul3A_440 = arith.mulf %mul3A_439, %max3A_429 : vector<16xf32>
          %mul3A_441 = arith.mulf %mul3A_440, %bitcast_convert_type3A_437 : vector<16xf32>
          %mul3A_442 = arith.mulf %mul3A_441, %bitcast_convert_type3A_437 : vector<16xf32>
          %sub3A_443 = arith.constant 1.500000e+00 : f32
          %sub3A_444 = vector.broadcast %sub3A_443 : f32 to vector<16xf32>
          %sub3A_445 = arith.subf %sub3A_444, %mul3A_442 : vector<16xf32>
          %mul3A_446 = arith.mulf %bitcast_convert_type3A_437, %sub3A_445 : vector<16xf32>
          %xor3A_447 = arith.constant 1 : i32
          %xor3A_448 = vector.broadcast %xor3A_447 : i32 to vector<16xi32>
          %xor3A_449 = arith.xori %iota3A, %xor3A_448 : vector<16xi32>
          %lt3A_450 = arith.constant 0 : i32
          %lt3A_451 = vector.broadcast %lt3A_450 : i32 to vector<16xi32>
          %lt3A_452 = arith.cmpi slt, %xor3A_449, %lt3A_451 : vector<16xi32>
          %add3A_453 = arith.constant 16 : i32
          %add3A_454 = vector.broadcast %add3A_453 : i32 to vector<16xi32>
          %add3A_455 = arith.addi %xor3A_449, %add3A_454 : vector<16xi32>
          %select_n3A_456 = arith.select %lt3A_452, %add3A_455, %xor3A_449 : vector<16xi1>, vector<16xi32>
          %broadcast_in_dim3A_457 = vector.shape_cast %select_n3A_456 : vector<16xi32> to vector<16x1xi32>
          %gather3A_458 = vector.shape_cast %broadcast_in_dim3A_457 : vector<16x1xi32> to vector<16xi32>
          %gather3A_459 = tpu.dynamic_gather %add3A_302[%gather3A_458] in [0] : vector<16xf32>, vector<16xi32> -> vector<16xf32>
          %add3A_460 = arith.addf %add3A_302, %gather3A_459 : vector<16xf32>
          %xor3A_461 = arith.constant 2 : i32
          %xor3A_462 = vector.broadcast %xor3A_461 : i32 to vector<16xi32>
          %xor3A_463 = arith.xori %iota3A, %xor3A_462 : vector<16xi32>
          %lt3A_464 = arith.constant 0 : i32
          %lt3A_465 = vector.broadcast %lt3A_464 : i32 to vector<16xi32>
          %lt3A_466 = arith.cmpi slt, %xor3A_463, %lt3A_465 : vector<16xi32>
          %add3A_467 = arith.constant 16 : i32
          %add3A_468 = vector.broadcast %add3A_467 : i32 to vector<16xi32>
          %add3A_469 = arith.addi %xor3A_463, %add3A_468 : vector<16xi32>
          %select_n3A_470 = arith.select %lt3A_466, %add3A_469, %xor3A_463 : vector<16xi1>, vector<16xi32>
          %broadcast_in_dim3A_471 = vector.shape_cast %select_n3A_470 : vector<16xi32> to vector<16x1xi32>
          %gather3A_472 = vector.shape_cast %broadcast_in_dim3A_471 : vector<16x1xi32> to vector<16xi32>
          %gather3A_473 = tpu.dynamic_gather %add3A_460[%gather3A_472] in [0] : vector<16xf32>, vector<16xi32> -> vector<16xf32>
          %add3A_474 = arith.addf %add3A_460, %gather3A_473 : vector<16xf32>
          %xor3A_475 = arith.constant 4 : i32
          %xor3A_476 = vector.broadcast %xor3A_475 : i32 to vector<16xi32>
          %xor3A_477 = arith.xori %iota3A, %xor3A_476 : vector<16xi32>
          %lt3A_478 = arith.constant 0 : i32
          %lt3A_479 = vector.broadcast %lt3A_478 : i32 to vector<16xi32>
          %lt3A_480 = arith.cmpi slt, %xor3A_477, %lt3A_479 : vector<16xi32>
          %add3A_481 = arith.constant 16 : i32
          %add3A_482 = vector.broadcast %add3A_481 : i32 to vector<16xi32>
          %add3A_483 = arith.addi %xor3A_477, %add3A_482 : vector<16xi32>
          %select_n3A_484 = arith.select %lt3A_480, %add3A_483, %xor3A_477 : vector<16xi1>, vector<16xi32>
          %broadcast_in_dim3A_485 = vector.shape_cast %select_n3A_484 : vector<16xi32> to vector<16x1xi32>
          %gather3A_486 = vector.shape_cast %broadcast_in_dim3A_485 : vector<16x1xi32> to vector<16xi32>
          %gather3A_487 = tpu.dynamic_gather %add3A_474[%gather3A_486] in [0] : vector<16xf32>, vector<16xi32> -> vector<16xf32>
          %add3A_488 = arith.addf %add3A_474, %gather3A_487 : vector<16xf32>
          %xor3A_489 = arith.constant 8 : i32
          %xor3A_490 = vector.broadcast %xor3A_489 : i32 to vector<16xi32>
          %xor3A_491 = arith.xori %iota3A, %xor3A_490 : vector<16xi32>
          %lt3A_492 = arith.constant 0 : i32
          %lt3A_493 = vector.broadcast %lt3A_492 : i32 to vector<16xi32>
          %lt3A_494 = arith.cmpi slt, %xor3A_491, %lt3A_493 : vector<16xi32>
          %add3A_495 = arith.constant 16 : i32
          %add3A_496 = vector.broadcast %add3A_495 : i32 to vector<16xi32>
          %add3A_497 = arith.addi %xor3A_491, %add3A_496 : vector<16xi32>
          %select_n3A_498 = arith.select %lt3A_494, %add3A_497, %xor3A_491 : vector<16xi1>, vector<16xi32>
          %broadcast_in_dim3A_499 = vector.shape_cast %select_n3A_498 : vector<16xi32> to vector<16x1xi32>
          %gather3A_500 = vector.shape_cast %broadcast_in_dim3A_499 : vector<16x1xi32> to vector<16xi32>
          %gather3A_501 = tpu.dynamic_gather %add3A_488[%gather3A_500] in [0] : vector<16xf32>, vector<16xi32> -> vector<16xf32>
          %add3A_502 = arith.addf %add3A_488, %gather3A_501 : vector<16xf32>
          %max3A_503 = arith.constant 1.000000e-24 : f32
          %max3A_504 = vector.broadcast %max3A_503 : f32 to vector<16xf32>
          %max3A_505 = arith.maximumf %add3A_502, %max3A_504 : vector<16xf32>
          %bitcast_convert_type3A_506 = tpu.bitcast %max3A_505 : vector<16xf32> -> vector<16xi32>
          %shift_right_arithmetic3A_507 = arith.constant 1 : i32
          %shift_right_arithmetic3A_508 = vector.broadcast %shift_right_arithmetic3A_507 : i32 to vector<16xi32>
          %shift_right_arithmetic3A_509 = arith.shrsi %bitcast_convert_type3A_506, %shift_right_arithmetic3A_508 : vector<16xi32>
          %sub3A_510 = arith.constant 1597463007 : i32
          %sub3A_511 = vector.broadcast %sub3A_510 : i32 to vector<16xi32>
          %sub3A_512 = arith.subi %sub3A_511, %shift_right_arithmetic3A_509 : vector<16xi32>
          %bitcast_convert_type3A_513 = tpu.bitcast %sub3A_512 : vector<16xi32> -> vector<16xf32>
          %mul3A_514 = arith.constant 5.000000e-01 : f32
          %mul3A_515 = vector.broadcast %mul3A_514 : f32 to vector<16xf32>
          %mul3A_516 = arith.mulf %mul3A_515, %max3A_505 : vector<16xf32>
          %mul3A_517 = arith.mulf %mul3A_516, %bitcast_convert_type3A_513 : vector<16xf32>
          %mul3A_518 = arith.mulf %mul3A_517, %bitcast_convert_type3A_513 : vector<16xf32>
          %sub3A_519 = arith.constant 1.500000e+00 : f32
          %sub3A_520 = vector.broadcast %sub3A_519 : f32 to vector<16xf32>
          %sub3A_521 = arith.subf %sub3A_520, %mul3A_518 : vector<16xf32>
          %mul3A_522 = arith.mulf %bitcast_convert_type3A_513, %sub3A_521 : vector<16xf32>
          %mul3A_523 = arith.mulf %get3A_165, %mul3A_370 : vector<16xf32>
          %mul3A_524 = arith.mulf %get3A_197, %mul3A_446 : vector<16xf32>
          %add3A_525 = arith.addf %mul3A_523, %mul3A_524 : vector<16xf32>
          %mul3A_526 = arith.mulf %get3A_229, %mul3A_522 : vector<16xf32>
          %sub3A_527 = arith.subf %add3A_525, %mul3A_526 : vector<16xf32>
          %abs3A = math.absf %sub3A_527 : vector<16xf32>
          %mul3A_528 = arith.mulf %get3A_169, %mul3A_370 : vector<16xf32>
          %mul3A_529 = arith.mulf %get3A_201, %mul3A_446 : vector<16xf32>
          %add3A_530 = arith.addf %mul3A_528, %mul3A_529 : vector<16xf32>
          %mul3A_531 = arith.mulf %get3A_233, %mul3A_522 : vector<16xf32>
          %sub3A_532 = arith.subf %add3A_530, %mul3A_531 : vector<16xf32>
          %abs3A_533 = math.absf %sub3A_532 : vector<16xf32>
          %add3A_534 = arith.addf %abs3A, %abs3A_533 : vector<16xf32>
          %mul3A_535 = arith.mulf %get3A_173, %mul3A_370 : vector<16xf32>
          %mul3A_536 = arith.mulf %get3A_205, %mul3A_446 : vector<16xf32>
          %add3A_537 = arith.addf %mul3A_535, %mul3A_536 : vector<16xf32>
          %mul3A_538 = arith.mulf %get3A_237, %mul3A_522 : vector<16xf32>
          %sub3A_539 = arith.subf %add3A_537, %mul3A_538 : vector<16xf32>
          %abs3A_540 = math.absf %sub3A_539 : vector<16xf32>
          %add3A_541 = arith.addf %add3A_534, %abs3A_540 : vector<16xf32>
          %mul3A_542 = arith.mulf %get3A_177, %mul3A_370 : vector<16xf32>
          %mul3A_543 = arith.mulf %get3A_209, %mul3A_446 : vector<16xf32>
          %add3A_544 = arith.addf %mul3A_542, %mul3A_543 : vector<16xf32>
          %mul3A_545 = arith.mulf %get3A_241, %mul3A_522 : vector<16xf32>
          %sub3A_546 = arith.subf %add3A_544, %mul3A_545 : vector<16xf32>
          %abs3A_547 = math.absf %sub3A_546 : vector<16xf32>
          %add3A_548 = arith.addf %add3A_541, %abs3A_547 : vector<16xf32>
          %mul3A_549 = arith.mulf %get3A_181, %mul3A_370 : vector<16xf32>
          %mul3A_550 = arith.mulf %get3A_213, %mul3A_446 : vector<16xf32>
          %add3A_551 = arith.addf %mul3A_549, %mul3A_550 : vector<16xf32>
          %mul3A_552 = arith.mulf %get3A_245, %mul3A_522 : vector<16xf32>
          %sub3A_553 = arith.subf %add3A_551, %mul3A_552 : vector<16xf32>
          %abs3A_554 = math.absf %sub3A_553 : vector<16xf32>
          %add3A_555 = arith.addf %add3A_548, %abs3A_554 : vector<16xf32>
          %mul3A_556 = arith.mulf %get3A_185, %mul3A_370 : vector<16xf32>
          %mul3A_557 = arith.mulf %get3A_217, %mul3A_446 : vector<16xf32>
          %add3A_558 = arith.addf %mul3A_556, %mul3A_557 : vector<16xf32>
          %mul3A_559 = arith.mulf %get3A_249, %mul3A_522 : vector<16xf32>
          %sub3A_560 = arith.subf %add3A_558, %mul3A_559 : vector<16xf32>
          %abs3A_561 = math.absf %sub3A_560 : vector<16xf32>
          %add3A_562 = arith.addf %add3A_555, %abs3A_561 : vector<16xf32>
          %mul3A_563 = arith.mulf %get3A_189, %mul3A_370 : vector<16xf32>
          %mul3A_564 = arith.mulf %get3A_221, %mul3A_446 : vector<16xf32>
          %add3A_565 = arith.addf %mul3A_563, %mul3A_564 : vector<16xf32>
          %mul3A_566 = arith.mulf %get3A_253, %mul3A_522 : vector<16xf32>
          %sub3A_567 = arith.subf %add3A_565, %mul3A_566 : vector<16xf32>
          %abs3A_568 = math.absf %sub3A_567 : vector<16xf32>
          %add3A_569 = arith.addf %add3A_562, %abs3A_568 : vector<16xf32>
          %mul3A_570 = arith.mulf %get3A_193, %mul3A_370 : vector<16xf32>
          %mul3A_571 = arith.mulf %get3A_225, %mul3A_446 : vector<16xf32>
          %add3A_572 = arith.addf %mul3A_570, %mul3A_571 : vector<16xf32>
          %mul3A_573 = arith.mulf %get3A_257, %mul3A_522 : vector<16xf32>
          %sub3A_574 = arith.subf %add3A_572, %mul3A_573 : vector<16xf32>
          %abs3A_575 = math.absf %sub3A_574 : vector<16xf32>
          %add3A_576 = arith.addf %add3A_569, %abs3A_575 : vector<16xf32>
          %xor3A_577 = arith.constant 1 : i32
          %xor3A_578 = vector.broadcast %xor3A_577 : i32 to vector<16xi32>
          %xor3A_579 = arith.xori %iota3A, %xor3A_578 : vector<16xi32>
          %lt3A_580 = arith.constant 0 : i32
          %lt3A_581 = vector.broadcast %lt3A_580 : i32 to vector<16xi32>
          %lt3A_582 = arith.cmpi slt, %xor3A_579, %lt3A_581 : vector<16xi32>
          %add3A_583 = arith.constant 16 : i32
          %add3A_584 = vector.broadcast %add3A_583 : i32 to vector<16xi32>
          %add3A_585 = arith.addi %xor3A_579, %add3A_584 : vector<16xi32>
          %select_n3A_586 = arith.select %lt3A_582, %add3A_585, %xor3A_579 : vector<16xi1>, vector<16xi32>
          %broadcast_in_dim3A_587 = vector.shape_cast %select_n3A_586 : vector<16xi32> to vector<16x1xi32>
          %gather3A_588 = vector.shape_cast %broadcast_in_dim3A_587 : vector<16x1xi32> to vector<16xi32>
          %gather3A_589 = tpu.dynamic_gather %add3A_576[%gather3A_588] in [0] : vector<16xf32>, vector<16xi32> -> vector<16xf32>
          %add3A_590 = arith.addf %add3A_576, %gather3A_589 : vector<16xf32>
          %xor3A_591 = arith.constant 2 : i32
          %xor3A_592 = vector.broadcast %xor3A_591 : i32 to vector<16xi32>
          %xor3A_593 = arith.xori %iota3A, %xor3A_592 : vector<16xi32>
          %lt3A_594 = arith.constant 0 : i32
          %lt3A_595 = vector.broadcast %lt3A_594 : i32 to vector<16xi32>
          %lt3A_596 = arith.cmpi slt, %xor3A_593, %lt3A_595 : vector<16xi32>
          %add3A_597 = arith.constant 16 : i32
          %add3A_598 = vector.broadcast %add3A_597 : i32 to vector<16xi32>
          %add3A_599 = arith.addi %xor3A_593, %add3A_598 : vector<16xi32>
          %select_n3A_600 = arith.select %lt3A_596, %add3A_599, %xor3A_593 : vector<16xi1>, vector<16xi32>
          %broadcast_in_dim3A_601 = vector.shape_cast %select_n3A_600 : vector<16xi32> to vector<16x1xi32>
          %gather3A_602 = vector.shape_cast %broadcast_in_dim3A_601 : vector<16x1xi32> to vector<16xi32>
          %gather3A_603 = tpu.dynamic_gather %add3A_590[%gather3A_602] in [0] : vector<16xf32>, vector<16xi32> -> vector<16xf32>
          %add3A_604 = arith.addf %add3A_590, %gather3A_603 : vector<16xf32>
          %xor3A_605 = arith.constant 4 : i32
          %xor3A_606 = vector.broadcast %xor3A_605 : i32 to vector<16xi32>
          %xor3A_607 = arith.xori %iota3A, %xor3A_606 : vector<16xi32>
          %lt3A_608 = arith.constant 0 : i32
          %lt3A_609 = vector.broadcast %lt3A_608 : i32 to vector<16xi32>
          %lt3A_610 = arith.cmpi slt, %xor3A_607, %lt3A_609 : vector<16xi32>
          %add3A_611 = arith.constant 16 : i32
          %add3A_612 = vector.broadcast %add3A_611 : i32 to vector<16xi32>
          %add3A_613 = arith.addi %xor3A_607, %add3A_612 : vector<16xi32>
          %select_n3A_614 = arith.select %lt3A_610, %add3A_613, %xor3A_607 : vector<16xi1>, vector<16xi32>
          %broadcast_in_dim3A_615 = vector.shape_cast %select_n3A_614 : vector<16xi32> to vector<16x1xi32>
          %gather3A_616 = vector.shape_cast %broadcast_in_dim3A_615 : vector<16x1xi32> to vector<16xi32>
          %gather3A_617 = tpu.dynamic_gather %add3A_604[%gather3A_616] in [0] : vector<16xf32>, vector<16xi32> -> vector<16xf32>
          %add3A_618 = arith.addf %add3A_604, %gather3A_617 : vector<16xf32>
          %xor3A_619 = arith.constant 8 : i32
          %xor3A_620 = vector.broadcast %xor3A_619 : i32 to vector<16xi32>
          %xor3A_621 = arith.xori %iota3A, %xor3A_620 : vector<16xi32>
          %lt3A_622 = arith.constant 0 : i32
          %lt3A_623 = vector.broadcast %lt3A_622 : i32 to vector<16xi32>
          %lt3A_624 = arith.cmpi slt, %xor3A_621, %lt3A_623 : vector<16xi32>
          %add3A_625 = arith.constant 16 : i32
          %add3A_626 = vector.broadcast %add3A_625 : i32 to vector<16xi32>
          %add3A_627 = arith.addi %xor3A_621, %add3A_626 : vector<16xi32>
          %select_n3A_628 = arith.select %lt3A_624, %add3A_627, %xor3A_621 : vector<16xi1>, vector<16xi32>
          %broadcast_in_dim3A_629 = vector.shape_cast %select_n3A_628 : vector<16xi32> to vector<16x1xi32>
          %gather3A_630 = vector.shape_cast %broadcast_in_dim3A_629 : vector<16x1xi32> to vector<16xi32>
          %gather3A_631 = tpu.dynamic_gather %add3A_618[%gather3A_630] in [0] : vector<16xf32>, vector<16xi32> -> vector<16xf32>
          %add3A_632 = arith.addf %add3A_618, %gather3A_631 : vector<16xf32>
          %mul3A_633 = arith.constant 16 : i32
          %mul3A_634 = arith.muli %add3A_139, %mul3A_633 : i32
          %add3A_635 = arith.addi %mul3A_634, %add3A_159 : i32
          %add3A_636 = arith.constant 1 : i32
          %add3A_637 = arith.addi %add3A_635, %add3A_636 : i32
          %get3A_638 = arith.index_cast %add3A_637 : i32 to index
          %get3A_639 = arith.constant 0 : index
          %get3A_640 = tpu.vector_load %arg14[%get3A_638, %get3A_639] {strides = array<i32>} : memref<32x128xf32, #tpu.memory_space<vmem>>, vector<1x16xf32>,
          %get3A_641 = vector.shape_cast %get3A_640 : vector<1x16xf32> to vector<16xf32>
          %get3A_642 = arith.index_cast %add3A_637 : i32 to index
          %get3A_643 = arith.constant 16 : index
          %get3A_644 = tpu.vector_load %arg14[%get3A_642, %get3A_643] {strides = array<i32>} : memref<32x128xf32, #tpu.memory_space<vmem>>, vector<1x16xf32>,
          %get3A_645 = vector.shape_cast %get3A_644 : vector<1x16xf32> to vector<16xf32>
          %get3A_646 = arith.index_cast %add3A_637 : i32 to index
          %get3A_647 = arith.constant 32 : index
          %get3A_648 = tpu.vector_load %arg14[%get3A_646, %get3A_647] {strides = array<i32>} : memref<32x128xf32, #tpu.memory_space<vmem>>, vector<1x16xf32>,
          %get3A_649 = vector.shape_cast %get3A_648 : vector<1x16xf32> to vector<16xf32>
          %get3A_650 = arith.index_cast %add3A_637 : i32 to index
          %get3A_651 = arith.constant 48 : index
          %get3A_652 = tpu.vector_load %arg14[%get3A_650, %get3A_651] {strides = array<i32>} : memref<32x128xf32, #tpu.memory_space<vmem>>, vector<1x16xf32>,
          %get3A_653 = vector.shape_cast %get3A_652 : vector<1x16xf32> to vector<16xf32>
          %get3A_654 = arith.index_cast %add3A_637 : i32 to index
          %get3A_655 = arith.constant 64 : index
          %get3A_656 = tpu.vector_load %arg14[%get3A_654, %get3A_655] {strides = array<i32>} : memref<32x128xf32, #tpu.memory_space<vmem>>, vector<1x16xf32>,
          %get3A_657 = vector.shape_cast %get3A_656 : vector<1x16xf32> to vector<16xf32>
          %get3A_658 = arith.index_cast %add3A_637 : i32 to index
          %get3A_659 = arith.constant 80 : index
          %get3A_660 = tpu.vector_load %arg14[%get3A_658, %get3A_659] {strides = array<i32>} : memref<32x128xf32, #tpu.memory_space<vmem>>, vector<1x16xf32>,
          %get3A_661 = vector.shape_cast %get3A_660 : vector<1x16xf32> to vector<16xf32>
          %get3A_662 = arith.index_cast %add3A_637 : i32 to index
          %get3A_663 = arith.constant 96 : index
          %get3A_664 = tpu.vector_load %arg14[%get3A_662, %get3A_663] {strides = array<i32>} : memref<32x128xf32, #tpu.memory_space<vmem>>, vector<1x16xf32>,
          %get3A_665 = vector.shape_cast %get3A_664 : vector<1x16xf32> to vector<16xf32>
          %get3A_666 = arith.index_cast %add3A_637 : i32 to index
          %get3A_667 = arith.constant 112 : index
          %get3A_668 = tpu.vector_load %arg14[%get3A_666, %get3A_667] {strides = array<i32>} : memref<32x128xf32, #tpu.memory_space<vmem>>, vector<1x16xf32>,
          %get3A_669 = vector.shape_cast %get3A_668 : vector<1x16xf32> to vector<16xf32>
          %get3A_670 = arith.index_cast %add3A_637 : i32 to index
          %get3A_671 = arith.constant 0 : index
          %get3A_672 = tpu.vector_load %arg15[%get3A_670, %get3A_671] {strides = array<i32>} : memref<32x128xf32, #tpu.memory_space<vmem>>, vector<1x16xf32>,
          %get3A_673 = vector.shape_cast %get3A_672 : vector<1x16xf32> to vector<16xf32>
          %get3A_674 = arith.index_cast %add3A_637 : i32 to index
          %get3A_675 = arith.constant 16 : index
          %get3A_676 = tpu.vector_load %arg15[%get3A_674, %get3A_675] {strides = array<i32>} : memref<32x128xf32, #tpu.memory_space<vmem>>, vector<1x16xf32>,
          %get3A_677 = vector.shape_cast %get3A_676 : vector<1x16xf32> to vector<16xf32>
          %get3A_678 = arith.index_cast %add3A_637 : i32 to index
          %get3A_679 = arith.constant 32 : index
          %get3A_680 = tpu.vector_load %arg15[%get3A_678, %get3A_679] {strides = array<i32>} : memref<32x128xf32, #tpu.memory_space<vmem>>, vector<1x16xf32>,
          %get3A_681 = vector.shape_cast %get3A_680 : vector<1x16xf32> to vector<16xf32>
          %get3A_682 = arith.index_cast %add3A_637 : i32 to index
          %get3A_683 = arith.constant 48 : index
          %get3A_684 = tpu.vector_load %arg15[%get3A_682, %get3A_683] {strides = array<i32>} : memref<32x128xf32, #tpu.memory_space<vmem>>, vector<1x16xf32>,
          %get3A_685 = vector.shape_cast %get3A_684 : vector<1x16xf32> to vector<16xf32>
          %get3A_686 = arith.index_cast %add3A_637 : i32 to index
          %get3A_687 = arith.constant 64 : index
          %get3A_688 = tpu.vector_load %arg15[%get3A_686, %get3A_687] {strides = array<i32>} : memref<32x128xf32, #tpu.memory_space<vmem>>, vector<1x16xf32>,
          %get3A_689 = vector.shape_cast %get3A_688 : vector<1x16xf32> to vector<16xf32>
          %get3A_690 = arith.index_cast %add3A_637 : i32 to index
          %get3A_691 = arith.constant 80 : index
          %get3A_692 = tpu.vector_load %arg15[%get3A_690, %get3A_691] {strides = array<i32>} : memref<32x128xf32, #tpu.memory_space<vmem>>, vector<1x16xf32>,
          %get3A_693 = vector.shape_cast %get3A_692 : vector<1x16xf32> to vector<16xf32>
          %get3A_694 = arith.index_cast %add3A_637 : i32 to index
          %get3A_695 = arith.constant 96 : index
          %get3A_696 = tpu.vector_load %arg15[%get3A_694, %get3A_695] {strides = array<i32>} : memref<32x128xf32, #tpu.memory_space<vmem>>, vector<1x16xf32>,
          %get3A_697 = vector.shape_cast %get3A_696 : vector<1x16xf32> to vector<16xf32>
          %get3A_698 = arith.index_cast %add3A_637 : i32 to index
          %get3A_699 = arith.constant 112 : index
          %get3A_700 = tpu.vector_load %arg15[%get3A_698, %get3A_699] {strides = array<i32>} : memref<32x128xf32, #tpu.memory_space<vmem>>, vector<1x16xf32>,
          %get3A_701 = vector.shape_cast %get3A_700 : vector<1x16xf32> to vector<16xf32>
          %get3A_702 = arith.index_cast %add3A_637 : i32 to index
          %get3A_703 = arith.constant 0 : index
          %get3A_704 = tpu.vector_load %arg16[%get3A_702, %get3A_703] {strides = array<i32>} : memref<32x128xf32, #tpu.memory_space<vmem>>, vector<1x16xf32>,
          %get3A_705 = vector.shape_cast %get3A_704 : vector<1x16xf32> to vector<16xf32>
          %get3A_706 = arith.index_cast %add3A_637 : i32 to index
          %get3A_707 = arith.constant 16 : index
          %get3A_708 = tpu.vector_load %arg16[%get3A_706, %get3A_707] {strides = array<i32>} : memref<32x128xf32, #tpu.memory_space<vmem>>, vector<1x16xf32>,
          %get3A_709 = vector.shape_cast %get3A_708 : vector<1x16xf32> to vector<16xf32>
          %get3A_710 = arith.index_cast %add3A_637 : i32 to index
          %get3A_711 = arith.constant 32 : index
          %get3A_712 = tpu.vector_load %arg16[%get3A_710, %get3A_711] {strides = array<i32>} : memref<32x128xf32, #tpu.memory_space<vmem>>, vector<1x16xf32>,
          %get3A_713 = vector.shape_cast %get3A_712 : vector<1x16xf32> to vector<16xf32>
          %get3A_714 = arith.index_cast %add3A_637 : i32 to index
          %get3A_715 = arith.constant 48 : index
          %get3A_716 = tpu.vector_load %arg16[%get3A_714, %get3A_715] {strides = array<i32>} : memref<32x128xf32, #tpu.memory_space<vmem>>, vector<1x16xf32>,
          %get3A_717 = vector.shape_cast %get3A_716 : vector<1x16xf32> to vector<16xf32>
          %get3A_718 = arith.index_cast %add3A_637 : i32 to index
          %get3A_719 = arith.constant 64 : index
          %get3A_720 = tpu.vector_load %arg16[%get3A_718, %get3A_719] {strides = array<i32>} : memref<32x128xf32, #tpu.memory_space<vmem>>, vector<1x16xf32>,
          %get3A_721 = vector.shape_cast %get3A_720 : vector<1x16xf32> to vector<16xf32>
          %get3A_722 = arith.index_cast %add3A_637 : i32 to index
          %get3A_723 = arith.constant 80 : index
          %get3A_724 = tpu.vector_load %arg16[%get3A_722, %get3A_723] {strides = array<i32>} : memref<32x128xf32, #tpu.memory_space<vmem>>, vector<1x16xf32>,
          %get3A_725 = vector.shape_cast %get3A_724 : vector<1x16xf32> to vector<16xf32>
          %get3A_726 = arith.index_cast %add3A_637 : i32 to index
          %get3A_727 = arith.constant 96 : index
          %get3A_728 = tpu.vector_load %arg16[%get3A_726, %get3A_727] {strides = array<i32>} : memref<32x128xf32, #tpu.memory_space<vmem>>, vector<1x16xf32>,
          %get3A_729 = vector.shape_cast %get3A_728 : vector<1x16xf32> to vector<16xf32>
          %get3A_730 = arith.index_cast %add3A_637 : i32 to index
          %get3A_731 = arith.constant 112 : index
          %get3A_732 = tpu.vector_load %arg16[%get3A_730, %get3A_731] {strides = array<i32>} : memref<32x128xf32, #tpu.memory_space<vmem>>, vector<1x16xf32>,
          %get3A_733 = vector.shape_cast %get3A_732 : vector<1x16xf32> to vector<16xf32>
          %mul3A_734 = arith.mulf %get3A_641, %get3A_641 : vector<16xf32>
          %mul3A_735 = arith.mulf %get3A_673, %get3A_673 : vector<16xf32>
          %mul3A_736 = arith.mulf %get3A_705, %get3A_705 : vector<16xf32>
          %mul3A_737 = arith.mulf %get3A_645, %get3A_645 : vector<16xf32>
          %add3A_738 = arith.addf %mul3A_734, %mul3A_737 : vector<16xf32>
          %mul3A_739 = arith.mulf %get3A_677, %get3A_677 : vector<16xf32>
          %add3A_740 = arith.addf %mul3A_735, %mul3A_739 : vector<16xf32>
          %mul3A_741 = arith.mulf %get3A_709, %get3A_709 : vector<16xf32>
          %add3A_742 = arith.addf %mul3A_736, %mul3A_741 : vector<16xf32>
          %mul3A_743 = arith.mulf %get3A_649, %get3A_649 : vector<16xf32>
          %add3A_744 = arith.addf %add3A_738, %mul3A_743 : vector<16xf32>
          %mul3A_745 = arith.mulf %get3A_681, %get3A_681 : vector<16xf32>
          %add3A_746 = arith.addf %add3A_740, %mul3A_745 : vector<16xf32>
          %mul3A_747 = arith.mulf %get3A_713, %get3A_713 : vector<16xf32>
          %add3A_748 = arith.addf %add3A_742, %mul3A_747 : vector<16xf32>
          %mul3A_749 = arith.mulf %get3A_653, %get3A_653 : vector<16xf32>
          %add3A_750 = arith.addf %add3A_744, %mul3A_749 : vector<16xf32>
          %mul3A_751 = arith.mulf %get3A_685, %get3A_685 : vector<16xf32>
          %add3A_752 = arith.addf %add3A_746, %mul3A_751 : vector<16xf32>
          %mul3A_753 = arith.mulf %get3A_717, %get3A_717 : vector<16xf32>
          %add3A_754 = arith.addf %add3A_748, %mul3A_753 : vector<16xf32>
          %mul3A_755 = arith.mulf %get3A_657, %get3A_657 : vector<16xf32>
          %add3A_756 = arith.addf %add3A_750, %mul3A_755 : vector<16xf32>
          %mul3A_757 = arith.mulf %get3A_689, %get3A_689 : vector<16xf32>
          %add3A_758 = arith.addf %add3A_752, %mul3A_757 : vector<16xf32>
          %mul3A_759 = arith.mulf %get3A_721, %get3A_721 : vector<16xf32>
          %add3A_760 = arith.addf %add3A_754, %mul3A_759 : vector<16xf32>
          %mul3A_761 = arith.mulf %get3A_661, %get3A_661 : vector<16xf32>
          %add3A_762 = arith.addf %add3A_756, %mul3A_761 : vector<16xf32>
          %mul3A_763 = arith.mulf %get3A_693, %get3A_693 : vector<16xf32>
          %add3A_764 = arith.addf %add3A_758, %mul3A_763 : vector<16xf32>
          %mul3A_765 = arith.mulf %get3A_725, %get3A_725 : vector<16xf32>
          %add3A_766 = arith.addf %add3A_760, %mul3A_765 : vector<16xf32>
          %mul3A_767 = arith.mulf %get3A_665, %get3A_665 : vector<16xf32>
          %add3A_768 = arith.addf %add3A_762, %mul3A_767 : vector<16xf32>
          %mul3A_769 = arith.mulf %get3A_697, %get3A_697 : vector<16xf32>
          %add3A_770 = arith.addf %add3A_764, %mul3A_769 : vector<16xf32>
          %mul3A_771 = arith.mulf %get3A_729, %get3A_729 : vector<16xf32>
          %add3A_772 = arith.addf %add3A_766, %mul3A_771 : vector<16xf32>
          %mul3A_773 = arith.mulf %get3A_669, %get3A_669 : vector<16xf32>
          %add3A_774 = arith.addf %add3A_768, %mul3A_773 : vector<16xf32>
          %mul3A_775 = arith.mulf %get3A_701, %get3A_701 : vector<16xf32>
          %add3A_776 = arith.addf %add3A_770, %mul3A_775 : vector<16xf32>
          %mul3A_777 = arith.mulf %get3A_733, %get3A_733 : vector<16xf32>
          %add3A_778 = arith.addf %add3A_772, %mul3A_777 : vector<16xf32>
          %xor3A_779 = arith.constant 1 : i32
          %xor3A_780 = vector.broadcast %xor3A_779 : i32 to vector<16xi32>
          %xor3A_781 = arith.xori %iota3A, %xor3A_780 : vector<16xi32>
          %lt3A_782 = arith.constant 0 : i32
          %lt3A_783 = vector.broadcast %lt3A_782 : i32 to vector<16xi32>
          %lt3A_784 = arith.cmpi slt, %xor3A_781, %lt3A_783 : vector<16xi32>
          %add3A_785 = arith.constant 16 : i32
          %add3A_786 = vector.broadcast %add3A_785 : i32 to vector<16xi32>
          %add3A_787 = arith.addi %xor3A_781, %add3A_786 : vector<16xi32>
          %select_n3A_788 = arith.select %lt3A_784, %add3A_787, %xor3A_781 : vector<16xi1>, vector<16xi32>
          %broadcast_in_dim3A_789 = vector.shape_cast %select_n3A_788 : vector<16xi32> to vector<16x1xi32>
          %gather3A_790 = vector.shape_cast %broadcast_in_dim3A_789 : vector<16x1xi32> to vector<16xi32>
          %gather3A_791 = tpu.dynamic_gather %add3A_774[%gather3A_790] in [0] : vector<16xf32>, vector<16xi32> -> vector<16xf32>
          %add3A_792 = arith.addf %add3A_774, %gather3A_791 : vector<16xf32>
          %xor3A_793 = arith.constant 2 : i32
          %xor3A_794 = vector.broadcast %xor3A_793 : i32 to vector<16xi32>
          %xor3A_795 = arith.xori %iota3A, %xor3A_794 : vector<16xi32>
          %lt3A_796 = arith.constant 0 : i32
          %lt3A_797 = vector.broadcast %lt3A_796 : i32 to vector<16xi32>
          %lt3A_798 = arith.cmpi slt, %xor3A_795, %lt3A_797 : vector<16xi32>
          %add3A_799 = arith.constant 16 : i32
          %add3A_800 = vector.broadcast %add3A_799 : i32 to vector<16xi32>
          %add3A_801 = arith.addi %xor3A_795, %add3A_800 : vector<16xi32>
          %select_n3A_802 = arith.select %lt3A_798, %add3A_801, %xor3A_795 : vector<16xi1>, vector<16xi32>
          %broadcast_in_dim3A_803 = vector.shape_cast %select_n3A_802 : vector<16xi32> to vector<16x1xi32>
          %gather3A_804 = vector.shape_cast %broadcast_in_dim3A_803 : vector<16x1xi32> to vector<16xi32>
          %gather3A_805 = tpu.dynamic_gather %add3A_792[%gather3A_804] in [0] : vector<16xf32>, vector<16xi32> -> vector<16xf32>
          %add3A_806 = arith.addf %add3A_792, %gather3A_805 : vector<16xf32>
          %xor3A_807 = arith.constant 4 : i32
          %xor3A_808 = vector.broadcast %xor3A_807 : i32 to vector<16xi32>
          %xor3A_809 = arith.xori %iota3A, %xor3A_808 : vector<16xi32>
          %lt3A_810 = arith.constant 0 : i32
          %lt3A_811 = vector.broadcast %lt3A_810 : i32 to vector<16xi32>
          %lt3A_812 = arith.cmpi slt, %xor3A_809, %lt3A_811 : vector<16xi32>
          %add3A_813 = arith.constant 16 : i32
          %add3A_814 = vector.broadcast %add3A_813 : i32 to vector<16xi32>
          %add3A_815 = arith.addi %xor3A_809, %add3A_814 : vector<16xi32>
          %select_n3A_816 = arith.select %lt3A_812, %add3A_815, %xor3A_809 : vector<16xi1>, vector<16xi32>
          %broadcast_in_dim3A_817 = vector.shape_cast %select_n3A_816 : vector<16xi32> to vector<16x1xi32>
          %gather3A_818 = vector.shape_cast %broadcast_in_dim3A_817 : vector<16x1xi32> to vector<16xi32>
          %gather3A_819 = tpu.dynamic_gather %add3A_806[%gather3A_818] in [0] : vector<16xf32>, vector<16xi32> -> vector<16xf32>
          %add3A_820 = arith.addf %add3A_806, %gather3A_819 : vector<16xf32>
          %xor3A_821 = arith.constant 8 : i32
          %xor3A_822 = vector.broadcast %xor3A_821 : i32 to vector<16xi32>
          %xor3A_823 = arith.xori %iota3A, %xor3A_822 : vector<16xi32>
          %lt3A_824 = arith.constant 0 : i32
          %lt3A_825 = vector.broadcast %lt3A_824 : i32 to vector<16xi32>
          %lt3A_826 = arith.cmpi slt, %xor3A_823, %lt3A_825 : vector<16xi32>
          %add3A_827 = arith.constant 16 : i32
          %add3A_828 = vector.broadcast %add3A_827 : i32 to vector<16xi32>
          %add3A_829 = arith.addi %xor3A_823, %add3A_828 : vector<16xi32>
          %select_n3A_830 = arith.select %lt3A_826, %add3A_829, %xor3A_823 : vector<16xi1>, vector<16xi32>
          %broadcast_in_dim3A_831 = vector.shape_cast %select_n3A_830 : vector<16xi32> to vector<16x1xi32>
          %gather3A_832 = vector.shape_cast %broadcast_in_dim3A_831 : vector<16x1xi32> to vector<16xi32>
          %gather3A_833 = tpu.dynamic_gather %add3A_820[%gather3A_832] in [0] : vector<16xf32>, vector<16xi32> -> vector<16xf32>
          %add3A_834 = arith.addf %add3A_820, %gather3A_833 : vector<16xf32>
          %max3A_835 = arith.constant 1.000000e-24 : f32
          %max3A_836 = vector.broadcast %max3A_835 : f32 to vector<16xf32>
          %max3A_837 = arith.maximumf %add3A_834, %max3A_836 : vector<16xf32>
          %bitcast_convert_type3A_838 = tpu.bitcast %max3A_837 : vector<16xf32> -> vector<16xi32>
          %shift_right_arithmetic3A_839 = arith.constant 1 : i32
          %shift_right_arithmetic3A_840 = vector.broadcast %shift_right_arithmetic3A_839 : i32 to vector<16xi32>
          %shift_right_arithmetic3A_841 = arith.shrsi %bitcast_convert_type3A_838, %shift_right_arithmetic3A_840 : vector<16xi32>
          %sub3A_842 = arith.constant 1597463007 : i32
          %sub3A_843 = vector.broadcast %sub3A_842 : i32 to vector<16xi32>
          %sub3A_844 = arith.subi %sub3A_843, %shift_right_arithmetic3A_841 : vector<16xi32>
          %bitcast_convert_type3A_845 = tpu.bitcast %sub3A_844 : vector<16xi32> -> vector<16xf32>
          %mul3A_846 = arith.constant 5.000000e-01 : f32
          %mul3A_847 = vector.broadcast %mul3A_846 : f32 to vector<16xf32>
          %mul3A_848 = arith.mulf %mul3A_847, %max3A_837 : vector<16xf32>
          %mul3A_849 = arith.mulf %mul3A_848, %bitcast_convert_type3A_845 : vector<16xf32>
          %mul3A_850 = arith.mulf %mul3A_849, %bitcast_convert_type3A_845 : vector<16xf32>
          %sub3A_851 = arith.constant 1.500000e+00 : f32
          %sub3A_852 = vector.broadcast %sub3A_851 : f32 to vector<16xf32>
          %sub3A_853 = arith.subf %sub3A_852, %mul3A_850 : vector<16xf32>
          %mul3A_854 = arith.mulf %bitcast_convert_type3A_845, %sub3A_853 : vector<16xf32>
          %xor3A_855 = arith.constant 1 : i32
          %xor3A_856 = vector.broadcast %xor3A_855 : i32 to vector<16xi32>
          %xor3A_857 = arith.xori %iota3A, %xor3A_856 : vector<16xi32>
          %lt3A_858 = arith.constant 0 : i32
          %lt3A_859 = vector.broadcast %lt3A_858 : i32 to vector<16xi32>
          %lt3A_860 = arith.cmpi slt, %xor3A_857, %lt3A_859 : vector<16xi32>
          %add3A_861 = arith.constant 16 : i32
          %add3A_862 = vector.broadcast %add3A_861 : i32 to vector<16xi32>
          %add3A_863 = arith.addi %xor3A_857, %add3A_862 : vector<16xi32>
          %select_n3A_864 = arith.select %lt3A_860, %add3A_863, %xor3A_857 : vector<16xi1>, vector<16xi32>
          %broadcast_in_dim3A_865 = vector.shape_cast %select_n3A_864 : vector<16xi32> to vector<16x1xi32>
          %gather3A_866 = vector.shape_cast %broadcast_in_dim3A_865 : vector<16x1xi32> to vector<16xi32>
          %gather3A_867 = tpu.dynamic_gather %add3A_776[%gather3A_866] in [0] : vector<16xf32>, vector<16xi32> -> vector<16xf32>
          %add3A_868 = arith.addf %add3A_776, %gather3A_867 : vector<16xf32>
          %xor3A_869 = arith.constant 2 : i32
          %xor3A_870 = vector.broadcast %xor3A_869 : i32 to vector<16xi32>
          %xor3A_871 = arith.xori %iota3A, %xor3A_870 : vector<16xi32>
          %lt3A_872 = arith.constant 0 : i32
          %lt3A_873 = vector.broadcast %lt3A_872 : i32 to vector<16xi32>
          %lt3A_874 = arith.cmpi slt, %xor3A_871, %lt3A_873 : vector<16xi32>
          %add3A_875 = arith.constant 16 : i32
          %add3A_876 = vector.broadcast %add3A_875 : i32 to vector<16xi32>
          %add3A_877 = arith.addi %xor3A_871, %add3A_876 : vector<16xi32>
          %select_n3A_878 = arith.select %lt3A_874, %add3A_877, %xor3A_871 : vector<16xi1>, vector<16xi32>
          %broadcast_in_dim3A_879 = vector.shape_cast %select_n3A_878 : vector<16xi32> to vector<16x1xi32>
          %gather3A_880 = vector.shape_cast %broadcast_in_dim3A_879 : vector<16x1xi32> to vector<16xi32>
          %gather3A_881 = tpu.dynamic_gather %add3A_868[%gather3A_880] in [0] : vector<16xf32>, vector<16xi32> -> vector<16xf32>
          %add3A_882 = arith.addf %add3A_868, %gather3A_881 : vector<16xf32>
          %xor3A_883 = arith.constant 4 : i32
          %xor3A_884 = vector.broadcast %xor3A_883 : i32 to vector<16xi32>
          %xor3A_885 = arith.xori %iota3A, %xor3A_884 : vector<16xi32>
          %lt3A_886 = arith.constant 0 : i32
          %lt3A_887 = vector.broadcast %lt3A_886 : i32 to vector<16xi32>
          %lt3A_888 = arith.cmpi slt, %xor3A_885, %lt3A_887 : vector<16xi32>
          %add3A_889 = arith.constant 16 : i32
          %add3A_890 = vector.broadcast %add3A_889 : i32 to vector<16xi32>
          %add3A_891 = arith.addi %xor3A_885, %add3A_890 : vector<16xi32>
          %select_n3A_892 = arith.select %lt3A_888, %add3A_891, %xor3A_885 : vector<16xi1>, vector<16xi32>
          %broadcast_in_dim3A_893 = vector.shape_cast %select_n3A_892 : vector<16xi32> to vector<16x1xi32>
          %gather3A_894 = vector.shape_cast %broadcast_in_dim3A_893 : vector<16x1xi32> to vector<16xi32>
          %gather3A_895 = tpu.dynamic_gather %add3A_882[%gather3A_894] in [0] : vector<16xf32>, vector<16xi32> -> vector<16xf32>
          %add3A_896 = arith.addf %add3A_882, %gather3A_895 : vector<16xf32>
          %xor3A_897 = arith.constant 8 : i32
          %xor3A_898 = vector.broadcast %xor3A_897 : i32 to vector<16xi32>
          %xor3A_899 = arith.xori %iota3A, %xor3A_898 : vector<16xi32>
          %lt3A_900 = arith.constant 0 : i32
          %lt3A_901 = vector.broadcast %lt3A_900 : i32 to vector<16xi32>
          %lt3A_902 = arith.cmpi slt, %xor3A_899, %lt3A_901 : vector<16xi32>
          %add3A_903 = arith.constant 16 : i32
          %add3A_904 = vector.broadcast %add3A_903 : i32 to vector<16xi32>
          %add3A_905 = arith.addi %xor3A_899, %add3A_904 : vector<16xi32>
          %select_n3A_906 = arith.select %lt3A_902, %add3A_905, %xor3A_899 : vector<16xi1>, vector<16xi32>
          %broadcast_in_dim3A_907 = vector.shape_cast %select_n3A_906 : vector<16xi32> to vector<16x1xi32>
          %gather3A_908 = vector.shape_cast %broadcast_in_dim3A_907 : vector<16x1xi32> to vector<16xi32>
          %gather3A_909 = tpu.dynamic_gather %add3A_896[%gather3A_908] in [0] : vector<16xf32>, vector<16xi32> -> vector<16xf32>
          %add3A_910 = arith.addf %add3A_896, %gather3A_909 : vector<16xf32>
          %max3A_911 = arith.constant 1.000000e-24 : f32
          %max3A_912 = vector.broadcast %max3A_911 : f32 to vector<16xf32>
          %max3A_913 = arith.maximumf %add3A_910, %max3A_912 : vector<16xf32>
          %bitcast_convert_type3A_914 = tpu.bitcast %max3A_913 : vector<16xf32> -> vector<16xi32>
          %shift_right_arithmetic3A_915 = arith.constant 1 : i32
          %shift_right_arithmetic3A_916 = vector.broadcast %shift_right_arithmetic3A_915 : i32 to vector<16xi32>
          %shift_right_arithmetic3A_917 = arith.shrsi %bitcast_convert_type3A_914, %shift_right_arithmetic3A_916 : vector<16xi32>
          %sub3A_918 = arith.constant 1597463007 : i32
          %sub3A_919 = vector.broadcast %sub3A_918 : i32 to vector<16xi32>
          %sub3A_920 = arith.subi %sub3A_919, %shift_right_arithmetic3A_917 : vector<16xi32>
          %bitcast_convert_type3A_921 = tpu.bitcast %sub3A_920 : vector<16xi32> -> vector<16xf32>
          %mul3A_922 = arith.constant 5.000000e-01 : f32
          %mul3A_923 = vector.broadcast %mul3A_922 : f32 to vector<16xf32>
          %mul3A_924 = arith.mulf %mul3A_923, %max3A_913 : vector<16xf32>
          %mul3A_925 = arith.mulf %mul3A_924, %bitcast_convert_type3A_921 : vector<16xf32>
          %mul3A_926 = arith.mulf %mul3A_925, %bitcast_convert_type3A_921 : vector<16xf32>
          %sub3A_927 = arith.constant 1.500000e+00 : f32
          %sub3A_928 = vector.broadcast %sub3A_927 : f32 to vector<16xf32>
          %sub3A_929 = arith.subf %sub3A_928, %mul3A_926 : vector<16xf32>
          %mul3A_930 = arith.mulf %bitcast_convert_type3A_921, %sub3A_929 : vector<16xf32>
          %xor3A_931 = arith.constant 1 : i32
          %xor3A_932 = vector.broadcast %xor3A_931 : i32 to vector<16xi32>
          %xor3A_933 = arith.xori %iota3A, %xor3A_932 : vector<16xi32>
          %lt3A_934 = arith.constant 0 : i32
          %lt3A_935 = vector.broadcast %lt3A_934 : i32 to vector<16xi32>
          %lt3A_936 = arith.cmpi slt, %xor3A_933, %lt3A_935 : vector<16xi32>
          %add3A_937 = arith.constant 16 : i32
          %add3A_938 = vector.broadcast %add3A_937 : i32 to vector<16xi32>
          %add3A_939 = arith.addi %xor3A_933, %add3A_938 : vector<16xi32>
          %select_n3A_940 = arith.select %lt3A_936, %add3A_939, %xor3A_933 : vector<16xi1>, vector<16xi32>
          %broadcast_in_dim3A_941 = vector.shape_cast %select_n3A_940 : vector<16xi32> to vector<16x1xi32>
          %gather3A_942 = vector.shape_cast %broadcast_in_dim3A_941 : vector<16x1xi32> to vector<16xi32>
          %gather3A_943 = tpu.dynamic_gather %add3A_778[%gather3A_942] in [0] : vector<16xf32>, vector<16xi32> -> vector<16xf32>
          %add3A_944 = arith.addf %add3A_778, %gather3A_943 : vector<16xf32>
          %xor3A_945 = arith.constant 2 : i32
          %xor3A_946 = vector.broadcast %xor3A_945 : i32 to vector<16xi32>
          %xor3A_947 = arith.xori %iota3A, %xor3A_946 : vector<16xi32>
          %lt3A_948 = arith.constant 0 : i32
          %lt3A_949 = vector.broadcast %lt3A_948 : i32 to vector<16xi32>
          %lt3A_950 = arith.cmpi slt, %xor3A_947, %lt3A_949 : vector<16xi32>
          %add3A_951 = arith.constant 16 : i32
          %add3A_952 = vector.broadcast %add3A_951 : i32 to vector<16xi32>
          %add3A_953 = arith.addi %xor3A_947, %add3A_952 : vector<16xi32>
          %select_n3A_954 = arith.select %lt3A_950, %add3A_953, %xor3A_947 : vector<16xi1>, vector<16xi32>
          %broadcast_in_dim3A_955 = vector.shape_cast %select_n3A_954 : vector<16xi32> to vector<16x1xi32>
          %gather3A_956 = vector.shape_cast %broadcast_in_dim3A_955 : vector<16x1xi32> to vector<16xi32>
          %gather3A_957 = tpu.dynamic_gather %add3A_944[%gather3A_956] in [0] : vector<16xf32>, vector<16xi32> -> vector<16xf32>
          %add3A_958 = arith.addf %add3A_944, %gather3A_957 : vector<16xf32>
          %xor3A_959 = arith.constant 4 : i32
          %xor3A_960 = vector.broadcast %xor3A_959 : i32 to vector<16xi32>
          %xor3A_961 = arith.xori %iota3A, %xor3A_960 : vector<16xi32>
          %lt3A_962 = arith.constant 0 : i32
          %lt3A_963 = vector.broadcast %lt3A_962 : i32 to vector<16xi32>
          %lt3A_964 = arith.cmpi slt, %xor3A_961, %lt3A_963 : vector<16xi32>
          %add3A_965 = arith.constant 16 : i32
          %add3A_966 = vector.broadcast %add3A_965 : i32 to vector<16xi32>
          %add3A_967 = arith.addi %xor3A_961, %add3A_966 : vector<16xi32>
          %select_n3A_968 = arith.select %lt3A_964, %add3A_967, %xor3A_961 : vector<16xi1>, vector<16xi32>
          %broadcast_in_dim3A_969 = vector.shape_cast %select_n3A_968 : vector<16xi32> to vector<16x1xi32>
          %gather3A_970 = vector.shape_cast %broadcast_in_dim3A_969 : vector<16x1xi32> to vector<16xi32>
          %gather3A_971 = tpu.dynamic_gather %add3A_958[%gather3A_970] in [0] : vector<16xf32>, vector<16xi32> -> vector<16xf32>
          %add3A_972 = arith.addf %add3A_958, %gather3A_971 : vector<16xf32>
          %xor3A_973 = arith.constant 8 : i32
          %xor3A_974 = vector.broadcast %xor3A_973 : i32 to vector<16xi32>
          %xor3A_975 = arith.xori %iota3A, %xor3A_974 : vector<16xi32>
          %lt3A_976 = arith.constant 0 : i32
          %lt3A_977 = vector.broadcast %lt3A_976 : i32 to vector<16xi32>
          %lt3A_978 = arith.cmpi slt, %xor3A_975, %lt3A_977 : vector<16xi32>
          %add3A_979 = arith.constant 16 : i32
          %add3A_980 = vector.broadcast %add3A_979 : i32 to vector<16xi32>
          %add3A_981 = arith.addi %xor3A_975, %add3A_980 : vector<16xi32>
          %select_n3A_982 = arith.select %lt3A_978, %add3A_981, %xor3A_975 : vector<16xi1>, vector<16xi32>
          %broadcast_in_dim3A_983 = vector.shape_cast %select_n3A_982 : vector<16xi32> to vector<16x1xi32>
          %gather3A_984 = vector.shape_cast %broadcast_in_dim3A_983 : vector<16x1xi32> to vector<16xi32>
          %gather3A_985 = tpu.dynamic_gather %add3A_972[%gather3A_984] in [0] : vector<16xf32>, vector<16xi32> -> vector<16xf32>
          %add3A_986 = arith.addf %add3A_972, %gather3A_985 : vector<16xf32>
          %max3A_987 = arith.constant 1.000000e-24 : f32
          %max3A_988 = vector.broadcast %max3A_987 : f32 to vector<16xf32>
          %max3A_989 = arith.maximumf %add3A_986, %max3A_988 : vector<16xf32>
          %bitcast_convert_type3A_990 = tpu.bitcast %max3A_989 : vector<16xf32> -> vector<16xi32>
          %shift_right_arithmetic3A_991 = arith.constant 1 : i32
          %shift_right_arithmetic3A_992 = vector.broadcast %shift_right_arithmetic3A_991 : i32 to vector<16xi32>
          %shift_right_arithmetic3A_993 = arith.shrsi %bitcast_convert_type3A_990, %shift_right_arithmetic3A_992 : vector<16xi32>
          %sub3A_994 = arith.constant 1597463007 : i32
          %sub3A_995 = vector.broadcast %sub3A_994 : i32 to vector<16xi32>
          %sub3A_996 = arith.subi %sub3A_995, %shift_right_arithmetic3A_993 : vector<16xi32>
          %bitcast_convert_type3A_997 = tpu.bitcast %sub3A_996 : vector<16xi32> -> vector<16xf32>
          %mul3A_998 = arith.constant 5.000000e-01 : f32
          %mul3A_999 = vector.broadcast %mul3A_998 : f32 to vector<16xf32>
          %mul3A_1000 = arith.mulf %mul3A_999, %max3A_989 : vector<16xf32>
          %mul3A_1001 = arith.mulf %mul3A_1000, %bitcast_convert_type3A_997 : vector<16xf32>
          %mul3A_1002 = arith.mulf %mul3A_1001, %bitcast_convert_type3A_997 : vector<16xf32>
          %sub3A_1003 = arith.constant 1.500000e+00 : f32
          %sub3A_1004 = vector.broadcast %sub3A_1003 : f32 to vector<16xf32>
          %sub3A_1005 = arith.subf %sub3A_1004, %mul3A_1002 : vector<16xf32>
          %mul3A_1006 = arith.mulf %bitcast_convert_type3A_997, %sub3A_1005 : vector<16xf32>
          %mul3A_1007 = arith.mulf %get3A_641, %mul3A_854 : vector<16xf32>
          %mul3A_1008 = arith.mulf %get3A_673, %mul3A_930 : vector<16xf32>
          %add3A_1009 = arith.addf %mul3A_1007, %mul3A_1008 : vector<16xf32>
          %mul3A_1010 = arith.mulf %get3A_705, %mul3A_1006 : vector<16xf32>
          %sub3A_1011 = arith.subf %add3A_1009, %mul3A_1010 : vector<16xf32>
          %abs3A_1012 = math.absf %sub3A_1011 : vector<16xf32>
          %mul3A_1013 = arith.mulf %get3A_645, %mul3A_854 : vector<16xf32>
          %mul3A_1014 = arith.mulf %get3A_677, %mul3A_930 : vector<16xf32>
          %add3A_1015 = arith.addf %mul3A_1013, %mul3A_1014 : vector<16xf32>
          %mul3A_1016 = arith.mulf %get3A_709, %mul3A_1006 : vector<16xf32>
          %sub3A_1017 = arith.subf %add3A_1015, %mul3A_1016 : vector<16xf32>
          %abs3A_1018 = math.absf %sub3A_1017 : vector<16xf32>
          %add3A_1019 = arith.addf %abs3A_1012, %abs3A_1018 : vector<16xf32>
          %mul3A_1020 = arith.mulf %get3A_649, %mul3A_854 : vector<16xf32>
          %mul3A_1021 = arith.mulf %get3A_681, %mul3A_930 : vector<16xf32>
          %add3A_1022 = arith.addf %mul3A_1020, %mul3A_1021 : vector<16xf32>
          %mul3A_1023 = arith.mulf %get3A_713, %mul3A_1006 : vector<16xf32>
          %sub3A_1024 = arith.subf %add3A_1022, %mul3A_1023 : vector<16xf32>
          %abs3A_1025 = math.absf %sub3A_1024 : vector<16xf32>
          %add3A_1026 = arith.addf %add3A_1019, %abs3A_1025 : vector<16xf32>
          %mul3A_1027 = arith.mulf %get3A_653, %mul3A_854 : vector<16xf32>
          %mul3A_1028 = arith.mulf %get3A_685, %mul3A_930 : vector<16xf32>
          %add3A_1029 = arith.addf %mul3A_1027, %mul3A_1028 : vector<16xf32>
          %mul3A_1030 = arith.mulf %get3A_717, %mul3A_1006 : vector<16xf32>
          %sub3A_1031 = arith.subf %add3A_1029, %mul3A_1030 : vector<16xf32>
          %abs3A_1032 = math.absf %sub3A_1031 : vector<16xf32>
          %add3A_1033 = arith.addf %add3A_1026, %abs3A_1032 : vector<16xf32>
          %mul3A_1034 = arith.mulf %get3A_657, %mul3A_854 : vector<16xf32>
          %mul3A_1035 = arith.mulf %get3A_689, %mul3A_930 : vector<16xf32>
          %add3A_1036 = arith.addf %mul3A_1034, %mul3A_1035 : vector<16xf32>
          %mul3A_1037 = arith.mulf %get3A_721, %mul3A_1006 : vector<16xf32>
          %sub3A_1038 = arith.subf %add3A_1036, %mul3A_1037 : vector<16xf32>
          %abs3A_1039 = math.absf %sub3A_1038 : vector<16xf32>
          %add3A_1040 = arith.addf %add3A_1033, %abs3A_1039 : vector<16xf32>
          %mul3A_1041 = arith.mulf %get3A_661, %mul3A_854 : vector<16xf32>
          %mul3A_1042 = arith.mulf %get3A_693, %mul3A_930 : vector<16xf32>
          %add3A_1043 = arith.addf %mul3A_1041, %mul3A_1042 : vector<16xf32>
          %mul3A_1044 = arith.mulf %get3A_725, %mul3A_1006 : vector<16xf32>
          %sub3A_1045 = arith.subf %add3A_1043, %mul3A_1044 : vector<16xf32>
          %abs3A_1046 = math.absf %sub3A_1045 : vector<16xf32>
          %add3A_1047 = arith.addf %add3A_1040, %abs3A_1046 : vector<16xf32>
          %mul3A_1048 = arith.mulf %get3A_665, %mul3A_854 : vector<16xf32>
          %mul3A_1049 = arith.mulf %get3A_697, %mul3A_930 : vector<16xf32>
          %add3A_1050 = arith.addf %mul3A_1048, %mul3A_1049 : vector<16xf32>
          %mul3A_1051 = arith.mulf %get3A_729, %mul3A_1006 : vector<16xf32>
          %sub3A_1052 = arith.subf %add3A_1050, %mul3A_1051 : vector<16xf32>
          %abs3A_1053 = math.absf %sub3A_1052 : vector<16xf32>
          %add3A_1054 = arith.addf %add3A_1047, %abs3A_1053 : vector<16xf32>
          %mul3A_1055 = arith.mulf %get3A_669, %mul3A_854 : vector<16xf32>
          %mul3A_1056 = arith.mulf %get3A_701, %mul3A_930 : vector<16xf32>
          %add3A_1057 = arith.addf %mul3A_1055, %mul3A_1056 : vector<16xf32>
          %mul3A_1058 = arith.mulf %get3A_733, %mul3A_1006 : vector<16xf32>
          %sub3A_1059 = arith.subf %add3A_1057, %mul3A_1058 : vector<16xf32>
          %abs3A_1060 = math.absf %sub3A_1059 : vector<16xf32>
          %add3A_1061 = arith.addf %add3A_1054, %abs3A_1060 : vector<16xf32>
          %xor3A_1062 = arith.constant 1 : i32
          %xor3A_1063 = vector.broadcast %xor3A_1062 : i32 to vector<16xi32>
          %xor3A_1064 = arith.xori %iota3A, %xor3A_1063 : vector<16xi32>
          %lt3A_1065 = arith.constant 0 : i32
          %lt3A_1066 = vector.broadcast %lt3A_1065 : i32 to vector<16xi32>
          %lt3A_1067 = arith.cmpi slt, %xor3A_1064, %lt3A_1066 : vector<16xi32>
          %add3A_1068 = arith.constant 16 : i32
          %add3A_1069 = vector.broadcast %add3A_1068 : i32 to vector<16xi32>
          %add3A_1070 = arith.addi %xor3A_1064, %add3A_1069 : vector<16xi32>
          %select_n3A_1071 = arith.select %lt3A_1067, %add3A_1070, %xor3A_1064 : vector<16xi1>, vector<16xi32>
          %broadcast_in_dim3A_1072 = vector.shape_cast %select_n3A_1071 : vector<16xi32> to vector<16x1xi32>
          %gather3A_1073 = vector.shape_cast %broadcast_in_dim3A_1072 : vector<16x1xi32> to vector<16xi32>
          %gather3A_1074 = tpu.dynamic_gather %add3A_1061[%gather3A_1073] in [0] : vector<16xf32>, vector<16xi32> -> vector<16xf32>
          %add3A_1075 = arith.addf %add3A_1061, %gather3A_1074 : vector<16xf32>
          %xor3A_1076 = arith.constant 2 : i32
          %xor3A_1077 = vector.broadcast %xor3A_1076 : i32 to vector<16xi32>
          %xor3A_1078 = arith.xori %iota3A, %xor3A_1077 : vector<16xi32>
          %lt3A_1079 = arith.constant 0 : i32
          %lt3A_1080 = vector.broadcast %lt3A_1079 : i32 to vector<16xi32>
          %lt3A_1081 = arith.cmpi slt, %xor3A_1078, %lt3A_1080 : vector<16xi32>
          %add3A_1082 = arith.constant 16 : i32
          %add3A_1083 = vector.broadcast %add3A_1082 : i32 to vector<16xi32>
          %add3A_1084 = arith.addi %xor3A_1078, %add3A_1083 : vector<16xi32>
          %select_n3A_1085 = arith.select %lt3A_1081, %add3A_1084, %xor3A_1078 : vector<16xi1>, vector<16xi32>
          %broadcast_in_dim3A_1086 = vector.shape_cast %select_n3A_1085 : vector<16xi32> to vector<16x1xi32>
          %gather3A_1087 = vector.shape_cast %broadcast_in_dim3A_1086 : vector<16x1xi32> to vector<16xi32>
          %gather3A_1088 = tpu.dynamic_gather %add3A_1075[%gather3A_1087] in [0] : vector<16xf32>, vector<16xi32> -> vector<16xf32>
          %add3A_1089 = arith.addf %add3A_1075, %gather3A_1088 : vector<16xf32>
          %xor3A_1090 = arith.constant 4 : i32
          %xor3A_1091 = vector.broadcast %xor3A_1090 : i32 to vector<16xi32>
          %xor3A_1092 = arith.xori %iota3A, %xor3A_1091 : vector<16xi32>
          %lt3A_1093 = arith.constant 0 : i32
          %lt3A_1094 = vector.broadcast %lt3A_1093 : i32 to vector<16xi32>
          %lt3A_1095 = arith.cmpi slt, %xor3A_1092, %lt3A_1094 : vector<16xi32>
          %add3A_1096 = arith.constant 16 : i32
          %add3A_1097 = vector.broadcast %add3A_1096 : i32 to vector<16xi32>
          %add3A_1098 = arith.addi %xor3A_1092, %add3A_1097 : vector<16xi32>
          %select_n3A_1099 = arith.select %lt3A_1095, %add3A_1098, %xor3A_1092 : vector<16xi1>, vector<16xi32>
          %broadcast_in_dim3A_1100 = vector.shape_cast %select_n3A_1099 : vector<16xi32> to vector<16x1xi32>
          %gather3A_1101 = vector.shape_cast %broadcast_in_dim3A_1100 : vector<16x1xi32> to vector<16xi32>
          %gather3A_1102 = tpu.dynamic_gather %add3A_1089[%gather3A_1101] in [0] : vector<16xf32>, vector<16xi32> -> vector<16xf32>
          %add3A_1103 = arith.addf %add3A_1089, %gather3A_1102 : vector<16xf32>
          %xor3A_1104 = arith.constant 8 : i32
          %xor3A_1105 = vector.broadcast %xor3A_1104 : i32 to vector<16xi32>
          %xor3A_1106 = arith.xori %iota3A, %xor3A_1105 : vector<16xi32>
          %lt3A_1107 = arith.constant 0 : i32
          %lt3A_1108 = vector.broadcast %lt3A_1107 : i32 to vector<16xi32>
          %lt3A_1109 = arith.cmpi slt, %xor3A_1106, %lt3A_1108 : vector<16xi32>
          %add3A_1110 = arith.constant 16 : i32
          %add3A_1111 = vector.broadcast %add3A_1110 : i32 to vector<16xi32>
          %add3A_1112 = arith.addi %xor3A_1106, %add3A_1111 : vector<16xi32>
          %select_n3A_1113 = arith.select %lt3A_1109, %add3A_1112, %xor3A_1106 : vector<16xi1>, vector<16xi32>
          %broadcast_in_dim3A_1114 = vector.shape_cast %select_n3A_1113 : vector<16xi32> to vector<16x1xi32>
          %gather3A_1115 = vector.shape_cast %broadcast_in_dim3A_1114 : vector<16x1xi32> to vector<16xi32>
          %gather3A_1116 = tpu.dynamic_gather %add3A_1103[%gather3A_1115] in [0] : vector<16xf32>, vector<16xi32> -> vector<16xf32>
          %add3A_1117 = arith.addf %add3A_1103, %gather3A_1116 : vector<16xf32>
          %eq3A = vector.broadcast %add3A_159 : i32 to vector<16xi32>
          %eq3A_1118 = arith.cmpi eq, %iota3A, %eq3A : vector<16xi32>
          %select_n3A_1119 = arith.select %eq3A_1118, %add3A_632, %scan3A_155 : vector<16xi1>, vector<16xf32>
          %add3A_1120 = arith.constant 1 : i32
          %add3A_1121 = arith.addi %add3A_159, %add3A_1120 : i32
          %eq3A_1122 = vector.broadcast %add3A_1121 : i32 to vector<16xi32>
          %eq3A_1123 = arith.cmpi eq, %iota3A, %eq3A_1122 : vector<16xi32>
          %select_n3A_1124 = arith.select %eq3A_1123, %add3A_1117, %select_n3A_1119 : vector<16xi1>, vector<16xf32>
          scf.yield %select_n3A_1124 : vector<16xf32>
        }
        %scan3A_146 = arith.constant 8 : i32
        %mul3A_147 = arith.constant 16 : i32
        %mul3A_148 = arith.muli %add3A_139, %mul3A_147 : i32
        %add3A_149 = arith.addi %multiple_of3A_129, %mul3A_148 : i32
        %multiple_of3A_150 = tpu.assume_multiple %add3A_149, 16 : i32
        %swap3A = arith.index_cast %multiple_of3A_150 : i32 to index
        %swap3A_151 = tpu.vector_load %arg17[%swap3A] {strides = array<i32>} : memref<512xf32, #tpu.memory_space<vmem>>, vector<16xf32>,
        %swap3A_152 = vector.shape_cast %swap3A_151 : vector<16xf32> to vector<16xf32>
        %swap3A_153 = vector.shape_cast %scan3A_145 : vector<16xf32> to vector<16xf32>
        tpu.vector_store %arg17[%swap3A], %swap3A_153 {strides = array<i32>} : memref<512xf32, #tpu.memory_space<vmem>>, vector<16xf32>,
      }
      %scan3A_134 = arith.constant 2 : i32
    }
    %scan3A_19 = arith.constant 8 : i32
    %dma_wait3A = arith.constant 0 : i32
    %dma_wait3A_20 = arith.constant 0 : i32
    %dma_wait3A_21 = tpu.memref_slice %arg5[%dma_wait3A, %dma_wait3A_20] : memref<100000x128xf32, #tpu.memory_space<hbm>> -> memref<32x128xf32, #tpu.memory_space<hbm>>
    %dma_wait3A_22 = arith.constant 0 : i32
    %dma_wait3A_23 = arith.constant 0 : i32
    %dma_wait3A_24 = tpu.memref_slice %arg5[%dma_wait3A_22, %dma_wait3A_23] : memref<100000x128xf32, #tpu.memory_space<hbm>> -> memref<32x128xf32, #tpu.memory_space<hbm>>
    tpu.wait_dma2 semaphore(%arg18 : memref<!tpu.dma_semaphore, #tpu.memory_space<semaphore_mem>>) src(%dma_wait3A_24 : memref<32x128xf32, #tpu.memory_space<hbm>>) dst(%arg11 : memref<32x128xf32, #tpu.memory_space<vmem>>)
    %dma_wait3A_25 = arith.constant 0 : i32
    %dma_wait3A_26 = arith.constant 0 : i32
    %dma_wait3A_27 = tpu.memref_slice %arg6[%dma_wait3A_25, %dma_wait3A_26] : memref<100000x128xf32, #tpu.memory_space<hbm>> -> memref<32x128xf32, #tpu.memory_space<hbm>>
    %dma_wait3A_28 = arith.constant 0 : i32
    %dma_wait3A_29 = arith.constant 0 : i32
    %dma_wait3A_30 = tpu.memref_slice %arg6[%dma_wait3A_28, %dma_wait3A_29] : memref<100000x128xf32, #tpu.memory_space<hbm>> -> memref<32x128xf32, #tpu.memory_space<hbm>>
    tpu.wait_dma2 semaphore(%arg18 : memref<!tpu.dma_semaphore, #tpu.memory_space<semaphore_mem>>) src(%dma_wait3A_30 : memref<32x128xf32, #tpu.memory_space<hbm>>) dst(%arg12 : memref<32x128xf32, #tpu.memory_space<vmem>>)
    %dma_wait3A_31 = arith.constant 0 : i32
    %dma_wait3A_32 = arith.constant 0 : i32
    %dma_wait3A_33 = tpu.memref_slice %arg5[%dma_wait3A_31, %dma_wait3A_32] : memref<100000x128xf32, #tpu.memory_space<hbm>> -> memref<32x128xf32, #tpu.memory_space<hbm>>
    %dma_wait3A_34 = arith.constant 0 : i32
    %dma_wait3A_35 = arith.constant 0 : i32
    %dma_wait3A_36 = tpu.memref_slice %arg5[%dma_wait3A_34, %dma_wait3A_35] : memref<100000x128xf32, #tpu.memory_space<hbm>> -> memref<32x128xf32, #tpu.memory_space<hbm>>
    tpu.wait_dma2 semaphore(%arg18 : memref<!tpu.dma_semaphore, #tpu.memory_space<semaphore_mem>>) src(%dma_wait3A_36 : memref<32x128xf32, #tpu.memory_space<hbm>>) dst(%arg13 : memref<32x128xf32, #tpu.memory_space<vmem>>)
    "tpu.region"() ({
      %run_scoped3A = tpu.sem_alloc : memref<!tpu.dma_semaphore, #tpu.memory_space<semaphore_mem>>
      %dma_start3A_37 = tpu.memref_slice %arg7[%multiple_of3A] : memref<16384xf32, #tpu.memory_space<hbm>> -> memref<512xf32, #tpu.memory_space<hbm>>
      %dma_start3A_38 = tpu.memref_slice %arg7[%multiple_of3A] : memref<16384xf32, #tpu.memory_space<hbm>> -> memref<512xf32, #tpu.memory_space<hbm>>
      tpu.enqueue_dma source(%arg17 : memref<512xf32, #tpu.memory_space<vmem>>) target(%dma_start3A_38 : memref<512xf32, #tpu.memory_space<hbm>>) target_semaphore(%run_scoped3A : memref<!tpu.dma_semaphore, #tpu.memory_space<semaphore_mem>>)
      %dma_wait3A_39 = tpu.memref_slice %arg7[%multiple_of3A] : memref<16384xf32, #tpu.memory_space<hbm>> -> memref<512xf32, #tpu.memory_space<hbm>>
      %dma_wait3A_40 = tpu.memref_slice %arg7[%multiple_of3A] : memref<16384xf32, #tpu.memory_space<hbm>> -> memref<512xf32, #tpu.memory_space<hbm>>
      tpu.wait_dma2 semaphore(%run_scoped3A : memref<!tpu.dma_semaphore, #tpu.memory_space<semaphore_mem>>) src(%arg17 : memref<512xf32, #tpu.memory_space<vmem>>) dst(%dma_wait3A_40 : memref<512xf32, #tpu.memory_space<hbm>>)
      tpu.yield
    }) : () -> ()
    return
  }
}

</mosaic_0001>

<sc_bundles>
// kernel: kernel.3.cloned.1.call-start
scs
__scs_entry_jumppad:
0x0: {  	(pc) =	sbr.rel $0x88, $3  }
0x1: {  	(tag) =	ssettag $0x0;
	lr =	simm.s32 $0x1  }
0x2: {  	[smem:$0x3F9E] =	sst lr;
	_ =	strace $0xD0000000  }
0x3: {  	_ = 	snop  }
0x4: {  	_ = 	snop  }
0x5: {  	_ = 	snop  }
0x6: {  	_ = 	snop  }
0x7: {  	_ = 	snop  }
__scs_overlays_trampoline_lowered:
0x8: {  	[smem:$0x3FAD] =	sst s0  }
0x9: {  	[smem:$0x3FAE] =	sst s1  }
0xa: {  	[smem:$0x3FAF] =	sst s2  }
0xb: {  	[smem:$0x3FB0] =	sst s3  }
0xc: {  	[smem:$0x3FB1] =	sst s4  }
0xd: {  	[smem:$0x3FB2] =	sst s5  }
0xe: {  	[smem:$0x3FB3] =	sst s6  }
0xf: {  	[smem:$0x3FB4] =	sst s7  }
0x10: {  	[smem:$0x3FB5] =	sst s8  }
0x11: {  	[smem:$0x3FB6] =	sst s9;
	s0 =	simm.s32 @!p0 $0x0  }
0x12: {  	s1 =	sld [smem:$0x3F9C];
	s0 =	simm.s32 @p0 $0x1  }
0x13: {  	[smem:$0x3FB7] =	sst s0;
	s0 =	simm.s32 @!p1 $0x0  }
0x14: {  	s2 =	sld [smem:$0x3F9B];
	s0 =	simm.s32 @p1 $0x1  }
0x15: {  	[smem:$0x3FB8] =	sst s0;
	s0 =	simm.s32 @!p2 $0x0  }
0x16: {  	s3 =	sld [smem:$0x3FDB];
	s0 =	simm.s32 @p2 $0x1  }
0x17: {  	s4 =	simm.s32 $0x1BF5;
	[smem:$0x3FBA] =	sst s0  }
0x18: {  	s0 =	sld [smem:$0x3F9D];
	_ =	swait.ge [sflag:s4], $0x0  }
0x19: {  	s7 =	sld [smem:$0x3F9E]  }
0x1a: {  	s8 =	sadd.s32 $0xFFFFE003, lr  }
0x1b: {  	s9 =	sadd.s32 $0xFFFFFEF7, lr;
	s5 =	simm.s32 $0xFFFFFFFF;
	p2 =	slt.u32 s8, $0xFFFFF086  }
0x1c: {  	p1 =	slt.u32 s9, $0xF7A;
	s5 =	simm.s32 @!p2 $0x0  }
0x1d: {  	s5 =	simm.s32 @p1 $0x1;
	p0 =	seq.s32 s7, s2  }
0x1e: {  	s7 =	smul.u32 @!p0 $0xF7A, s2;
	p2 =	seq.s32 @!p0 s5, $0x0  }
0x1f: {  	s9 =	smul.u32 $0xF7A, s1;
	s8 =	simm.s32 @!p0 $0x1BF5;
	p2 =	por !p2, p0  }
0x20: {  	[sflag:s8] =	ssyncset.s32 @!p0 $0xFFFFF086;
	s6 =	sadd.s32 @!p0 s3, s7;
	s7 =	simm.s32 @!p0 $0x108  }
0x21: {  	s3 =	sadd.s32 s3, s9;
	s6 =	sadd.s32 @!p0 $0x88, s6;
	s7 =	simm.s32 @p2 $0x1082  }
0x22: {  	[simem:s7], [sflag:s8] =	dma.local @!p0 [hbm:s6], $0xF7A  }
0x23: {  	s9 =	sor.u32 $0xD0000000, s2;
	s6 =	simm.s32 $0x108;
	_ =	swait.ge @!p0 [sflag:s8], $0x0  }
0x24: {  	s3 =	sadd.s32 $0x88, s3;
	s6 =	simm.s32 @!p1 $0x1082;
	[sflag:s4] =	ssyncset.s32 $0xFFFFF086  }
0x25: {  	[simem:s6], [sflag:s4] =	dma.local [hbm:s3], $0xF7A  }
0x26: {  	[smem:$0x3F9E] =	sst s1;
	(tag) =	ssettag s2;
	_ =	strace s9  }
0x27: {  	s1 =	sld [smem:$0x3FAE]  }
0x28: {  	s2 =	sld [smem:$0x3FAF]  }
0x29: {  	s4 =	sld [smem:$0x3FB1]  }
0x2a: {  	p0 =	seq.s32 s5, $0x0;
	s5 =	sld [smem:$0x3FB2]  }
0x2b: {  	s6 =	sld [smem:$0x3FB3]  }
0x2c: {  	s7 =	sld [smem:$0x3FB4]  }
0x2d: {  	s3 =	simm.s32 $0x108;
	s8 =	sld [smem:$0x3FB5]  }
0x2e: {  	s3 =	simm.s32 @!p0 $0x1082;
	s9 =	sld [smem:$0x3FB6]  }
0x2f: {  	lr =	sadd.s32 s0, s3;
	s0 =	sld [smem:$0x3FAD]  }
0x30: {  	s3 =	sld [smem:$0x3FB0]  }
0x31: {  	[smem:$0x3FB9] =	sst s10  }
0x32: {  	s10 =	sld [smem:$0x3FB7];
	_ =	sdelay $0x3  }
0x33: {  	p0 =	seq.s32 s10, $0x1;
	s10 =	sld [smem:$0x3FB9];
	_ =	sdelay $0x3  }
0x34: {  	[smem:$0x3FB9] =	sst s10  }
0x35: {  	s10 =	sld [smem:$0x3FB8];
	_ =	sdelay $0x3  }
0x36: {  	p1 =	seq.s32 s10, $0x1;
	s10 =	sld [smem:$0x3FB9];
	_ =	sdelay $0x3  }
0x37: {  	[smem:$0x3FB9] =	sst s10  }
0x38: {  	s10 =	sld [smem:$0x3FBA]  }
0x39: {  	_ = 	snop;
	(pc) =	sbr.ind lr, $3  }
0x3a: {  	_ = 	snop  }
0x3b: {  	_ = 	snop  }
0x3c: {  	p2 =	seq.s32 s10, $0x1;
	s10 =	sld [smem:$0x3FB9]  }
0x3d: {  	_ =	shalt  }
0x3e: {  	_ =	shalt  }
0x3f: {  	_ =	shalt  }
0x40: {  	_ =	shalt  }
0x41: {  	_ =	shalt  }
0x42: {  	_ =	shalt  }
0x43: {  	_ =	shalt  }
0x44: {  	_ =	shalt  }
0x45: {  	_ =	shalt  }
0x46: {  	_ =	shalt  }
0x47: {  	_ =	shalt  }
0x48: {  	_ =	shalt  }
0x49: {  	_ =	shalt  }
0x4a: {  	_ =	shalt  }
0x4b: {  	_ =	shalt  }
0x4c: {  	_ =	shalt  }
0x4d: {  	_ =	shalt  }
0x4e: {  	_ =	shalt  }
0x4f: {  	_ =	shalt  }
0x50: {  	_ =	shalt  }
0x51: {  	_ =	shalt  }
0x52: {  	_ =	shalt  }
0x53: {  	_ =	shalt  }
0x54: {  	_ =	shalt  }
0x55: {  	_ =	shalt  }
0x56: {  	_ =	shalt  }
0x57: {  	_ =	shalt  }
0x58: {  	_ =	shalt  }
0x59: {  	_ =	shalt  }
0x5a: {  	_ =	shalt  }
0x5b: {  	_ =	shalt  }
0x5c: {  	_ =	shalt  }
0x5d: {  	_ =	shalt  }
0x5e: {  	_ =	shalt  }
0x5f: {  	_ =	shalt  }
0x60: {  	_ =	shalt  }
0x61: {  	_ =	shalt  }
0x62: {  	_ =	shalt  }
0x63: {  	_ =	shalt  }
0x64: {  	_ =	shalt  }
0x65: {  	_ =	shalt  }
0x66: {  	_ =	shalt  }
0x67: {  	_ =	shalt  }
0x68: {  	_ =	shalt  }
0x69: {  	_ =	shalt  }
0x6a: {  	_ =	shalt  }
0x6b: {  	_ =	shalt  }
0x6c: {  	_ =	shalt  }
0x6d: {  	_ =	shalt  }
0x6e: {  	_ =	shalt  }
0x6f: {  	_ =	shalt  }
0x70: {  	_ =	shalt  }
0x71: {  	_ =	shalt  }
0x72: {  	_ =	shalt  }
0x73: {  	_ =	shalt  }
0x74: {  	_ =	shalt  }
0x75: {  	_ =	shalt  }
0x76: {  	_ =	shalt  }
0x77: {  	_ =	shalt  }
0x78: {  	_ =	shalt  }
0x79: {  	_ =	shalt  }
0x7a: {  	_ =	shalt  }
0x7b: {  	_ =	shalt  }
0x7c: {  	_ =	shalt  }
0x7d: {  	_ =	shalt  }
0x7e: {  	_ =	shalt  }
0x7f: {  	_ =	shalt  }
0x80: {  	_ =	shalt  }
0x81: {  	_ =	shalt  }
0x82: {  	_ =	shalt  }
0x83: {  	_ =	shalt  }
0x84: {  	_ =	shalt  }
0x85: {  	_ =	shalt  }
0x86: {  	_ =	shalt  }
0x87: {  	_ =	shalt  }
.Lfunc_end0:
.L_simem_size_0:
called_computation_lowered:
.L_overlay_start_0:
0x88: {  	s2 =	sld [smem:$0x3FD9]  }
0x89: {  	s3 =	sld [smem:$0x3FFE];
	_ =	sdelay $0x1  }
0x8a: {  	s1 =	srdreg.scid  }
0x8b: {  	s0 =	sand.u32 $0x1, s1  }
0x8c: {  	s17 =	sshll.u32 s0, $0xA;
	s2 =	sadd.s32 s3, s2  }
0x8d: {  	s2 =	sadd.s32 s2, s17  }
0x8e: {  	[smem:$0x3FC5] =	sst s2  }
0x8f: {  	_ = 	snop  }
0x90: {  	s2 =	sld [smem:$0x3FC8]  }
0x91: {  	s18 =	sld [smem:$0x3FC7]  }
0x92: {  	s4 =	sld [smem:$0x3FD0];
	(tm) =	ssettm $0x1  }
0x93: {  	s5 =	sld [smem:$0x3FFB];
	_ =	sdelay $0x3  }
0x94: {  	_ =	strace s5  }
0x95: {  	s5 =	sld [smem:$0x3FFC];
	_ =	sdelay $0x3  }
0x96: {  	_ =	strace s5  }
0x97: {  	s5 =	sld [smem:$0x3FFD];
	_ =	sdelay $0x3  }
0x98: {  	_ =	strace s5  }
0x99: {  	_ =	strace $0x8FFFFFFF  }
0x9a: {  	s19 =	sld [smem:$0x3FDB];
	_ =	sdelay $0x1  }
0x9b: {  	s6 =	simm.s32 $_scs_section_size  }
0x9c: {  	s7 =	simm.s32 $_size__tile_overlayer_lowered;
	s8 =	simm.s32 $_tile_overlayer_lowered  }
0x9d: {  	s22 =	simm.s32 $0x1BFF;
	s21 =	sshll.u32 s8, $0x1;
	s5 =	sadd.s32 s6, s19  }
0x9e: {  	s9 =	simm.s32 $0x0;
	s20 =	sshll.u32 s7, $0x1;
	s7 =	sadd.s32 s21, s5  }
0x9f: {  	[timem:s9], [sflag:s22] =	dma.local [hbm:s7], s20  }
0xa0: {  	_ =	swait.ge [sflag:s22], s20  }
0xa1: {  	s6 =	ssub.s32 $0x0, s20;
	[sflag:s22] =	ssyncset.done $0x0  }
0xa2: {  	[sflag:s22] =	ssyncadd.s32 s6;
	_ =	sdelay $0x1  }
0xa3: {  	s23 =	simm.s32 $0x1B8B  }
0xa4: {  	_ =	swait.ge [sflag:s23], $0x1  }
0xa5: {  	[sflag:s23] =	ssyncset.done $0x0  }
0xa6: {  	s25 =	simm.s32 $0x1B8E;
	s24 =	sld [smem:$0x3FFE];
	[sflag:s23] =	ssyncadd.s32 $0xFFFFFFFF  }
0xa7: {  	s26 =	simm.s32 $execute0_lowered;
	[smem:$0x3FD2] =	sst s25  }
0xa8: {  	s7 =	sshll.u32 s26, $0x1;
	_ =	strace $0x80000046;
	[dreg:$0x1] =	wrdreg $0xFFFFFFFF  }
0xa9: {  	s28 =	simm.s32 $_size_execute0_lowered;
	s5 =	sadd.s32 s5, s7;
	[dreg:$0x0] =	wrdreg $0x0  }
0xaa: {  	s7 =	sshll.u32 s28, $0x1;
	[dreg:$0x2] =	wrdreg s5  }
0xab: {  	[dreg:$0x3] =	wrdreg s7  }
0xac: {  	[dreg:$0x4] =	wrdreg $0xC0  }
0xad: {  	_ =	task [dreg:s9], $0x5FFFF  }
0xae: {  	[dreg:$0x1] =	wrdreg $0xFFFFFFFF  }
0xaf: {  	[dreg:$0x0] =	wrdreg $0x60  }
0xb0: {  	[dreg:$0x2] =	wrdreg s24  }
0xb1: {  	[dreg:$0x3] =	wrdreg s2  }
0xb2: {  	[dreg:$0x4] =	wrdreg s18  }
0xb3: {  	[dreg:$0x5] =	wrdreg s4  }
0xb4: {  	[dreg:$0x6] =	wrdreg $0x9  }
0xb5: {  	_ =	task.clear_ibuf [dreg:s9], $0x7FFFF;
	_ =	strace $0x90000046  }
0xb6: {  	s29 =	simm.s32 $0x9;
	_ =	strace $0x80000048  }
0xb7: {  	_ =	swait.ge [sflag:s29], $0x1  }
0xb8: {  	[sflag:s29] =	ssyncadd.s32 $0xFFFFFFFF  }
0xb9: {  	_ =	strace $0x90000048  }
0xba: {  	_ =	sfence  }
0xbb: {  	s30 =	sld [smem:$0x0];
	_ =	sdelay $0x2  }
0xbc: {  	s31 =	sshll.u32 s1, $0xD;
	s1 =	sshrl.u32 s1, $0x2  }
0xbd: {  	s3 =	sand.u32 $0x4000, s31;
	s1 =	sadd.s32 s1, s30  }
0xbe: {  	s0 =	sor.u32 s3, s0;
	s1 =	sshll.u32 s1, $0x11  }
0xbf: {  	s0 =	sor.u32 s1, s0  }
0xc0: {  	s0 =	sadd.s32 $0x8F2B, s0  }
0xc1: {  	[sflag:s0] =	ssyncadd.remote.s32 $0x1  }
0xc2: {  	_ =	sfence.sel $0xFFFF  }
0xc3: {  	[dreg:$0x0] =	wrdreg $0xFFFFFFFF;
	(pc) =	sbr.abs _section_cstart, $3  }
0xc4: {  	[dreg:$0x1] =	wrdreg $0xFFFFFFFF  }
0xc5: {  	_ =	task.clear_ibuf [dreg:s9], $0x2FFFF;
	_ =	strace $0x9FFFFFFF  }
0xc6: {  	(tm) =	ssettm $0x7FFFFFFF  }
0xc7: {  	_ =	shalt  }
tec
execute0_lowered:
.L_overlay_start_1:
0x0: {  	(tag) =	ssettag $0x1  }
0x1: {  	s2 =	rddreg [dreg:$0x0]  }
0x2: {  	s0 =	rddreg [dreg:$0x1]  }
0x3: {  	v0 =	vimm.s32 $0xEFCDAB89;
	s1 =	rddreg [dreg:$0x2];
	v1 =	vimm.s32 $0x67452301  }
0x4: {  	s3 =	srdreg.scid;
	v2 =	vimm.s32 $0xDCFE98BA;
	s8 =	rddreg [dreg:$0x3];
	v3 =	vimm.s32 $0x54761032;
	v4 =	vimm.s32 $0xBA98FEDC  }
0x5: {  	s4 =	stileid.u32;
	v5 =	vimm.s32 $0x32107654;
	v6 =	vimm.s32 $0xFEDCBA98;
	s10 =	simm.s32 $0x3;
	s11 =	simm.s32 $0x200  }
0x6: {  	v7 =	vimm.s32 $0x76543210;
	s12 =	simm.s32 $0x400;
	s13 =	simm.s32 $0x20;
	s14 =	simm.s32 $0x600;
	v0 =	vunpack.c.l.s4.s8 v0;
	v1 =	vunpack.c.l.s4.s8 v1  }
0x7: {  	s15 =	simm.s32 $0x1600;
	s16 =	simm.s32 $0x2600;
	s17 =	simm.s32 $0x3600;
	v2 =	vunpack.c.l.s4.s8 v2;
	v3 =	vunpack.c.l.s4.s8 v3;
	v4 =	vunpack.c.l.s4.s8 v4  }
0x8: {  	s18 =	simm.s32 $0x4600;
	s19 =	simm.s32 $0x5600;
	s20 =	simm.s32 $0x1;
	v5 =	vunpack.c.l.s4.s8 v5;
	v6 =	vunpack.c.l.s4.s8 v6;
	v0 =	vunpack.c.0.s8.s32 v0  }
0x9: {  	s21 =	simm.s32 $0x2;
	s23 =	simm.s32 $0x0;
	s3 =	sand.u32 $0x1, s3;
	v1 =	vunpack.c.0.s8.s32 v1;
	v2 =	vunpack.c.0.s8.s32 v2;
	v3 =	vunpack.c.0.s8.s32 v3  }
0xa: {  	s5 =	sshll.u32 s4, $0x7;
	s4 =	simm.s32 $0x0;
	v7 =	vunpack.c.l.s4.s8 v7;
	s6 =	sshll.u32 s3, $0x6;
	v4 =	vunpack.c.0.s8.s32 v4;
	v5 =	vunpack.c.0.s8.s32 v5  }
0xb: {  	s3 =	ssub.s32 $0x2, s3;
	[smem:$0x7FF] =	sst s4;
	s9 =	sor.u32 s6, s5;
	v0 =	vcombine.low v1, v0;
	v1 =	vcombine.low v3, v2;
	v2 =	vunpack.c.0.s8.s32 v6  }
0xc: {  	s31 =	sshrl.u32 s3, $0x1;
	_ =	strace $0x80000047;
	s2 =	sadd.s32 s9, s2;
	v3 =	vcombine.low v5, v4;
	v4 =	vunpack.c.0.s8.s32 v7  }
0xd: {  	s3 =	ssub.s32 s3, s31;
	s8 =	sadd.s32 s8, s9;
	s5 =	sadd.s32 $0x1600, s2;
	v0 =	vand.u32 $0xF, v0;
	v5 =	vand.u32 $0xF, v2  }
0xe: {  	s6 =	sadd.s32 $0xE00, s2;
	s7 =	sadd.s32 $0x600, s2;
	s9 =	smax.u32 s3, $0x1;
	v1 =	vand.u32 $0xF, v1;
	v2 =	vand.u32 $0xF, v3;
	v3 =	vcombine.low v5, v4  }
.LBB2_1:
0xf: {  	[tilespmem:s4], [sflag:$0x3] =	stream.linear.gather [hbm4b:s5+s4], $0x200, $0x38;
	[tilespmem:$0x6800] =	vst v63  }
0x10: {  	_ =	swait.ge [sflag:s10], $0x200  }
0x11: {  	[sflag:s10] =	ssyncset.done $0x0  }
0x12: {  	[sflag:s10] =	ssyncadd.s32 $0xFFFFFE00  }
0x13: {  	[tilespmem:s11], [sflag:$0x3] =	stream.linear.gather [hbm4b:s6+s4], $0x200, $0x38;
	[tilespmem:$0x6800] =	vst v63  }
0x14: {  	_ =	swait.ge [sflag:s10], $0x200  }
0x15: {  	[sflag:s10] =	ssyncset.done $0x0  }
0x16: {  	[sflag:s10] =	ssyncadd.s32 $0xFFFFFE00  }
0x17: {  	[tilespmem:s12], [sflag:$0x3] =	stream.linear.gather [hbm4b:s7+s4], $0x200, $0x38;
	[tilespmem:$0x6800] =	vst v63  }
0x18: {  	_ =	swait.ge [sflag:s10], $0x200  }
0x19: {  	[sflag:s10] =	ssyncset.done $0x0  }
0x1a: {  	[sflag:s10] =	ssyncadd.s32 $0xFFFFFE00  }
0x1b: {  	[tilespmem:s14], [sflag:$0x1] =	stream.indirect.gather [hbm4b:s0+s13], $0x80, s4, s13, $0xb8;
	[tilespmem:$0x6800] =	vst v63  }
0x1c: {  	_ = 	snop  }
0x1d: {  	[tilespmem:s15], [sflag:$0x1] =	stream.indirect.gather [hbm4b:s1+s13], $0x80, s11, s13, $0xb8;
	[tilespmem:$0x6800] =	vst v63  }
0x1e: {  	s24 =	simm.s32 $0x0  }
0x1f: {  	[tilespmem:s16], [sflag:$0x1] =	stream.indirect.gather [hbm4b:s0+s13], $0x80, s12, s13, $0xb8;
	[tilespmem:$0x6800] =	vst v63  }
.LBB2_2:
0x20: {  	s2 =	sshllo.u32 s24, $0x1  }
0x21: {  	s25 =	sshll.u32 s2, $0x5  }
0x22: {  	[tilespmem:s17], [sflag:$0x2] =	stream.indirect.gather [hbm4b:s0+s13], $0x80, s25, s13, $0xb8;
	[tilespmem:$0x6800] =	vst v63  }
0x23: {  	s2 =	sadd.s32 $0x200, s25  }
0x24: {  	[tilespmem:s18], [sflag:$0x2] =	stream.indirect.gather [hbm4b:s1+s13], $0x80, s2, s13, $0xb8;
	[tilespmem:$0x6800] =	vst v63  }
0x25: {  	s30 =	sadd.s32 $0x400, s25  }
0x26: {  	[tilespmem:s19], [sflag:$0x2] =	stream.indirect.gather [hbm4b:s0+s13], $0x80, s30, s13, $0xb8;
	[tilespmem:$0x6800] =	vst v63  }
0x27: {  	_ =	swait.ge [sflag:s20], $0x1000  }
0x28: {  	[sflag:s20] =	ssyncset.done $0x0  }
0x29: {  	[sflag:s20] =	ssyncadd.s32 $0xFFFFF000  }
0x2a: {  	_ =	swait.ge [sflag:s20], $0x1000  }
0x2b: {  	s31 =	sshll.u32 s24, $0x6;
	[sflag:s20] =	ssyncset.done $0x0  }
0x2c: {  	s2 =	sand.u32 $0x3FFFFFC0, s31;
	[sflag:s20] =	ssyncadd.s32 $0xFFFFF000  }
0x2d: {  	s2 =	sadd.s32 $0x6600, s2;
	_ =	swait.ge [sflag:s20], $0x1000  }
0x2e: {  	s26 =	sshll.u32 s24, $0x1;
	v4 =	vmov s2;
	[sflag:s20] =	ssyncset.done $0x0  }
0x2f: {  	s28 =	simm.s32 $0x0;
	p1 =	por $0x1, $0x1;
	[tilespmem:$0x1FFF0] =	vst v4;
	[sflag:s20] =	ssyncadd.s32 $0xFFFFF000  }
.LBB2_3:
0x30: {  	s2 =	sshll.u32 s28, $0xB  }
0x31: {  	s2 =	sand.u32 $0x3FFFF800, s2  }
0x32: {  	s30 =	sadd.s32 $0x2680, s2  }
0x33: {  	v6 =	vld [tilespmem:s30+$0x70]  }
0x34: {  	v8 =	vld [tilespmem:s30+$0xFFFFFFF0]  }
0x35: {  	v5 =	vld [tilespmem:s30+$0x60]  }
0x36: {  	v9 =	vld [tilespmem:s30+$0xFFFFFFE0]  }
0x37: {  	v13 =	vld [tilespmem:s30+$0x50]  }
0x38: {  	s31 =	sor.u32 $0x680, s2;
	v10 =	vld [tilespmem:s30+$0xFFFFFFD0]  }
0x39: {  	v23 =	vld [tilespmem:s31+$0x50]  }
0x3a: {  	v18 =	vld [tilespmem:s30+$0x40]  }
0x3b: {  	v12 =	vld [tilespmem:s30+$0xFFFFFFC0]  }
0x3c: {  	v24 =	vld [tilespmem:s31+$0x40]  }
0x3d: {  	v19 =	vld [tilespmem:s30+$0x30]  }
0x3e: {  	v4 =	vld [tilespmem:s30+$0xFFFFFFB0]  }
0x3f: {  	v20 =	vld [tilespmem:s30+$0x20]  }
0x40: {  	v7 =	vld [tilespmem:s30+$0xFFFFFFA0]  }
0x41: {  	v27 =	vld [tilespmem:s31+$0x20]  }
0x42: {  	v21 =	vld [tilespmem:s30+$0x0]  }
0x43: {  	v11 =	vld [tilespmem:s30+$0x10]  }
0x44: {  	v22 =	vld [tilespmem:s30+$0xFFFFFF80]  }
0x45: {  	v17 =	vld [tilespmem:s30+$0xFFFFFF90]  }
0x46: {  	v29 =	vld [tilespmem:s31+$0x0]  }
0x47: {  	s3 =	sadd.s32 $0x1680, s2;
	v30 =	vld [tilespmem:s31+$0x10];
	[tilespmem:$0x1FF60] =	vst v5;
	v5 =	vmul.f32 v5, v5;
	v51 =	vmul.f32 v13, v13  }
0x48: {  	v28 =	vld [tilespmem:s3+$0x0];
	v53 =	vmul.f32 v10, v10;
	v36 =	vmul.f32 v18, v18  }
0x49: {  	v25 =	vld [tilespmem:s3+$0x10];
	v50 =	vmul.f32 v12, v12;
	v35 =	vmul.f32 v19, v19  }
0x4a: {  	v32 =	vld [tilespmem:s31+$0xFFFFFF80];
	v52 =	vmul.f32 v24, v24;
	v48 =	vmul.f32 v4, v4  }
0x4b: {  	v31 =	vld [tilespmem:s31+$0xFFFFFF90];
	v44 =	vmul.f32 v20, v20;
	v46 =	vmul.f32 v7, v7  }
0x4c: {  	v34 =	vld [tilespmem:s3+$0xFFFFFF80];
	v41 =	vmul.f32 v21, v21;
	v42 =	vmul.f32 v11, v11  }
0x4d: {  	v33 =	vld [tilespmem:s3+$0xFFFFFF90];
	v43 =	vmul.f32 v22, v22;
	v47 =	vmul.f32 v27, v27  }
0x4e: {  	v39 =	vld [tilespmem:s31+$0xFFFFFFA0];
	v45 =	vmul.f32 v17, v17;
	v54 =	vmul.f32 v29, v29  }
0x4f: {  	v38 =	vld [tilespmem:s3+$0xFFFFFFA0];
	v55 =	vmul.f32 v28, v28;
	v56 =	vmul.f32 v30, v30  }
0x50: {  	v37 =	vld [tilespmem:s3+$0x20];
	v57 =	vmul.f32 v32, v32;
	v58 =	vmul.f32 v25, v25  }
0x51: {  	v26 =	vld [tilespmem:s31+$0x30];
	v59 =	vmul.f32 v34, v34;
	v60 =	vmul.f32 v31, v31  }
0x52: {  	v40 =	vld [tilespmem:s3+$0x30];
	v62 =	vmul.f32 v33, v33;
	v61 =	vadd.f32 v42, v41;
	v63 =	vadd.f32 v45, v43  }
0x53: {  	[tilespmem:$0x1FF80] =	vst v10;
	v10 =	vmul.f32 v39, v39;
	v42 =	vld [tilespmem:s31+$0xFFFFFFB0];
	v54 =	vadd.f32 v56, v54;
	v56 =	vadd.f32 v60, v57  }
0x54: {  	[tilespmem:$0x1FFC0] =	vst v11;
	v11 =	vmul.f32 v38, v38;
	v41 =	vld [tilespmem:s3+$0xFFFFFFB0];
	v55 =	vadd.f32 v58, v55;
	v58 =	vadd.f32 v62, v59  }
0x55: {  	v57 =	vmul.f32 v37, v37;
	v43 =	vld [tilespmem:s3+$0x40];
	v60 =	vadd.f32 v44, v61;
	v62 =	vadd.f32 v46, v63  }
0x56: {  	v49 =	vmul.f32 v26, v26;
	v45 =	vld [tilespmem:s31+$0xFFFFFFC0];
	v54 =	vadd.f32 v47, v54;
	v56 =	vadd.f32 v10, v56  }
0x57: {  	v44 =	vld [tilespmem:s3+$0xFFFFFFC0];
	v55 =	vadd.f32 v57, v55;
	v57 =	vmul.f32 v40, v40;
	v58 =	vadd.f32 v11, v58  }
0x58: {  	[tilespmem:$0x1FFA0] =	vst v4;
	v4 =	vimm.f32 $0.0e+00;
	v46 =	vld [tilespmem:s3+$0x50];
	v60 =	vadd.f32 v35, v60;
	v62 =	vadd.f32 v48, v62  }
0x59: {  	v16 =	vmovc v9;
	v9 =	vmul.f32 v9, v9;
	v47 =	vld [tilespmem:s31+$0xFFFFFFD0];
	v54 =	vadd.f32 v49, v54;
	v55 =	vadd.f32 v57, v55  }
0x5a: {  	v48 =	vld [tilespmem:s3+$0xFFFFFFD0];
	v10 =	vmul.f32 v42, v42;
	v11 =	vmul.f32 v41, v41;
	v60 =	vadd.f32 v36, v60  }
0x5b: {  	v35 =	vld [tilespmem:s31+$0x60];
	v57 =	vmul.f32 v43, v43;
	v61 =	vadd.f32 v50, v62;
	v54 =	vadd.f32 v52, v54  }
0x5c: {  	v49 =	vld [tilespmem:s3+$0x60];
	v62 =	vmul.f32 v23, v23;
	v56 =	vadd.f32 v10, v56;
	v58 =	vadd.f32 v11, v58  }
0x5d: {  	v50 =	vld [tilespmem:s31+$0xFFFFFFE0];
	v10 =	vmul.f32 v45, v45;
	v11 =	vmul.f32 v44, v44;
	v55 =	vadd.f32 v57, v55  }
0x5e: {  	v52 =	vld [tilespmem:s3+$0xFFFFFFE0];
	v57 =	vmul.f32 v46, v46;
	v51 =	vadd.f32 v51, v60;
	v61 =	vadd.f32 v53, v61  }
0x5f: {  	v36 =	vld [tilespmem:s31+$0x70];
	v62 =	vadd.f32 v62, v54;
	v56 =	vadd.f32 v10, v56;
	v10 =	vmul.f32 v47, v47  }
0x60: {  	v53 =	vld [tilespmem:s3+$0x70];
	v58 =	vadd.f32 v11, v58;
	v11 =	vmul.f32 v48, v48;
	v57 =	vadd.f32 v57, v55  }
0x61: {  	v54 =	vld [tilespmem:s31+$0xFFFFFFF0];
	v60 =	vmul.f32 v49, v49;
	v5 =	vadd.f32 v5, v51;
	v56 =	vadd.f32 v10, v56  }
0x62: {  	v55 =	vld [tilespmem:s3+$0xFFFFFFF0];
	v10 =	vmul.f32 v35, v35;
	v58 =	vadd.f32 v11, v58;
	v11 =	vmul.f32 v50, v50  }
0x63: {  	v61 =	vadd.f32 v9, v61;
	v9 =	vmul.f32 v52, v52;
	v57 =	vadd.f32 v60, v57  }
0x64: {  	v59 =	vadd.f32 v10, v62;
	v10 =	vmul.f32 v6, v6;
	v51 =	vadd.f32 v11, v56  }
0x65: {  	v15 =	vmovc v8;
	v11 =	vmul.f32 v8, v8;
	v8 =	vmul.f32 v36, v36;
	v58 =	vadd.f32 v9, v58  }
0x66: {  	v9 =	vmul.f32 v53, v53;
	v5 =	vadd.f32 v10, v5;
	v10 =	vmul.f32 v54, v54  }
0x67: {  	v56 =	vadd.f32 v11, v61;
	v11 =	vmul.f32 v55, v55;
	v59 =	vadd.f32 v8, v59  }
0x68: {  	v57 =	vadd.f32 v9, v57;
	v51 =	vadd.f32 v10, v51;
	v8 =	vperm.xlane v5, v0  }
0x69: {  	v58 =	vadd.f32 v11, v58;
	v9 =	vperm.xlane v56, v0;
	v10 =	vperm.xlane v59, v0  }
0x6a: {  	v11 =	vperm.xlane v51, v0;
	v5 =	vadd.f32 v8, v5;
	v8 =	vperm.xlane v57, v0  }
0x6b: {  	v56 =	vadd.f32 v9, v56;
	v9 =	vperm.xlane v58, v0;
	v59 =	vadd.f32 v10, v59  }
0x6c: {  	v62 =	vadd.f32 v11, v51;
	v60 =	vadd.f32 v8, v57;
	v10 =	vperm.xlane v5, v1  }
0x6d: {  	v61 =	vadd.f32 v9, v58;
	v11 =	vperm.xlane v56, v1;
	v8 =	vperm.xlane v59, v1  }
0x6e: {  	[tilespmem:$0x1FFD0] =	vst v4;
	v4 =	vperm.xlane v62, v1;
	v5 =	vadd.f32 v10, v5;
	v9 =	vperm.xlane v60, v1  }
0x6f: {  	[tilespmem:$0x1FF70] =	vst v13;
	v51 =	vadd.f32 v11, v56;
	v10 =	vperm.xlane v61, v1;
	v57 =	vadd.f32 v8, v59  }
0x70: {  	[tilespmem:$0x1FF90] =	vst v12;
	v58 =	vadd.f32 v4, v62;
	v59 =	vadd.f32 v9, v60;
	v11 =	vperm.xlane v5, v2  }
0x71: {  	[tilespmem:$0x1FFB0] =	vst v7;
	v56 =	vadd.f32 v10, v61;
	v61 =	vperm.xlane v51, v2;
	v62 =	vperm.xlane v57, v2  }
0x72: {  	p0 =	por p1, p1;
	s29 =	simm.s32 $0x0;
	s2 =	simm.s32 $0x2;
	[tilespmem:$0x1FFE0] =	vst v6;
	v63 =	vperm.xlane v58, v2;
	v60 =	vadd.f32 v11, v5;
	v5 =	vperm.xlane v59, v2  }
.LBB2_4:
0x73: {  	v4 =	vperm.xlane v56, v2;
	v51 =	vadd.f32 v61, v51  }
0x74: {  	v57 =	vadd.f32 v62, v57;
	v58 =	vadd.f32 v63, v58;
	v11 =	vperm.xlane v60, v3  }
0x75: {  	v5 =	vadd.f32 v5, v59;
	v4 =	vadd.f32 v4, v56;
	v56 =	vperm.xlane v51, v3  }
0x76: {  	v8 =	vperm.xlane v57, v3;
	v9 =	vperm.xlane v58, v3;
	v59 =	vadd.f32 v11, v60  }
0x77: {  	v10 =	vperm.xlane v5, v3;
	v11 =	vperm.xlane v4, v3;
	v51 =	vadd.f32 v56, v51  }
0x78: {  	v61 =	vadd.f32 v8, v57;
	v62 =	vadd.f32 v9, v58;
	v8 =	vmax.f32 v59, $1.000000020e-24  }
0x79: {  	v5 =	vadd.f32 v10, v5;
	v59 =	vshra.s32 v8, $0x1;
	v58 =	vmul.f32 $5.000000000e-01, v8  }
0x7a: {  	v4 =	vadd.f32 v11, v4;
	v51 =	vmax.f32 v51, $1.000000020e-24;
	v57 =	vmax.f32 v62, $1.000000020e-24  }
0x7b: {  	v56 =	vmax.f32 v61, $1.000000020e-24;
	v5 =	vmax.f32 v5, $1.000000020e-24;
	v59 =	vsub.s32 $0x5F3759DF, v59  }
0x7c: {  	v60 =	vshra.s32 v51, $0x1;
	v51 =	vmul.f32 $5.000000000e-01, v51;
	v9 =	vshra.s32 v56, $0x1  }
0x7d: {  	v56 =	vmul.f32 $5.000000000e-01, v56;
	v10 =	vshra.s32 v5, $0x1;
	v5 =	vmul.f32 $5.000000000e-01, v5  }
0x7e: {  	v11 =	vshra.s32 v57, $0x1;
	v57 =	vmul.f32 $5.000000000e-01, v57;
	v58 =	vmul.f32 v59, v58  }
0x7f: {  	v4 =	vmax.f32 v4, $1.000000020e-24;
	v60 =	vsub.s32 $0x5F3759DF, v60;
	v61 =	vsub.s32 $0x5F3759DF, v9  }
0x80: {  	v62 =	vsub.s32 $0x5F3759DF, v10;
	v6 =	vshra.s32 v4, $0x1;
	v4 =	vmul.f32 $5.000000000e-01, v4  }
0x81: {  	s30 =	sadd.s32 $0x100, s30;
	v63 =	vsub.s32 $0x5F3759DF, v11;
	v51 =	vmul.f32 v60, v51;
	v56 =	vmul.f32 v61, v56  }
0x82: {  	v7 =	vld [tilespmem:s30+$0x70];
	v57 =	vmul.f32 v63, v57;
	v5 =	vmul.f32 v62, v5;
	v6 =	vsub.s32 $0x5F3759DF, v6  }
0x83: {  	v58 =	vmul.f32 v59, v58;
	v4 =	vmul.f32 v6, v4  }
0x84: {  	v51 =	vmul.f32 v60, v51;
	v56 =	vmul.f32 v61, v56  }
0x85: {  	v57 =	vmul.f32 v63, v57;
	v5 =	vmul.f32 v62, v5;
	v58 =	vsub.f32 $1.500000000e+00, v58  }
0x86: {  	v4 =	vmul.f32 v6, v4;
	v8 =	vsub.f32 $1.500000000e+00, v51;
	v56 =	vsub.f32 $1.500000000e+00, v56  }
0x87: {  	v51 =	vmul.f32 v7, v7;
	v57 =	vsub.f32 $1.500000000e+00, v57;
	v5 =	vsub.f32 $1.500000000e+00, v5  }
0x88: {  	v4 =	vsub.f32 $1.500000000e+00, v4;
	v8 =	vmul.f32 v60, v8;
	v60 =	vmul.f32 v59, v58  }
0x89: {  	v61 =	vmul.f32 v61, v56;
	v5 =	vmul.f32 v62, v5  }
0x8a: {  	v62 =	vmul.f32 v63, v57;
	v4 =	vmul.f32 v6, v4  }
0x8b: {  	v57 =	vmul.f32 v8, v15;
	v59 =	vmul.f32 v8, v16  }
0x8c: {  	v10 =	vmul.f32 v62, v54;
	v13 =	vmul.f32 v61, v35  }
0x8d: {  	v12 =	vmul.f32 v5, v49;
	v16 =	vmul.f32 v62, v50  }
0x8e: {  	v18 =	vmul.f32 v60, v18;
	v23 =	vmul.f32 v61, v23  }
0x8f: {  	v50 =	vmul.f32 v5, v46;
	v63 =	vmul.f32 v62, v47  }
0x90: {  	v19 =	vmul.f32 v60, v19;
	v24 =	vmul.f32 v61, v24  }
0x91: {  	v45 =	vmul.f32 v62, v45;
	v43 =	vmul.f32 v5, v43  }
0x92: {  	v20 =	vmul.f32 v60, v20;
	v26 =	vmul.f32 v61, v26  }
0x93: {  	v40 =	vmul.f32 v5, v40;
	v42 =	vmul.f32 v62, v42  }
0x94: {  	v21 =	vmul.f32 v60, v21;
	v27 =	vmul.f32 v61, v27  }
0x95: {  	v22 =	vmul.f32 v8, v22;
	v37 =	vmul.f32 v5, v37  }
0x96: {  	v39 =	vmul.f32 v62, v39;
	v29 =	vmul.f32 v61, v29  }
0x97: {  	v6 =	vld [tilespmem:$0x1FFE0];
	v28 =	vmul.f32 v5, v28;
	v11 =	vmul.f32 v4, v55  }
0x98: {  	v35 =	vmul.f32 v4, v52;
	v52 =	vmul.f32 v4, v48  }
0x99: {  	v9 =	vld [tilespmem:$0x1FF70];
	v44 =	vmul.f32 v4, v44;
	v41 =	vmul.f32 v4, v41  }
0x9a: {  	v49 =	vld [tilespmem:$0x1FF90];
	v38 =	vmul.f32 v4, v38;
	v55 =	vmul.f32 v61, v30;
	v30 =	vadd.f32 v12, v13  }
0x9b: {  	v46 =	vld [tilespmem:$0x1FFC0];
	v48 =	vadd.f32 v50, v23;
	v12 =	vmul.f32 v4, v34;
	v24 =	vadd.f32 v43, v24  }
0x9c: {  	v47 =	vld [tilespmem:$0x1FFB0];
	v26 =	vadd.f32 v40, v26;
	v27 =	vadd.f32 v37, v27;
	v56 =	vmul.f32 v60, v6;
	v6 =	vmovc v7  }
0x9d: {  	v13 =	vmul.f32 v62, v31;
	v28 =	vadd.f32 v28, v29;
	v63 =	vadd.f32 v52, v63;
	[tilespmem:$0x1FFE0] =	vst v6;
	v6 =	vld [tilespmem:$0x1FF60]  }
0x9e: {  	v4 =	vmul.f32 v4, v33;
	v23 =	vadd.f32 v44, v45;
	v31 =	vadd.f32 v38, v39  }
0x9f: {  	v37 =	vld [tilespmem:s30+$0xFFFFFFA0];
	v14 =	vsub.f32 v27, v20;
	v7 =	vmul.f32 v5, v53;
	v53 =	vmul.f32 v60, v9  }
0xa0: {  	v4 =	vadd.f32 v4, v13;
	v15 =	vmul.f32 v8, v49;
	v5 =	vmul.f32 v5, v25  }
0xa1: {  	v13 =	vmul.f32 v60, v46;
	v9 =	vmul.f32 v8, v47;
	v52 =	vand.u32 $0x7FFFFFFF, v14  }
0xa2: {  	v14 =	vsub.f32 v26, v19;
	v58 =	vmul.f32 v60, v6;
	v6 =	vmul.f32 v61, v36  }
0xa3: {  	v5 =	vadd.f32 v5, v55;
	v9 =	vsub.f32 v31, v9;
	v36 =	vld [tilespmem:$0x1FF80];
	v61 =	vmul.f32 v62, v32  }
0xa4: {  	v49 =	vld [tilespmem:$0x1FFA0];
	v15 =	vsub.f32 v23, v15;
	v46 =	vmul.f32 v37, v37;
	v6 =	vadd.f32 v7, v6  }
0xa5: {  	v50 =	vld [tilespmem:s30+$0xFFFFFFE0];
	v7 =	vadd.f32 v11, v10;
	v11 =	vadd.f32 v12, v61;
	v12 =	vmul.f32 v8, v17  }
0xa6: {  	s31 =	sadd.s32 $0x100, s31;
	v33 =	vld [tilespmem:s30+$0xFFFFFFB0];
	v55 =	vand.u32 $0x7FFFFFFF, v14;
	v5 =	vsub.f32 v5, v13;
	v32 =	vadd.f32 v35, v16  }
0xa7: {  	v27 =	vld [tilespmem:s31+$0x20];
	v9 =	vand.u32 $0x7FFFFFFF, v9;
	v11 =	vsub.f32 v11, v22;
	v4 =	vsub.f32 v4, v12  }
0xa8: {  	v29 =	vld [tilespmem:s31+$0x0];
	v16 =	vadd.f32 v41, v42;
	v12 =	vsub.f32 v28, v21;
	v54 =	vmul.f32 v8, v36  }
0xa9: {  	v38 =	vld [tilespmem:s30+$0x10];
	v8 =	vmul.f32 v8, v49;
	v17 =	vand.u32 $0x7FFFFFFF, v11;
	v4 =	vand.u32 $0x7FFFFFFF, v4  }
0xaa: {  	v20 =	vld [tilespmem:s30+$0xFFFFFFF0];
	v5 =	vand.u32 $0x7FFFFFFF, v5;
	v12 =	vand.u32 $0x7FFFFFFF, v12;
	v4 =	vadd.f32 v4, v17  }
0xab: {  	v39 =	vld [tilespmem:s31+$0xFFFFFFA0];
	v14 =	vand.u32 $0x7FFFFFFF, v15;
	v8 =	vsub.f32 v16, v8;
	v5 =	vadd.f32 v5, v12  }
0xac: {  	v26 =	vld [tilespmem:s31+$0x30];
	v47 =	vmul.f32 v27, v27;
	v60 =	vsub.f32 v24, v18;
	v4 =	vadd.f32 v4, v9  }
0xad: {  	v13 =	vld [tilespmem:s30+$0x60];
	v62 =	vsub.f32 v48, v53;
	v8 =	vand.u32 $0x7FFFFFFF, v8;
	v5 =	vadd.f32 v5, v52  }
0xae: {  	v35 =	vld [tilespmem:s31+$0x60];
	v48 =	vmul.f32 v33, v33;
	v42 =	vmul.f32 v38, v38;
	v4 =	vadd.f32 v4, v8  }
0xaf: {  	v18 =	vld [tilespmem:s30+$0x40];
	v61 =	vand.u32 $0x7FFFFFFF, v60;
	v17 =	vsub.f32 v63, v54;
	v5 =	vadd.f32 v5, v55  }
0xb0: {  	v24 =	vld [tilespmem:s31+$0x40];
	v6 =	vsub.f32 v6, v56;
	v56 =	vmul.f32 v20, v20;
	v4 =	vadd.f32 v4, v14  }
0xb1: {  	v22 =	vld [tilespmem:s30+$0x50];
	v14 =	vand.u32 $0x7FFFFFFF, v17;
	v17 =	vsub.f32 v32, v59;
	v5 =	vadd.f32 v5, v61  }
0xb2: {  	v15 =	vmovc v20;
	v20 =	vld [tilespmem:s30+$0x20];
	v63 =	vand.u32 $0x7FFFFFFF, v62;
	v32 =	vsub.f32 v30, v58;
	v4 =	vadd.f32 v4, v14  }
0xb3: {  	v7 =	vsub.f32 v7, v57;
	v21 =	vld [tilespmem:s30+$0x0];
	v14 =	vand.u32 $0x7FFFFFFF, v17;
	v5 =	vadd.f32 v5, v63  }
0xb4: {  	v36 =	vld [tilespmem:s31+$0x70];
	v60 =	vmul.f32 v35, v35;
	v34 =	vand.u32 $0x7FFFFFFF, v32;
	v4 =	vadd.f32 v4, v14  }
0xb5: {  	s3 =	sadd.s32 $0x100, s3;
	v49 =	vmul.f32 v26, v26;
	v7 =	vand.u32 $0x7FFFFFFF, v7;
	v12 =	vld [tilespmem:s30+$0xFFFFFFD0];
	v5 =	vadd.f32 v5, v34  }
0xb6: {  	[tilespmem:$0x1FFA0] =	vst v33;
	v33 =	vld [tilespmem:s3+$0xFFFFFF90];
	v6 =	vand.u32 $0x7FFFFFFF, v6;
	v54 =	vmul.f32 v22, v22;
	v4 =	vadd.f32 v4, v7  }
0xb7: {  	s22 =	sadd.s32 $0x1, s29;
	v25 =	vld [tilespmem:s30+$0xFFFFFFC0];
	v52 =	vmul.f32 v24, v24;
	v44 =	vmul.f32 v20, v20;
	v5 =	vadd.f32 v5, v6  }
0xb8: {  	v19 =	vld [tilespmem:s30+$0x30];
	v11 =	vmov s22;
	v41 =	vmul.f32 v21, v21;
	v6 =	vperm.xlane v4, v0  }
0xb9: {  	v62 =	vmov s29;
	v57 =	vmul.f32 v36, v36;
	v34 =	vld [tilespmem:s3+$0xFFFFFF80];
	v7 =	vperm.xlane v5, v0  }
0xba: {  	v23 =	vld [tilespmem:s31+$0x50];
	v8 =	vmul.f32 v18, v18;
	v55 =	vmul.f32 v12, v12;
	v4 =	vadd.f32 v4, v6  }
0xbb: {  	v28 =	vld [tilespmem:s3+$0x0];
	[tilespmem:$0x1FF80] =	vst v12;
	v12 =	vmul.f32 v33, v33;
	v58 =	vmul.f32 v13, v13;
	v5 =	vadd.f32 v5, v7  }
0xbc: {  	[tilespmem:$0x1FF90] =	vst v25;
	v9 =	vlaneseq.u32;
	v30 =	vld [tilespmem:s31+$0x10];
	v6 =	vmul.f32 v25, v25;
	v25 =	vperm.xlane v4, v1  }
0xbd: {  	[tilespmem:$0x1FF70] =	vst v22;
	v22 =	vld [tilespmem:s30+$0xFFFFFF80];
	vm0 =	veq.s32 v62, v9;
	v59 =	vmul.f32 v50, v50;
	v31 =	vperm.xlane v5, v1  }
0xbe: {  	[tilespmem:$0x1FF60] =	vst v13;
	v13 =	vadd.f32 v42, v41;
	v41 =	vld [tilespmem:s3+$0xFFFFFFB0];
	v10 =	vmul.f32 v34, v34;
	v4 =	vadd.f32 v4, v25  }
0xbf: {  	v16 =	vmovc v50;
	v50 =	vmul.f32 v29, v29;
	v17 =	vld [tilespmem:s30+$0xFFFFFF90];
	v7 =	vmul.f32 v19, v19;
	v5 =	vadd.f32 v5, v31  }
0xc0: {  	v32 =	vld [tilespmem:s31+$0xFFFFFF80];
	v10 =	vadd.f32 v12, v10;
	v12 =	vadd.f32 v44, v13;
	v53 =	vperm.xlane v4, v2  }
0xc1: {  	vm1 =	veq.s32 v11, v9;
	v14 =	vld [tilespmem:$0x1FFD0];
	v62 =	vmul.f32 v30, v30;
	v63 =	vperm.xlane v5, v2  }
0xc2: {  	v61 =	vmul.f32 v23, v23;
	v7 =	vadd.f32 v7, v12;
	v25 =	vld [tilespmem:s3+$0x10];
	v4 =	vadd.f32 v4, v53  }
0xc3: {  	[tilespmem:$0x1FFB0] =	vst v37;
	v43 =	vmul.f32 v22, v22;
	v50 =	vadd.f32 v62, v50;
	v31 =	vld [tilespmem:s31+$0xFFFFFF90];
	v5 =	vadd.f32 v5, v63  }
0xc4: {  	v37 =	vld [tilespmem:s3+$0x20];
	[tilespmem:$0x1FFC0] =	vst v38;
	v45 =	vmul.f32 v17, v17;
	v7 =	vadd.f32 v8, v7;
	v38 =	vperm.xlane v4, v3  }
0xc5: {  	v42 =	vld [tilespmem:s31+$0xFFFFFFB0];
	v62 =	vmul.f32 v39, v39;
	v50 =	vadd.f32 v47, v50;
	v40 =	vperm.xlane v5, v3  }
0xc6: {  	v12 =	vmul.f32 v41, v41;
	v7 =	vadd.f32 v54, v7;
	v4 =	vadd.f32 v4, v38;
	v38 =	vld [tilespmem:s3+$0xFFFFFFA0]  }
0xc7: {  	v53 =	vmul.f32 v28, v28;
	v63 =	vmul.f32 v32, v32;
	v5 =	vadd.f32 v5, v40;
	v40 =	vld [tilespmem:s3+$0x30]  }
0xc8: {  	v47 =	vld [tilespmem:s31+$0xFFFFFFD0];
	v9 =	vmul.f32 v25, v25;
	v11 =	vmul.f32 v31, v31;
	v4 =	vsel vm0, v4, v14  }
0xc9: {  	v7 =	vadd.f32 v58, v7;
	v14 =	vadd.f32 v45, v43;
	v43 =	vld [tilespmem:s3+$0x40];
	v4 =	vsel vm1, v5, v4  }
0xca: {  	v45 =	vld [tilespmem:s31+$0xFFFFFFC0];
	v5 =	vadd.f32 v9, v53;
	v53 =	vmul.f32 v37, v37;
	[tilespmem:$0x1FFD0] =	vst v4;
	v4 =	vadd.f32 v11, v63  }
0xcb: {  	v44 =	vld [tilespmem:s3+$0xFFFFFFC0];
	v7 =	vadd.f32 v51, v7;
	v14 =	vadd.f32 v46, v14;
	v13 =	vmul.f32 v38, v38  }
0xcc: {  	v46 =	vld [tilespmem:s3+$0x50];
	v5 =	vadd.f32 v53, v5;
	v63 =	vmul.f32 v40, v40;
	v4 =	vadd.f32 v62, v4  }
0xcd: {  	v53 =	vmul.f32 v42, v42;
	v10 =	vadd.f32 v13, v10;
	v13 =	vadd.f32 v48, v14;
	v48 =	vld [tilespmem:s3+$0xFFFFFFD0]  }
0xce: {  	v14 =	vadd.f32 v49, v50;
	v5 =	vadd.f32 v63, v5;
	v9 =	vmul.f32 v43, v43;
	v49 =	vld [tilespmem:s3+$0x60]  }
0xcf: {  	v62 =	vmul.f32 v45, v45;
	v50 =	vld [tilespmem:s31+$0xFFFFFFE0];
	v4 =	vadd.f32 v53, v4;
	v10 =	vadd.f32 v12, v10  }
0xd0: {  	v63 =	vmul.f32 v44, v44;
	v53 =	vld [tilespmem:s3+$0x70];
	v6 =	vadd.f32 v6, v13;
	v12 =	vadd.f32 v52, v14  }
0xd1: {  	v52 =	vld [tilespmem:s3+$0xFFFFFFE0];
	v5 =	vadd.f32 v9, v5;
	v9 =	vmul.f32 v46, v46;
	v4 =	vadd.f32 v62, v4  }
0xd2: {  	v54 =	vld [tilespmem:s31+$0xFFFFFFF0];
	v62 =	vmul.f32 v47, v47;
	v8 =	vadd.f32 v63, v10;
	v6 =	vadd.f32 v55, v6  }
0xd3: {  	v12 =	vadd.f32 v61, v12;
	v55 =	vld [tilespmem:s3+$0xFFFFFFF0];
	v5 =	vadd.f32 v9, v5;
	v63 =	vmul.f32 v48, v48  }
0xd4: {  	v4 =	vadd.f32 v62, v4;
	v62 =	vmul.f32 v49, v49;
	v6 =	vadd.f32 v59, v6  }
0xd5: {  	v12 =	vadd.f32 v60, v12;
	v8 =	vadd.f32 v63, v8;
	v63 =	vmul.f32 v50, v50  }
0xd6: {  	v61 =	vmul.f32 v52, v52;
	v5 =	vadd.f32 v62, v5;
	v62 =	vmul.f32 v53, v53  }
0xd7: {  	v6 =	vadd.f32 v56, v6;
	v4 =	vadd.f32 v63, v4;
	v63 =	vmul.f32 v54, v54  }
0xd8: {  	v12 =	vadd.f32 v57, v12;
	v8 =	vadd.f32 v61, v8;
	v51 =	vmul.f32 v55, v55  }
0xd9: {  	v56 =	vperm.xlane v7, v0;
	v5 =	vadd.f32 v62, v5;
	v4 =	vadd.f32 v63, v4  }
0xda: {  	v57 =	vperm.xlane v6, v0;
	v58 =	vperm.xlane v12, v0;
	v8 =	vadd.f32 v51, v8  }
0xdb: {  	v7 =	vadd.f32 v56, v7;
	v14 =	vperm.xlane v5, v0;
	v13 =	vperm.xlane v4, v0  }
0xdc: {  	v6 =	vadd.f32 v57, v6;
	v60 =	vadd.f32 v58, v12;
	v59 =	vperm.xlane v8, v0  }
0xdd: {  	v61 =	vperm.xlane v7, v1;
	v5 =	vadd.f32 v14, v5;
	v4 =	vadd.f32 v13, v4  }
0xde: {  	p1 =	sne.s32 s2, $0xE;
	v62 =	vperm.xlane v6, v1;
	v12 =	vperm.xlane v60, v1;
	v8 =	vadd.f32 v59, v8  }
.Ltmp0:
0xdf: {  	v7 =	vadd.f32 v61, v7;
	v14 =	vperm.xlane v5, v1;
	v13 =	vperm.xlane v4, v1;
	(pc) =	sbr.rel @p1 .LBB2_4-.Ltmp0, $4  }
0xe0: {  	v51 =	vadd.f32 v62, v6;
	v57 =	vadd.f32 v12, v60;
	v63 =	vperm.xlane v8, v1  }
0xe1: {  	v59 =	vadd.f32 v14, v5;
	v58 =	vadd.f32 v13, v4;
	v4 =	vperm.xlane v7, v2  }
0xe2: {  	v61 =	vperm.xlane v51, v2;
	v62 =	vperm.xlane v57, v2;
	v56 =	vadd.f32 v63, v8  }
0xe3: {  	s29 =	smov.u32 s2;
	s2 =	sadd.s32 $0x2, s2;
	v5 =	vperm.xlane v59, v2;
	v63 =	vperm.xlane v58, v2;
	v60 =	vadd.f32 v4, v7  }
0xe4: {  	v4 =	vperm.xlane v56, v2;
	v6 =	vadd.f32 v61, v51;
	v7 =	vadd.f32 v62, v57  }
0xe5: {  	v8 =	vadd.f32 v63, v58;
	v5 =	vadd.f32 v5, v59;
	v9 =	vperm.xlane v60, v3  }
0xe6: {  	v4 =	vadd.f32 v4, v56;
	v10 =	vperm.xlane v6, v3;
	v11 =	vperm.xlane v7, v3  }
0xe7: {  	v12 =	vperm.xlane v8, v3;
	v13 =	vperm.xlane v5, v3;
	v9 =	vadd.f32 v9, v60  }
0xe8: {  	v14 =	vperm.xlane v4, v3;
	v6 =	vadd.f32 v10, v6;
	v7 =	vadd.f32 v11, v7  }
0xe9: {  	v8 =	vadd.f32 v12, v8;
	v5 =	vadd.f32 v13, v5;
	v9 =	vmax.f32 v9, $1.000000020e-24  }
0xea: {  	v4 =	vadd.f32 v14, v4;
	v6 =	vmax.f32 v6, $1.000000020e-24;
	v7 =	vmax.f32 v7, $1.000000020e-24  }
0xeb: {  	v58 =	vshra.s32 v9, $0x1;
	v9 =	vmul.f32 $5.000000000e-01, v9;
	v8 =	vmax.f32 v8, $1.000000020e-24  }
0xec: {  	v5 =	vmax.f32 v5, $1.000000020e-24;
	v59 =	vshra.s32 v6, $0x1;
	v6 =	vmul.f32 $5.000000000e-01, v6  }
0xed: {  	v60 =	vshra.s32 v7, $0x1;
	v7 =	vmul.f32 $5.000000000e-01, v7;
	v10 =	vsub.s32 $0x5F3759DF, v58  }
0xee: {  	v4 =	vmax.f32 v4, $1.000000020e-24;
	v61 =	vshra.s32 v5, $0x1;
	v5 =	vmul.f32 $5.000000000e-01, v5  }
0xef: {  	v62 =	vshra.s32 v8, $0x1;
	v8 =	vmul.f32 $5.000000000e-01, v8;
	v11 =	vsub.s32 $0x5F3759DF, v59  }
0xf0: {  	v12 =	vsub.s32 $0x5F3759DF, v60;
	v9 =	vmul.f32 v10, v9;
	v63 =	vshra.s32 v4, $0x1  }
0xf1: {  	v4 =	vmul.f32 $5.000000000e-01, v4;
	v14 =	vsub.s32 $0x5F3759DF, v62;
	v6 =	vmul.f32 v11, v6  }
0xf2: {  	v13 =	vsub.s32 $0x5F3759DF, v61;
	v7 =	vmul.f32 v12, v7;
	v8 =	vmul.f32 v14, v8  }
0xf3: {  	v51 =	vsub.s32 $0x5F3759DF, v63;
	v5 =	vmul.f32 v13, v5;
	v9 =	vmul.f32 v10, v9  }
0xf4: {  	v6 =	vmul.f32 v11, v6;
	v4 =	vmul.f32 v51, v4  }
0xf5: {  	v7 =	vmul.f32 v12, v7;
	v5 =	vmul.f32 v13, v5  }
0xf6: {  	v8 =	vmul.f32 v14, v8;
	v9 =	vsub.f32 $1.500000000e+00, v9;
	v6 =	vsub.f32 $1.500000000e+00, v6  }
0xf7: {  	v4 =	vmul.f32 v51, v4;
	v7 =	vsub.f32 $1.500000000e+00, v7;
	v5 =	vsub.f32 $1.500000000e+00, v5  }
0xf8: {  	v9 =	vmul.f32 v10, v9;
	v8 =	vsub.f32 $1.500000000e+00, v8;
	v6 =	vmul.f32 v11, v6  }
0xf9: {  	v4 =	vsub.f32 $1.500000000e+00, v4;
	v7 =	vmul.f32 v12, v7;
	v5 =	vmul.f32 v13, v5  }
0xfa: {  	v8 =	vmul.f32 v14, v8;
	v18 =	vmul.f32 v9, v18  }
0xfb: {  	v19 =	vmul.f32 v9, v19;
	v4 =	vmul.f32 v51, v4  }
0xfc: {  	v36 =	vmul.f32 v7, v36;
	v51 =	vmul.f32 v7, v35  }
0xfd: {  	v12 =	vmul.f32 v7, v23;
	v13 =	vmul.f32 v7, v24  }
0xfe: {  	v14 =	vmul.f32 v7, v26;
	v23 =	vmul.f32 v7, v27  }
0xff: {  	v24 =	vmul.f32 v7, v29;
	v7 =	vmul.f32 v7, v30  }
0x100: {  	v17 =	vmul.f32 v6, v17;
	v56 =	vmul.f32 v5, v53  }
0x101: {  	v57 =	vmul.f32 v8, v54;
	v59 =	vmul.f32 v5, v49  }
0x102: {  	v60 =	vmul.f32 v8, v50;
	v62 =	vmul.f32 v5, v46  }
0x103: {  	v63 =	vmul.f32 v8, v47;
	v45 =	vmul.f32 v8, v45  }
0x104: {  	v50 =	vmul.f32 v5, v43;
	v42 =	vmul.f32 v8, v42  }
0x105: {  	v32 =	vmul.f32 v8, v32;
	v53 =	vmul.f32 v5, v40  }
0x106: {  	v37 =	vmul.f32 v5, v37;
	v28 =	vmul.f32 v5, v28  }
0x107: {  	v5 =	vmul.f32 v5, v25;
	v58 =	vmul.f32 v4, v55  }
0x108: {  	v61 =	vmul.f32 v4, v52;
	v49 =	vmul.f32 v4, v48  }
0x109: {  	v52 =	vmul.f32 v4, v44;
	v54 =	vmul.f32 v4, v41  }
0x10a: {  	v40 =	vld [tilespmem:$0x1FFB0];
	v38 =	vmul.f32 v4, v38;
	v34 =	vmul.f32 v4, v34;
	v10 =	vadd.f32 v56, v36  }
0x10b: {  	v4 =	vmul.f32 v4, v33;
	v41 =	vld [tilespmem:$0x1FFA0];
	v11 =	vadd.f32 v59, v51;
	v12 =	vadd.f32 v62, v12  }
0x10c: {  	v51 =	vmul.f32 v8, v39;
	v13 =	vadd.f32 v50, v13;
	v14 =	vadd.f32 v53, v14;
	v56 =	vld [tilespmem:$0x1FFE0]  }
0x10d: {  	v8 =	vmul.f32 v8, v31;
	v23 =	vadd.f32 v37, v23;
	v24 =	vadd.f32 v28, v24;
	v37 =	vld [tilespmem:$0x1FF80]  }
0x10e: {  	v59 =	vmul.f32 v9, v20;
	v5 =	vadd.f32 v5, v7;
	v27 =	vadd.f32 v58, v57;
	v57 =	vld [tilespmem:$0x1FF60]  }
0x10f: {  	v62 =	vmul.f32 v6, v22;
	v26 =	vadd.f32 v61, v60;
	v30 =	vadd.f32 v49, v63;
	v61 =	vld [tilespmem:$0x1FFC0]  }
0x110: {  	v36 =	vmul.f32 v6, v16;
	v31 =	vadd.f32 v52, v45;
	v55 =	vadd.f32 v54, v42;
	v58 =	vld [tilespmem:$0x1FF70]  }
0x111: {  	v39 =	vld [tilespmem:$0x1FF90];
	v32 =	vadd.f32 v34, v32;
	v60 =	vmul.f32 v9, v21;
	v4 =	vadd.f32 v4, v8  }
0x112: {  	v63 =	vmul.f32 v6, v15;
	v29 =	vadd.f32 v38, v51;
	v8 =	vsub.f32 v23, v59  }
0x113: {  	v4 =	vsub.f32 v4, v17;
	v17 =	vmul.f32 v6, v40;
	v25 =	vmul.f32 v9, v56  }
0x114: {  	v20 =	vsub.f32 v24, v60;
	v38 =	vmul.f32 v6, v37;
	v7 =	vmul.f32 v9, v61  }
0x115: {  	v28 =	vmul.f32 v9, v57;
	v35 =	vmul.f32 v9, v58;
	v9 =	vsub.f32 v32, v62  }
0x116: {  	v15 =	vmul.f32 v6, v39;
	v6 =	vmul.f32 v6, v41;
	v5 =	vsub.f32 v5, v7  }
0x117: {  	v42 =	vsub.f32 v29, v17;
	v4 =	vand.u32 $0x7FFFFFFF, v4;
	v9 =	vand.u32 $0x7FFFFFFF, v9  }
0x118: {  	v43 =	vand.u32 $0x7FFFFFFF, v20;
	v4 =	vadd.f32 v4, v9;
	v5 =	vand.u32 $0x7FFFFFFF, v5  }
0x119: {  	v6 =	vsub.f32 v55, v6;
	v7 =	vand.u32 $0x7FFFFFFF, v42;
	v5 =	vadd.f32 v5, v43  }
0x11a: {  	v44 =	vsub.f32 v14, v19;
	v8 =	vand.u32 $0x7FFFFFFF, v8;
	v4 =	vadd.f32 v4, v7  }
0x11b: {  	v45 =	vsub.f32 v31, v15;
	v6 =	vand.u32 $0x7FFFFFFF, v6;
	v5 =	vadd.f32 v5, v8  }
0x11c: {  	v46 =	vsub.f32 v13, v18;
	v7 =	vand.u32 $0x7FFFFFFF, v44;
	v4 =	vadd.f32 v4, v6  }
0x11d: {  	v47 =	vsub.f32 v30, v38;
	v48 =	vand.u32 $0x7FFFFFFF, v45;
	v5 =	vadd.f32 v5, v7  }
0x11e: {  	v49 =	vsub.f32 v12, v35;
	v6 =	vand.u32 $0x7FFFFFFF, v46;
	v4 =	vadd.f32 v4, v48  }
0x11f: {  	v50 =	vsub.f32 v26, v36;
	v51 =	vand.u32 $0x7FFFFFFF, v47;
	v5 =	vadd.f32 v5, v6  }
0x120: {  	v52 =	vsub.f32 v11, v28;
	v7 =	vand.u32 $0x7FFFFFFF, v49;
	v4 =	vadd.f32 v4, v51  }
0x121: {  	v53 =	vsub.f32 v27, v63;
	v54 =	vand.u32 $0x7FFFFFFF, v50;
	v5 =	vadd.f32 v5, v7  }
0x122: {  	v55 =	vsub.f32 v10, v25;
	v6 =	vand.u32 $0x7FFFFFFF, v52;
	v4 =	vadd.f32 v4, v54  }
0x123: {  	v56 =	vand.u32 $0x7FFFFFFF, v53;
	v5 =	vadd.f32 v5, v6  }
0x124: {  	v57 =	vand.u32 $0x7FFFFFFF, v55;
	v4 =	vadd.f32 v4, v56  }
0x125: {  	v5 =	vadd.f32 v5, v57  }
0x126: {  	v58 =	vperm.xlane v4, v0  }
0x127: {  	v59 =	vperm.xlane v5, v0  }
0x128: {  	v4 =	vadd.f32 v4, v58  }
0x129: {  	v5 =	vadd.f32 v5, v59  }
0x12a: {  	v6 =	vperm.xlane v4, v1  }
0x12b: {  	v7 =	vperm.xlane v5, v1  }
0x12c: {  	v4 =	vadd.f32 v4, v6  }
0x12d: {  	v5 =	vadd.f32 v5, v7  }
0x12e: {  	v6 =	vperm.xlane v4, v2  }
0x12f: {  	v7 =	vperm.xlane v5, v2  }
0x130: {  	v4 =	vadd.f32 v4, v6  }
0x131: {  	v63 =	vld [tilespmem:$0x1FFD0];
	v5 =	vadd.f32 v5, v7  }
0x132: {  	v6 =	vperm.xlane v4, v3  }
0x133: {  	v7 =	vperm.xlane v5, v3  }
0x134: {  	s2 =	sadd.s32 $0x1, s29;
	v60 =	vmov s29;
	v61 =	vlaneseq.u32;
	v4 =	vadd.f32 v4, v6  }
0x135: {  	v62 =	vmov s2;
	vm0 =	veq.s32 v60, v61;
	v5 =	vadd.f32 v5, v7  }
0x136: {  	vm1 =	veq.s32 v62, v61;
	v4 =	vsel vm0, v4, v63  }
0x137: {  	v4 =	vsel vm1, v5, v4;
	v5 =	vld [tilespmem:$0x1FFF0];
	_ =	sdelay $0x3  }
.Ltmp1:
0x138: {  	_ = 	snop;
	(pc) =	sbr.rel @p0 .LBB2_3-.Ltmp1, $4  }
0x139: {  	_ = 	snop  }
0x13a: {  	s31 =	sshll.u32 s28, $0x4  }
0x13b: {  	s2 =	sand.u32 $0x3FFFFFF0, s31  }
0x13c: {  	s28 =	simm.s32 $0x1;
	p1 =	por $0x0, $0x0;
	[tilespmem:v5+s2+$0x0 ss:$0x1] =	vst.idx.msk $0xffff, v4  }
0x13d: {  	s2 =	smin.u32 s26, $0xD  }
0x13e: {  	s2 =	sshll.u32 s2, $0x5  }
0x13f: {  	s3 =	sadd.s32 $0x40, s2  }
0x140: {  	[tilespmem:s14], [sflag:$0x1] =	stream.indirect.gather [hbm4b:s0+s13], $0x80, s3, s13, $0xb8;
	[tilespmem:$0x6800] =	vst v63  }
0x141: {  	s30 =	sadd.s32 $0x240, s2  }
0x142: {  	[tilespmem:s15], [sflag:$0x1] =	stream.indirect.gather [hbm4b:s1+s13], $0x80, s30, s13, $0xb8;
	[tilespmem:$0x6800] =	vst v63  }
0x143: {  	s2 =	sadd.s32 $0x440, s2  }
0x144: {  	[tilespmem:s16], [sflag:$0x1] =	stream.indirect.gather [hbm4b:s0+s13], $0x80, s2, s13, $0xb8;
	[tilespmem:$0x6800] =	vst v63  }
0x145: {  	_ =	swait.ge [sflag:s21], $0x1000  }
0x146: {  	[sflag:s21] =	ssyncset.done $0x0  }
0x147: {  	[sflag:s21] =	ssyncadd.s32 $0xFFFFF000  }
0x148: {  	_ =	swait.ge [sflag:s21], $0x1000  }
0x149: {  	[sflag:s21] =	ssyncset.done $0x0  }
0x14a: {  	s31 =	sand.u32 $0x3FFFFFE0, s25;
	[sflag:s21] =	ssyncadd.s32 $0xFFFFF000  }
0x14b: {  	s2 =	sadd.s32 $0x6600, s31;
	_ =	swait.ge [sflag:s21], $0x1000  }
0x14c: {  	v4 =	vmov s2;
	[sflag:s21] =	ssyncset.done $0x0  }
0x14d: {  	s25 =	simm.s32 $0x0;
	p1 =	por $0x1, $0x1;
	[tilespmem:$0x1FF50] =	vst v4;
	[sflag:s21] =	ssyncadd.s32 $0xFFFFF000  }
.LBB2_7:
0x14e: {  	s2 =	sshll.u32 s25, $0xB  }
0x14f: {  	s2 =	sand.u32 $0x3FFFF800, s2  }
0x150: {  	s28 =	sadd.s32 $0x5680, s2  }
0x151: {  	v7 =	vld [tilespmem:s28+$0x70]  }
0x152: {  	v9 =	vld [tilespmem:s28+$0xFFFFFFF0]  }
0x153: {  	v4 =	vld [tilespmem:s28+$0x60]  }
0x154: {  	v10 =	vld [tilespmem:s28+$0xFFFFFFE0]  }
0x155: {  	v5 =	vld [tilespmem:s28+$0x50]  }
0x156: {  	s29 =	sadd.s32 $0x3680, s2;
	v11 =	vld [tilespmem:s28+$0xFFFFFFD0]  }
0x157: {  	v23 =	vld [tilespmem:s29+$0x50]  }
0x158: {  	v18 =	vld [tilespmem:s28+$0x40]  }
0x159: {  	v13 =	vld [tilespmem:s28+$0xFFFFFFC0]  }
0x15a: {  	v24 =	vld [tilespmem:s29+$0x40]  }
0x15b: {  	v19 =	vld [tilespmem:s28+$0x30]  }
0x15c: {  	v6 =	vld [tilespmem:s28+$0xFFFFFFB0]  }
0x15d: {  	v26 =	vld [tilespmem:s29+$0x30]  }
0x15e: {  	v20 =	vld [tilespmem:s28+$0x20]  }
0x15f: {  	v8 =	vld [tilespmem:s28+$0xFFFFFFA0]  }
0x160: {  	v27 =	vld [tilespmem:s29+$0x20]  }
0x161: {  	v21 =	vld [tilespmem:s28+$0x0]  }
0x162: {  	v12 =	vld [tilespmem:s28+$0x10]  }
0x163: {  	v22 =	vld [tilespmem:s28+$0xFFFFFF80]  }
0x164: {  	v17 =	vld [tilespmem:s28+$0xFFFFFF90]  }
0x165: {  	v29 =	vld [tilespmem:s29+$0x0];
	[tilespmem:$0x1FEC0] =	vst v4;
	v4 =	vmul.f32 v4, v4  }
0x166: {  	s3 =	sadd.s32 $0x4680, s2;
	v30 =	vld [tilespmem:s29+$0x10];
	[tilespmem:$0x1FED0] =	vst v5;
	v5 =	vmul.f32 v5, v5;
	v51 =	vmul.f32 v11, v11  }
0x167: {  	v28 =	vld [tilespmem:s3+$0x0];
	v36 =	vmul.f32 v18, v18;
	v50 =	vmul.f32 v13, v13  }
0x168: {  	v25 =	vld [tilespmem:s3+$0x10];
	v35 =	vmul.f32 v19, v19;
	v52 =	vmul.f32 v24, v24  }
0x169: {  	v32 =	vld [tilespmem:s29+$0xFFFFFF80];
	v48 =	vmul.f32 v6, v6;
	v44 =	vmul.f32 v20, v20  }
0x16a: {  	v31 =	vld [tilespmem:s29+$0xFFFFFF90];
	v46 =	vmul.f32 v8, v8;
	v49 =	vmul.f32 v26, v26  }
0x16b: {  	v34 =	vld [tilespmem:s3+$0xFFFFFF80];
	v41 =	vmul.f32 v21, v21;
	v42 =	vmul.f32 v12, v12  }
0x16c: {  	v33 =	vld [tilespmem:s3+$0xFFFFFF90];
	v43 =	vmul.f32 v22, v22;
	v47 =	vmul.f32 v27, v27  }
0x16d: {  	v39 =	vld [tilespmem:s29+$0xFFFFFFA0];
	v45 =	vmul.f32 v17, v17;
	v53 =	vmul.f32 v29, v29  }
0x16e: {  	v37 =	vld [tilespmem:s3+$0x20];
	v54 =	vmul.f32 v28, v28;
	v55 =	vmul.f32 v30, v30  }
0x16f: {  	v38 =	vld [tilespmem:s3+$0xFFFFFFA0];
	[tilespmem:$0x1FF00] =	vst v6;
	v6 =	vimm.f32 $0.0e+00;
	v56 =	vmul.f32 v32, v32;
	v57 =	vmul.f32 v25, v25  }
0x170: {  	v40 =	vld [tilespmem:s3+$0x30];
	v58 =	vmul.f32 v34, v34;
	v59 =	vmul.f32 v31, v31;
	v60 =	vadd.f32 v42, v41  }
0x171: {  	v61 =	vmul.f32 v33, v33;
	v42 =	vld [tilespmem:s29+$0xFFFFFFB0];
	v62 =	vadd.f32 v45, v43;
	v53 =	vadd.f32 v55, v53  }
0x172: {  	[tilespmem:$0x1FEE0] =	vst v11;
	v11 =	vmul.f32 v39, v39;
	v41 =	vld [tilespmem:s3+$0xFFFFFFB0];
	v55 =	vadd.f32 v59, v56;
	v54 =	vadd.f32 v57, v54  }
0x173: {  	v56 =	vmul.f32 v37, v37;
	v57 =	vadd.f32 v61, v58;
	v43 =	vld [tilespmem:s3+$0x40];
	v59 =	vadd.f32 v44, v60  }
0x174: {  	[tilespmem:$0x1FF10] =	vst v8;
	v8 =	vmul.f32 v38, v38;
	v45 =	vld [tilespmem:s29+$0xFFFFFFC0];
	v61 =	vadd.f32 v46, v62;
	v53 =	vadd.f32 v47, v53  }
0x175: {  	v15 =	vmovc v9;
	v9 =	vmul.f32 v9, v9;
	v44 =	vld [tilespmem:s3+$0xFFFFFFC0];
	v55 =	vadd.f32 v11, v55;
	v54 =	vadd.f32 v56, v54  }
0x176: {  	v56 =	vmul.f32 v40, v40;
	v57 =	vadd.f32 v8, v57;
	v46 =	vld [tilespmem:s3+$0x50];
	v62 =	vmul.f32 v23, v23  }
0x177: {  	v47 =	vld [tilespmem:s29+$0xFFFFFFD0];
	v59 =	vadd.f32 v35, v59;
	v61 =	vadd.f32 v48, v61;
	v11 =	vmul.f32 v42, v42  }
0x178: {  	v53 =	vadd.f32 v49, v53;
	v48 =	vld [tilespmem:s3+$0xFFFFFFD0];
	v54 =	vadd.f32 v56, v54;
	v8 =	vmul.f32 v41, v41  }
0x179: {  	v35 =	vld [tilespmem:s29+$0x60];
	v56 =	vmul.f32 v43, v43;
	v59 =	vadd.f32 v36, v59;
	v55 =	vadd.f32 v11, v55  }
0x17a: {  	v49 =	vld [tilespmem:s3+$0x60];
	v58 =	vmul.f32 v45, v45;
	v57 =	vadd.f32 v8, v57;
	v8 =	vadd.f32 v50, v61  }
0x17b: {  	v36 =	vld [tilespmem:s29+$0x70];
	v11 =	vmul.f32 v44, v44;
	v61 =	vadd.f32 v52, v53;
	v56 =	vadd.f32 v56, v54  }
0x17c: {  	v50 =	vld [tilespmem:s29+$0xFFFFFFE0];
	v54 =	vmul.f32 v47, v47;
	v5 =	vadd.f32 v5, v59;
	v55 =	vadd.f32 v58, v55  }
0x17d: {  	v52 =	vld [tilespmem:s3+$0xFFFFFFE0];
	v58 =	vmul.f32 v46, v46;
	v57 =	vadd.f32 v11, v57;
	v11 =	vmul.f32 v48, v48  }
0x17e: {  	v53 =	vld [tilespmem:s3+$0x70];
	v51 =	vadd.f32 v51, v8;
	v8 =	vmul.f32 v10, v10;
	v61 =	vadd.f32 v62, v61  }
0x17f: {  	v63 =	vmul.f32 v35, v35;
	v4 =	vadd.f32 v4, v5;
	v62 =	vadd.f32 v54, v55;
	v54 =	vld [tilespmem:s29+$0xFFFFFFF0]  }
0x180: {  	v16 =	vmovc v10;
	v10 =	vmul.f32 v49, v49;
	v56 =	vadd.f32 v58, v56;
	v57 =	vadd.f32 v11, v57;
	v55 =	vld [tilespmem:s3+$0xFFFFFFF0]  }
0x181: {  	v51 =	vadd.f32 v8, v51;
	v8 =	vmul.f32 v7, v7;
	v5 =	vmul.f32 v50, v50  }
0x182: {  	v60 =	vadd.f32 v63, v61;
	v11 =	vmul.f32 v52, v52;
	v56 =	vadd.f32 v10, v56  }
0x183: {  	v10 =	vmul.f32 v36, v36;
	v4 =	vadd.f32 v8, v4;
	v5 =	vadd.f32 v5, v62  }
0x184: {  	v57 =	vadd.f32 v11, v57;
	v11 =	vmul.f32 v53, v53;
	v8 =	vmul.f32 v54, v54  }
0x185: {  	v51 =	vadd.f32 v9, v51;
	v58 =	vadd.f32 v10, v60;
	v9 =	vmul.f32 v55, v55  }
0x186: {  	v10 =	vperm.xlane v4, v0;
	v56 =	vadd.f32 v11, v56;
	v5 =	vadd.f32 v8, v5  }
0x187: {  	v11 =	vperm.xlane v51, v0;
	v57 =	vadd.f32 v9, v57;
	v8 =	vperm.xlane v58, v0  }
0x188: {  	v4 =	vadd.f32 v10, v4;
	v10 =	vperm.xlane v56, v0;
	v9 =	vperm.xlane v5, v0  }
0x189: {  	v51 =	vadd.f32 v11, v51;
	v11 =	vperm.xlane v57, v0;
	v58 =	vadd.f32 v8, v58  }
0x18a: {  	v56 =	vadd.f32 v10, v56;
	v8 =	vperm.xlane v4, v1;
	v5 =	vadd.f32 v9, v5  }
0x18b: {  	v60 =	vadd.f32 v11, v57;
	v9 =	vperm.xlane v51, v1;
	v61 =	vperm.xlane v58, v1  }
0x18c: {  	v4 =	vadd.f32 v8, v4;
	v10 =	vperm.xlane v56, v1;
	v62 =	vperm.xlane v5, v1  }
0x18d: {  	[tilespmem:$0x1FEF0] =	vst v13;
	v51 =	vadd.f32 v9, v51;
	v11 =	vperm.xlane v60, v1;
	v57 =	vadd.f32 v61, v58  }
0x18e: {  	[tilespmem:$0x1FF20] =	vst v12;
	v59 =	vadd.f32 v10, v56;
	v58 =	vadd.f32 v62, v5;
	v5 =	vperm.xlane v4, v2  }
0x18f: {  	[tilespmem:$0x1FF40] =	vst v7;
	v56 =	vadd.f32 v11, v60;
	v61 =	vperm.xlane v51, v2;
	v62 =	vperm.xlane v57, v2  }
0x190: {  	p0 =	por p1, p1;
	s26 =	simm.s32 $0x0;
	s2 =	simm.s32 $0x2;
	[tilespmem:$0x1FF30] =	vst v6;
	v63 =	vperm.xlane v58, v2;
	v60 =	vadd.f32 v5, v4;
	v5 =	vperm.xlane v59, v2  }
.LBB2_8:
0x191: {  	v4 =	vperm.xlane v56, v2;
	v51 =	vadd.f32 v61, v51  }
0x192: {  	v57 =	vadd.f32 v62, v57;
	v58 =	vadd.f32 v63, v58;
	v11 =	vperm.xlane v60, v3  }
0x193: {  	v5 =	vadd.f32 v5, v59;
	v4 =	vadd.f32 v4, v56;
	v56 =	vperm.xlane v51, v3  }
0x194: {  	v8 =	vperm.xlane v57, v3;
	v9 =	vperm.xlane v58, v3;
	v59 =	vadd.f32 v11, v60  }
0x195: {  	v10 =	vperm.xlane v5, v3;
	v11 =	vperm.xlane v4, v3;
	v51 =	vadd.f32 v56, v51  }
0x196: {  	v61 =	vadd.f32 v8, v57;
	v62 =	vadd.f32 v9, v58;
	v8 =	vmax.f32 v59, $1.000000020e-24  }
0x197: {  	v5 =	vadd.f32 v10, v5;
	v59 =	vshra.s32 v8, $0x1;
	v58 =	vmul.f32 $5.000000000e-01, v8  }
0x198: {  	v4 =	vadd.f32 v11, v4;
	v51 =	vmax.f32 v51, $1.000000020e-24;
	v57 =	vmax.f32 v62, $1.000000020e-24  }
0x199: {  	v56 =	vmax.f32 v61, $1.000000020e-24;
	v5 =	vmax.f32 v5, $1.000000020e-24;
	v59 =	vsub.s32 $0x5F3759DF, v59  }
0x19a: {  	v60 =	vshra.s32 v51, $0x1;
	v51 =	vmul.f32 $5.000000000e-01, v51;
	v9 =	vshra.s32 v56, $0x1  }
0x19b: {  	v56 =	vmul.f32 $5.000000000e-01, v56;
	v10 =	vshra.s32 v5, $0x1;
	v5 =	vmul.f32 $5.000000000e-01, v5  }
0x19c: {  	v11 =	vshra.s32 v57, $0x1;
	v57 =	vmul.f32 $5.000000000e-01, v57;
	v58 =	vmul.f32 v59, v58  }
0x19d: {  	v4 =	vmax.f32 v4, $1.000000020e-24;
	v60 =	vsub.s32 $0x5F3759DF, v60;
	v61 =	vsub.s32 $0x5F3759DF, v9  }
0x19e: {  	v62 =	vsub.s32 $0x5F3759DF, v10;
	v6 =	vshra.s32 v4, $0x1;
	v4 =	vmul.f32 $5.000000000e-01, v4  }
0x19f: {  	s28 =	sadd.s32 $0x100, s28;
	v63 =	vsub.s32 $0x5F3759DF, v11;
	v51 =	vmul.f32 v60, v51;
	v56 =	vmul.f32 v61, v56  }
0x1a0: {  	v7 =	vld [tilespmem:s28+$0x70];
	v57 =	vmul.f32 v63, v57;
	v5 =	vmul.f32 v62, v5;
	v6 =	vsub.s32 $0x5F3759DF, v6  }
0x1a1: {  	v58 =	vmul.f32 v59, v58;
	v4 =	vmul.f32 v6, v4  }
0x1a2: {  	v51 =	vmul.f32 v60, v51;
	v56 =	vmul.f32 v61, v56  }
0x1a3: {  	v57 =	vmul.f32 v63, v57;
	v5 =	vmul.f32 v62, v5;
	v58 =	vsub.f32 $1.500000000e+00, v58  }
0x1a4: {  	v4 =	vmul.f32 v6, v4;
	v8 =	vsub.f32 $1.500000000e+00, v51;
	v56 =	vsub.f32 $1.500000000e+00, v56  }
0x1a5: {  	v51 =	vmul.f32 v7, v7;
	v57 =	vsub.f32 $1.500000000e+00, v57;
	v5 =	vsub.f32 $1.500000000e+00, v5  }
0x1a6: {  	v4 =	vsub.f32 $1.500000000e+00, v4;
	v8 =	vmul.f32 v60, v8;
	v60 =	vmul.f32 v59, v58  }
0x1a7: {  	v61 =	vmul.f32 v61, v56;
	v5 =	vmul.f32 v62, v5  }
0x1a8: {  	v62 =	vmul.f32 v63, v57;
	v4 =	vmul.f32 v6, v4  }
0x1a9: {  	v57 =	vmul.f32 v8, v15;
	v59 =	vmul.f32 v8, v16  }
0x1aa: {  	v10 =	vmul.f32 v62, v54;
	v13 =	vmul.f32 v61, v35  }
0x1ab: {  	v12 =	vmul.f32 v5, v49;
	v16 =	vmul.f32 v62, v50  }
0x1ac: {  	v18 =	vmul.f32 v60, v18;
	v23 =	vmul.f32 v61, v23  }
0x1ad: {  	v50 =	vmul.f32 v5, v46;
	v63 =	vmul.f32 v62, v47  }
0x1ae: {  	v19 =	vmul.f32 v60, v19;
	v24 =	vmul.f32 v61, v24  }
0x1af: {  	v45 =	vmul.f32 v62, v45;
	v43 =	vmul.f32 v5, v43  }
0x1b0: {  	v20 =	vmul.f32 v60, v20;
	v26 =	vmul.f32 v61, v26  }
0x1b1: {  	v40 =	vmul.f32 v5, v40;
	v42 =	vmul.f32 v62, v42  }
0x1b2: {  	v21 =	vmul.f32 v60, v21;
	v27 =	vmul.f32 v61, v27  }
0x1b3: {  	v22 =	vmul.f32 v8, v22;
	v37 =	vmul.f32 v5, v37  }
0x1b4: {  	v39 =	vmul.f32 v62, v39;
	v29 =	vmul.f32 v61, v29  }
0x1b5: {  	v6 =	vld [tilespmem:$0x1FF40];
	v28 =	vmul.f32 v5, v28;
	v11 =	vmul.f32 v4, v55  }
0x1b6: {  	v35 =	vmul.f32 v4, v52;
	v52 =	vmul.f32 v4, v48  }
0x1b7: {  	v9 =	vld [tilespmem:$0x1FED0];
	v44 =	vmul.f32 v4, v44;
	v41 =	vmul.f32 v4, v41  }
0x1b8: {  	v49 =	vld [tilespmem:$0x1FEF0];
	v38 =	vmul.f32 v4, v38;
	v55 =	vmul.f32 v61, v30;
	v30 =	vadd.f32 v12, v13  }
0x1b9: {  	v46 =	vld [tilespmem:$0x1FF20];
	v48 =	vadd.f32 v50, v23;
	v12 =	vmul.f32 v4, v34;
	v24 =	vadd.f32 v43, v24  }
0x1ba: {  	v47 =	vld [tilespmem:$0x1FF10];
	v26 =	vadd.f32 v40, v26;
	v27 =	vadd.f32 v37, v27;
	v56 =	vmul.f32 v60, v6;
	v6 =	vmovc v7  }
0x1bb: {  	v13 =	vmul.f32 v62, v31;
	v28 =	vadd.f32 v28, v29;
	v63 =	vadd.f32 v52, v63;
	[tilespmem:$0x1FF40] =	vst v6;
	v6 =	vld [tilespmem:$0x1FEC0]  }
0x1bc: {  	v4 =	vmul.f32 v4, v33;
	v23 =	vadd.f32 v44, v45;
	v31 =	vadd.f32 v38, v39  }
0x1bd: {  	v37 =	vld [tilespmem:s28+$0xFFFFFFA0];
	v14 =	vsub.f32 v27, v20;
	v7 =	vmul.f32 v5, v53;
	v53 =	vmul.f32 v60, v9  }
0x1be: {  	v4 =	vadd.f32 v4, v13;
	v15 =	vmul.f32 v8, v49;
	v5 =	vmul.f32 v5, v25  }
0x1bf: {  	v13 =	vmul.f32 v60, v46;
	v9 =	vmul.f32 v8, v47;
	v52 =	vand.u32 $0x7FFFFFFF, v14  }
0x1c0: {  	v14 =	vsub.f32 v26, v19;
	v58 =	vmul.f32 v60, v6;
	v6 =	vmul.f32 v61, v36  }
0x1c1: {  	v5 =	vadd.f32 v5, v55;
	v9 =	vsub.f32 v31, v9;
	v36 =	vld [tilespmem:$0x1FEE0];
	v61 =	vmul.f32 v62, v32  }
0x1c2: {  	v49 =	vld [tilespmem:$0x1FF00];
	v15 =	vsub.f32 v23, v15;
	v46 =	vmul.f32 v37, v37;
	v6 =	vadd.f32 v7, v6  }
0x1c3: {  	v50 =	vld [tilespmem:s28+$0xFFFFFFE0];
	v7 =	vadd.f32 v11, v10;
	v11 =	vadd.f32 v12, v61;
	v12 =	vmul.f32 v8, v17  }
0x1c4: {  	s29 =	sadd.s32 $0x100, s29;
	v33 =	vld [tilespmem:s28+$0xFFFFFFB0];
	v55 =	vand.u32 $0x7FFFFFFF, v14;
	v5 =	vsub.f32 v5, v13;
	v32 =	vadd.f32 v35, v16  }
0x1c5: {  	v27 =	vld [tilespmem:s29+$0x20];
	v9 =	vand.u32 $0x7FFFFFFF, v9;
	v11 =	vsub.f32 v11, v22;
	v4 =	vsub.f32 v4, v12  }
0x1c6: {  	v29 =	vld [tilespmem:s29+$0x0];
	v16 =	vadd.f32 v41, v42;
	v12 =	vsub.f32 v28, v21;
	v54 =	vmul.f32 v8, v36  }
0x1c7: {  	v38 =	vld [tilespmem:s28+$0x10];
	v8 =	vmul.f32 v8, v49;
	v17 =	vand.u32 $0x7FFFFFFF, v11;
	v4 =	vand.u32 $0x7FFFFFFF, v4  }
0x1c8: {  	v20 =	vld [tilespmem:s28+$0xFFFFFFF0];
	v5 =	vand.u32 $0x7FFFFFFF, v5;
	v12 =	vand.u32 $0x7FFFFFFF, v12;
	v4 =	vadd.f32 v4, v17  }
0x1c9: {  	v39 =	vld [tilespmem:s29+$0xFFFFFFA0];
	v14 =	vand.u32 $0x7FFFFFFF, v15;
	v8 =	vsub.f32 v16, v8;
	v5 =	vadd.f32 v5, v12  }
0x1ca: {  	v26 =	vld [tilespmem:s29+$0x30];
	v47 =	vmul.f32 v27, v27;
	v60 =	vsub.f32 v24, v18;
	v4 =	vadd.f32 v4, v9  }
0x1cb: {  	v13 =	vld [tilespmem:s28+$0x60];
	v62 =	vsub.f32 v48, v53;
	v8 =	vand.u32 $0x7FFFFFFF, v8;
	v5 =	vadd.f32 v5, v52  }
0x1cc: {  	v35 =	vld [tilespmem:s29+$0x60];
	v48 =	vmul.f32 v33, v33;
	v42 =	vmul.f32 v38, v38;
	v4 =	vadd.f32 v4, v8  }
0x1cd: {  	v18 =	vld [tilespmem:s28+$0x40];
	v61 =	vand.u32 $0x7FFFFFFF, v60;
	v17 =	vsub.f32 v63, v54;
	v5 =	vadd.f32 v5, v55  }
0x1ce: {  	v24 =	vld [tilespmem:s29+$0x40];
	v6 =	vsub.f32 v6, v56;
	v56 =	vmul.f32 v20, v20;
	v4 =	vadd.f32 v4, v14  }
0x1cf: {  	v22 =	vld [tilespmem:s28+$0x50];
	v14 =	vand.u32 $0x7FFFFFFF, v17;
	v17 =	vsub.f32 v32, v59;
	v5 =	vadd.f32 v5, v61  }
0x1d0: {  	v15 =	vmovc v20;
	v20 =	vld [tilespmem:s28+$0x20];
	v63 =	vand.u32 $0x7FFFFFFF, v62;
	v32 =	vsub.f32 v30, v58;
	v4 =	vadd.f32 v4, v14  }
0x1d1: {  	v7 =	vsub.f32 v7, v57;
	v21 =	vld [tilespmem:s28+$0x0];
	v14 =	vand.u32 $0x7FFFFFFF, v17;
	v5 =	vadd.f32 v5, v63  }
0x1d2: {  	v36 =	vld [tilespmem:s29+$0x70];
	v60 =	vmul.f32 v35, v35;
	v34 =	vand.u32 $0x7FFFFFFF, v32;
	v4 =	vadd.f32 v4, v14  }
0x1d3: {  	s3 =	sadd.s32 $0x100, s3;
	v49 =	vmul.f32 v26, v26;
	v7 =	vand.u32 $0x7FFFFFFF, v7;
	v12 =	vld [tilespmem:s28+$0xFFFFFFD0];
	v5 =	vadd.f32 v5, v34  }
0x1d4: {  	[tilespmem:$0x1FF00] =	vst v33;
	v33 =	vld [tilespmem:s3+$0xFFFFFF90];
	v6 =	vand.u32 $0x7FFFFFFF, v6;
	v54 =	vmul.f32 v22, v22;
	v4 =	vadd.f32 v4, v7  }
0x1d5: {  	s22 =	sadd.s32 $0x1, s26;
	v25 =	vld [tilespmem:s28+$0xFFFFFFC0];
	v52 =	vmul.f32 v24, v24;
	v44 =	vmul.f32 v20, v20;
	v5 =	vadd.f32 v5, v6  }
0x1d6: {  	v19 =	vld [tilespmem:s28+$0x30];
	v11 =	vmov s22;
	v41 =	vmul.f32 v21, v21;
	v6 =	vperm.xlane v4, v0  }
0x1d7: {  	v62 =	vmov s26;
	v57 =	vmul.f32 v36, v36;
	v34 =	vld [tilespmem:s3+$0xFFFFFF80];
	v7 =	vperm.xlane v5, v0  }
0x1d8: {  	v23 =	vld [tilespmem:s29+$0x50];
	v8 =	vmul.f32 v18, v18;
	v55 =	vmul.f32 v12, v12;
	v4 =	vadd.f32 v4, v6  }
0x1d9: {  	v28 =	vld [tilespmem:s3+$0x0];
	[tilespmem:$0x1FEE0] =	vst v12;
	v12 =	vmul.f32 v33, v33;
	v58 =	vmul.f32 v13, v13;
	v5 =	vadd.f32 v5, v7  }
0x1da: {  	[tilespmem:$0x1FEF0] =	vst v25;
	v9 =	vlaneseq.u32;
	v30 =	vld [tilespmem:s29+$0x10];
	v6 =	vmul.f32 v25, v25;
	v25 =	vperm.xlane v4, v1  }
0x1db: {  	[tilespmem:$0x1FED0] =	vst v22;
	v22 =	vld [tilespmem:s28+$0xFFFFFF80];
	vm0 =	veq.s32 v62, v9;
	v59 =	vmul.f32 v50, v50;
	v31 =	vperm.xlane v5, v1  }
0x1dc: {  	[tilespmem:$0x1FEC0] =	vst v13;
	v13 =	vadd.f32 v42, v41;
	v41 =	vld [tilespmem:s3+$0xFFFFFFB0];
	v10 =	vmul.f32 v34, v34;
	v4 =	vadd.f32 v4, v25  }
0x1dd: {  	v16 =	vmovc v50;
	v50 =	vmul.f32 v29, v29;
	v17 =	vld [tilespmem:s28+$0xFFFFFF90];
	v7 =	vmul.f32 v19, v19;
	v5 =	vadd.f32 v5, v31  }
0x1de: {  	v32 =	vld [tilespmem:s29+$0xFFFFFF80];
	v10 =	vadd.f32 v12, v10;
	v12 =	vadd.f32 v44, v13;
	v53 =	vperm.xlane v4, v2  }
0x1df: {  	vm1 =	veq.s32 v11, v9;
	v14 =	vld [tilespmem:$0x1FF30];
	v62 =	vmul.f32 v30, v30;
	v63 =	vperm.xlane v5, v2  }
0x1e0: {  	v61 =	vmul.f32 v23, v23;
	v7 =	vadd.f32 v7, v12;
	v25 =	vld [tilespmem:s3+$0x10];
	v4 =	vadd.f32 v4, v53  }
0x1e1: {  	[tilespmem:$0x1FF10] =	vst v37;
	v43 =	vmul.f32 v22, v22;
	v50 =	vadd.f32 v62, v50;
	v31 =	vld [tilespmem:s29+$0xFFFFFF90];
	v5 =	vadd.f32 v5, v63  }
0x1e2: {  	v37 =	vld [tilespmem:s3+$0x20];
	[tilespmem:$0x1FF20] =	vst v38;
	v45 =	vmul.f32 v17, v17;
	v7 =	vadd.f32 v8, v7;
	v38 =	vperm.xlane v4, v3  }
0x1e3: {  	v42 =	vld [tilespmem:s29+$0xFFFFFFB0];
	v62 =	vmul.f32 v39, v39;
	v50 =	vadd.f32 v47, v50;
	v40 =	vperm.xlane v5, v3  }
0x1e4: {  	v12 =	vmul.f32 v41, v41;
	v7 =	vadd.f32 v54, v7;
	v4 =	vadd.f32 v4, v38;
	v38 =	vld [tilespmem:s3+$0xFFFFFFA0]  }
0x1e5: {  	v53 =	vmul.f32 v28, v28;
	v63 =	vmul.f32 v32, v32;
	v5 =	vadd.f32 v5, v40;
	v40 =	vld [tilespmem:s3+$0x30]  }
0x1e6: {  	v47 =	vld [tilespmem:s29+$0xFFFFFFD0];
	v9 =	vmul.f32 v25, v25;
	v11 =	vmul.f32 v31, v31;
	v4 =	vsel vm0, v4, v14  }
0x1e7: {  	v7 =	vadd.f32 v58, v7;
	v14 =	vadd.f32 v45, v43;
	v43 =	vld [tilespmem:s3+$0x40];
	v4 =	vsel vm1, v5, v4  }
0x1e8: {  	v45 =	vld [tilespmem:s29+$0xFFFFFFC0];
	v5 =	vadd.f32 v9, v53;
	v53 =	vmul.f32 v37, v37;
	[tilespmem:$0x1FF30] =	vst v4;
	v4 =	vadd.f32 v11, v63  }
0x1e9: {  	v44 =	vld [tilespmem:s3+$0xFFFFFFC0];
	v7 =	vadd.f32 v51, v7;
	v14 =	vadd.f32 v46, v14;
	v13 =	vmul.f32 v38, v38  }
0x1ea: {  	v46 =	vld [tilespmem:s3+$0x50];
	v5 =	vadd.f32 v53, v5;
	v63 =	vmul.f32 v40, v40;
	v4 =	vadd.f32 v62, v4  }
0x1eb: {  	v53 =	vmul.f32 v42, v42;
	v10 =	vadd.f32 v13, v10;
	v13 =	vadd.f32 v48, v14;
	v48 =	vld [tilespmem:s3+$0xFFFFFFD0]  }
0x1ec: {  	v14 =	vadd.f32 v49, v50;
	v5 =	vadd.f32 v63, v5;
	v9 =	vmul.f32 v43, v43;
	v49 =	vld [tilespmem:s3+$0x60]  }
0x1ed: {  	v62 =	vmul.f32 v45, v45;
	v50 =	vld [tilespmem:s29+$0xFFFFFFE0];
	v4 =	vadd.f32 v53, v4;
	v10 =	vadd.f32 v12, v10  }
0x1ee: {  	v63 =	vmul.f32 v44, v44;
	v53 =	vld [tilespmem:s3+$0x70];
	v6 =	vadd.f32 v6, v13;
	v12 =	vadd.f32 v52, v14  }
0x1ef: {  	v52 =	vld [tilespmem:s3+$0xFFFFFFE0];
	v5 =	vadd.f32 v9, v5;
	v9 =	vmul.f32 v46, v46;
	v4 =	vadd.f32 v62, v4  }
0x1f0: {  	v54 =	vld [tilespmem:s29+$0xFFFFFFF0];
	v62 =	vmul.f32 v47, v47;
	v8 =	vadd.f32 v63, v10;
	v6 =	vadd.f32 v55, v6  }
0x1f1: {  	v12 =	vadd.f32 v61, v12;
	v55 =	vld [tilespmem:s3+$0xFFFFFFF0];
	v5 =	vadd.f32 v9, v5;
	v63 =	vmul.f32 v48, v48  }
0x1f2: {  	v4 =	vadd.f32 v62, v4;
	v62 =	vmul.f32 v49, v49;
	v6 =	vadd.f32 v59, v6  }
0x1f3: {  	v12 =	vadd.f32 v60, v12;
	v8 =	vadd.f32 v63, v8;
	v63 =	vmul.f32 v50, v50  }
0x1f4: {  	v61 =	vmul.f32 v52, v52;
	v5 =	vadd.f32 v62, v5;
	v62 =	vmul.f32 v53, v53  }
0x1f5: {  	v6 =	vadd.f32 v56, v6;
	v4 =	vadd.f32 v63, v4;
	v63 =	vmul.f32 v54, v54  }
0x1f6: {  	v12 =	vadd.f32 v57, v12;
	v8 =	vadd.f32 v61, v8;
	v51 =	vmul.f32 v55, v55  }
0x1f7: {  	v56 =	vperm.xlane v7, v0;
	v5 =	vadd.f32 v62, v5;
	v4 =	vadd.f32 v63, v4  }
0x1f8: {  	v57 =	vperm.xlane v6, v0;
	v58 =	vperm.xlane v12, v0;
	v8 =	vadd.f32 v51, v8  }
0x1f9: {  	v7 =	vadd.f32 v56, v7;
	v14 =	vperm.xlane v5, v0;
	v13 =	vperm.xlane v4, v0  }
0x1fa: {  	v6 =	vadd.f32 v57, v6;
	v60 =	vadd.f32 v58, v12;
	v59 =	vperm.xlane v8, v0  }
0x1fb: {  	v61 =	vperm.xlane v7, v1;
	v5 =	vadd.f32 v14, v5;
	v4 =	vadd.f32 v13, v4  }
0x1fc: {  	p1 =	sne.s32 s2, $0xE;
	v62 =	vperm.xlane v6, v1;
	v12 =	vperm.xlane v60, v1;
	v8 =	vadd.f32 v59, v8  }
.Ltmp2:
0x1fd: {  	v7 =	vadd.f32 v61, v7;
	v14 =	vperm.xlane v5, v1;
	v13 =	vperm.xlane v4, v1;
	(pc) =	sbr.rel @p1 .LBB2_8-.Ltmp2, $4  }
0x1fe: {  	v51 =	vadd.f32 v62, v6;
	v57 =	vadd.f32 v12, v60;
	v63 =	vperm.xlane v8, v1  }
0x1ff: {  	v59 =	vadd.f32 v14, v5;
	v58 =	vadd.f32 v13, v4;
	v4 =	vperm.xlane v7, v2  }
0x200: {  	v61 =	vperm.xlane v51, v2;
	v62 =	vperm.xlane v57, v2;
	v56 =	vadd.f32 v63, v8  }
0x201: {  	s26 =	smov.u32 s2;
	s2 =	sadd.s32 $0x2, s2;
	v5 =	vperm.xlane v59, v2;
	v63 =	vperm.xlane v58, v2;
	v60 =	vadd.f32 v4, v7  }
0x202: {  	v4 =	vperm.xlane v56, v2;
	v6 =	vadd.f32 v61, v51;
	v7 =	vadd.f32 v62, v57  }
0x203: {  	v8 =	vadd.f32 v63, v58;
	v5 =	vadd.f32 v5, v59;
	v9 =	vperm.xlane v60, v3  }
0x204: {  	v4 =	vadd.f32 v4, v56;
	v10 =	vperm.xlane v6, v3;
	v11 =	vperm.xlane v7, v3  }
0x205: {  	v12 =	vperm.xlane v8, v3;
	v13 =	vperm.xlane v5, v3;
	v9 =	vadd.f32 v9, v60  }
0x206: {  	v14 =	vperm.xlane v4, v3;
	v6 =	vadd.f32 v10, v6;
	v7 =	vadd.f32 v11, v7  }
0x207: {  	v8 =	vadd.f32 v12, v8;
	v5 =	vadd.f32 v13, v5;
	v9 =	vmax.f32 v9, $1.000000020e-24  }
0x208: {  	v4 =	vadd.f32 v14, v4;
	v6 =	vmax.f32 v6, $1.000000020e-24;
	v7 =	vmax.f32 v7, $1.000000020e-24  }
0x209: {  	v58 =	vshra.s32 v9, $0x1;
	v9 =	vmul.f32 $5.000000000e-01, v9;
	v8 =	vmax.f32 v8, $1.000000020e-24  }
0x20a: {  	v5 =	vmax.f32 v5, $1.000000020e-24;
	v59 =	vshra.s32 v6, $0x1;
	v6 =	vmul.f32 $5.000000000e-01, v6  }
0x20b: {  	v60 =	vshra.s32 v7, $0x1;
	v7 =	vmul.f32 $5.000000000e-01, v7;
	v10 =	vsub.s32 $0x5F3759DF, v58  }
0x20c: {  	v4 =	vmax.f32 v4, $1.000000020e-24;
	v61 =	vshra.s32 v5, $0x1;
	v5 =	vmul.f32 $5.000000000e-01, v5  }
0x20d: {  	v62 =	vshra.s32 v8, $0x1;
	v8 =	vmul.f32 $5.000000000e-01, v8;
	v11 =	vsub.s32 $0x5F3759DF, v59  }
0x20e: {  	v12 =	vsub.s32 $0x5F3759DF, v60;
	v9 =	vmul.f32 v10, v9;
	v63 =	vshra.s32 v4, $0x1  }
0x20f: {  	v4 =	vmul.f32 $5.000000000e-01, v4;
	v14 =	vsub.s32 $0x5F3759DF, v62;
	v6 =	vmul.f32 v11, v6  }
0x210: {  	v13 =	vsub.s32 $0x5F3759DF, v61;
	v7 =	vmul.f32 v12, v7;
	v8 =	vmul.f32 v14, v8  }
0x211: {  	v51 =	vsub.s32 $0x5F3759DF, v63;
	v5 =	vmul.f32 v13, v5;
	v9 =	vmul.f32 v10, v9  }
0x212: {  	v6 =	vmul.f32 v11, v6;
	v4 =	vmul.f32 v51, v4  }
0x213: {  	v7 =	vmul.f32 v12, v7;
	v5 =	vmul.f32 v13, v5  }
0x214: {  	v8 =	vmul.f32 v14, v8;
	v9 =	vsub.f32 $1.500000000e+00, v9;
	v6 =	vsub.f32 $1.500000000e+00, v6  }
0x215: {  	v4 =	vmul.f32 v51, v4;
	v7 =	vsub.f32 $1.500000000e+00, v7;
	v5 =	vsub.f32 $1.500000000e+00, v5  }
0x216: {  	v9 =	vmul.f32 v10, v9;
	v8 =	vsub.f32 $1.500000000e+00, v8;
	v6 =	vmul.f32 v11, v6  }
0x217: {  	v4 =	vsub.f32 $1.500000000e+00, v4;
	v7 =	vmul.f32 v12, v7;
	v5 =	vmul.f32 v13, v5  }
0x218: {  	v8 =	vmul.f32 v14, v8;
	v18 =	vmul.f32 v9, v18  }
0x219: {  	v19 =	vmul.f32 v9, v19;
	v4 =	vmul.f32 v51, v4  }
0x21a: {  	v36 =	vmul.f32 v7, v36;
	v51 =	vmul.f32 v7, v35  }
0x21b: {  	v12 =	vmul.f32 v7, v23;
	v13 =	vmul.f32 v7, v24  }
0x21c: {  	v14 =	vmul.f32 v7, v26;
	v23 =	vmul.f32 v7, v27  }
0x21d: {  	v24 =	vmul.f32 v7, v29;
	v7 =	vmul.f32 v7, v30  }
0x21e: {  	v17 =	vmul.f32 v6, v17;
	v56 =	vmul.f32 v5, v53  }
0x21f: {  	v57 =	vmul.f32 v8, v54;
	v59 =	vmul.f32 v5, v49  }
0x220: {  	v60 =	vmul.f32 v8, v50;
	v62 =	vmul.f32 v5, v46  }
0x221: {  	v63 =	vmul.f32 v8, v47;
	v45 =	vmul.f32 v8, v45  }
0x222: {  	v50 =	vmul.f32 v5, v43;
	v42 =	vmul.f32 v8, v42  }
0x223: {  	v32 =	vmul.f32 v8, v32;
	v53 =	vmul.f32 v5, v40  }
0x224: {  	v37 =	vmul.f32 v5, v37;
	v28 =	vmul.f32 v5, v28  }
0x225: {  	v5 =	vmul.f32 v5, v25;
	v58 =	vmul.f32 v4, v55  }
0x226: {  	v61 =	vmul.f32 v4, v52;
	v49 =	vmul.f32 v4, v48  }
0x227: {  	v52 =	vmul.f32 v4, v44;
	v54 =	vmul.f32 v4, v41  }
0x228: {  	v40 =	vld [tilespmem:$0x1FF10];
	v38 =	vmul.f32 v4, v38;
	v34 =	vmul.f32 v4, v34;
	v10 =	vadd.f32 v56, v36  }
0x229: {  	v4 =	vmul.f32 v4, v33;
	v41 =	vld [tilespmem:$0x1FF00];
	v11 =	vadd.f32 v59, v51;
	v12 =	vadd.f32 v62, v12  }
0x22a: {  	v51 =	vmul.f32 v8, v39;
	v13 =	vadd.f32 v50, v13;
	v14 =	vadd.f32 v53, v14;
	v56 =	vld [tilespmem:$0x1FF40]  }
0x22b: {  	v8 =	vmul.f32 v8, v31;
	v23 =	vadd.f32 v37, v23;
	v24 =	vadd.f32 v28, v24;
	v37 =	vld [tilespmem:$0x1FEE0]  }
0x22c: {  	v59 =	vmul.f32 v9, v20;
	v5 =	vadd.f32 v5, v7;
	v27 =	vadd.f32 v58, v57;
	v57 =	vld [tilespmem:$0x1FEC0]  }
0x22d: {  	v62 =	vmul.f32 v6, v22;
	v26 =	vadd.f32 v61, v60;
	v30 =	vadd.f32 v49, v63;
	v61 =	vld [tilespmem:$0x1FF20]  }
0x22e: {  	v36 =	vmul.f32 v6, v16;
	v31 =	vadd.f32 v52, v45;
	v55 =	vadd.f32 v54, v42;
	v58 =	vld [tilespmem:$0x1FED0]  }
0x22f: {  	v39 =	vld [tilespmem:$0x1FEF0];
	v32 =	vadd.f32 v34, v32;
	v60 =	vmul.f32 v9, v21;
	v4 =	vadd.f32 v4, v8  }
0x230: {  	v63 =	vmul.f32 v6, v15;
	v29 =	vadd.f32 v38, v51;
	v8 =	vsub.f32 v23, v59  }
0x231: {  	v4 =	vsub.f32 v4, v17;
	v17 =	vmul.f32 v6, v40;
	v25 =	vmul.f32 v9, v56  }
0x232: {  	v20 =	vsub.f32 v24, v60;
	v38 =	vmul.f32 v6, v37;
	v7 =	vmul.f32 v9, v61  }
0x233: {  	v28 =	vmul.f32 v9, v57;
	v35 =	vmul.f32 v9, v58;
	v9 =	vsub.f32 v32, v62  }
0x234: {  	v15 =	vmul.f32 v6, v39;
	v6 =	vmul.f32 v6, v41;
	v5 =	vsub.f32 v5, v7  }
0x235: {  	v42 =	vsub.f32 v29, v17;
	v4 =	vand.u32 $0x7FFFFFFF, v4;
	v9 =	vand.u32 $0x7FFFFFFF, v9  }
0x236: {  	v43 =	vand.u32 $0x7FFFFFFF, v20;
	v4 =	vadd.f32 v4, v9;
	v5 =	vand.u32 $0x7FFFFFFF, v5  }
0x237: {  	v6 =	vsub.f32 v55, v6;
	v7 =	vand.u32 $0x7FFFFFFF, v42;
	v5 =	vadd.f32 v5, v43  }
0x238: {  	v44 =	vsub.f32 v14, v19;
	v8 =	vand.u32 $0x7FFFFFFF, v8;
	v4 =	vadd.f32 v4, v7  }
0x239: {  	v45 =	vsub.f32 v31, v15;
	v6 =	vand.u32 $0x7FFFFFFF, v6;
	v5 =	vadd.f32 v5, v8  }
0x23a: {  	v46 =	vsub.f32 v13, v18;
	v7 =	vand.u32 $0x7FFFFFFF, v44;
	v4 =	vadd.f32 v4, v6  }
0x23b: {  	v47 =	vsub.f32 v30, v38;
	v48 =	vand.u32 $0x7FFFFFFF, v45;
	v5 =	vadd.f32 v5, v7  }
0x23c: {  	v49 =	vsub.f32 v12, v35;
	v6 =	vand.u32 $0x7FFFFFFF, v46;
	v4 =	vadd.f32 v4, v48  }
0x23d: {  	v50 =	vsub.f32 v26, v36;
	v51 =	vand.u32 $0x7FFFFFFF, v47;
	v5 =	vadd.f32 v5, v6  }
0x23e: {  	v52 =	vsub.f32 v11, v28;
	v7 =	vand.u32 $0x7FFFFFFF, v49;
	v4 =	vadd.f32 v4, v51  }
0x23f: {  	v53 =	vsub.f32 v27, v63;
	v54 =	vand.u32 $0x7FFFFFFF, v50;
	v5 =	vadd.f32 v5, v7  }
0x240: {  	v55 =	vsub.f32 v10, v25;
	v6 =	vand.u32 $0x7FFFFFFF, v52;
	v4 =	vadd.f32 v4, v54  }
0x241: {  	v56 =	vand.u32 $0x7FFFFFFF, v53;
	v5 =	vadd.f32 v5, v6  }
0x242: {  	v57 =	vand.u32 $0x7FFFFFFF, v55;
	v4 =	vadd.f32 v4, v56  }
0x243: {  	v5 =	vadd.f32 v5, v57  }
0x244: {  	v58 =	vperm.xlane v4, v0  }
0x245: {  	v59 =	vperm.xlane v5, v0  }
0x246: {  	v4 =	vadd.f32 v4, v58  }
0x247: {  	v5 =	vadd.f32 v5, v59  }
0x248: {  	v6 =	vperm.xlane v4, v1  }
0x249: {  	v7 =	vperm.xlane v5, v1  }
0x24a: {  	v4 =	vadd.f32 v4, v6  }
0x24b: {  	v5 =	vadd.f32 v5, v7  }
0x24c: {  	v6 =	vperm.xlane v4, v2  }
0x24d: {  	v7 =	vperm.xlane v5, v2  }
0x24e: {  	v4 =	vadd.f32 v4, v6  }
0x24f: {  	v63 =	vld [tilespmem:$0x1FF30];
	v5 =	vadd.f32 v5, v7  }
0x250: {  	v6 =	vperm.xlane v4, v3  }
0x251: {  	v7 =	vperm.xlane v5, v3  }
0x252: {  	s2 =	sadd.s32 $0x1, s26;
	v60 =	vmov s26;
	v61 =	vlaneseq.u32;
	v4 =	vadd.f32 v4, v6  }
0x253: {  	v62 =	vmov s2;
	vm0 =	veq.s32 v60, v61;
	v5 =	vadd.f32 v5, v7  }
0x254: {  	vm1 =	veq.s32 v62, v61;
	v4 =	vsel vm0, v4, v63  }
0x255: {  	v4 =	vsel vm1, v5, v4;
	v5 =	vld [tilespmem:$0x1FF50];
	_ =	sdelay $0x3  }
.Ltmp3:
0x256: {  	_ = 	snop;
	(pc) =	sbr.rel @p0 .LBB2_7-.Ltmp3, $4  }
0x257: {  	_ = 	snop  }
0x258: {  	s31 =	sshll.u32 s25, $0x4  }
0x259: {  	s2 =	sand.u32 $0x3FFFFFF0, s31  }
0x25a: {  	s25 =	simm.s32 $0x1;
	p1 =	por $0x0, $0x0;
	[tilespmem:v5+s2+$0x0 ss:$0x1] =	vst.idx.msk $0xffff, v4  }
0x25b: {  	s24 =	sadd.s32 $0x1, s24  }
0x25c: {  	p0 =	sne.s32 s24, $0x8  }
.Ltmp4:
0x25d: {  	_ = 	snop;
	(pc) =	sbr.rel @p0 .LBB2_2-.Ltmp4, $1  }
0x25e: {  	_ =	sdelay $0x3  }
0x25f: {  	_ =	swait.ge [sflag:s20], $0x1000  }
0x260: {  	[sflag:s20] =	ssyncset.done $0x0  }
0x261: {  	[sflag:s20] =	ssyncadd.s32 $0xFFFFF000  }
0x262: {  	_ =	swait.ge [sflag:s20], $0x1000  }
0x263: {  	[sflag:s20] =	ssyncset.done $0x0  }
0x264: {  	[sflag:s20] =	ssyncadd.s32 $0xFFFFF000  }
0x265: {  	s23 =	sadd.s32 $0x1, s23;
	_ =	swait.ge [sflag:s20], $0x1000  }
0x266: {  	p0 =	sne.s32 s23, s9;
	[sflag:s20] =	ssyncset.done $0x0  }
.Ltmp5:
0x267: {  	s2 =	simm.s32 $0x6600;
	[sflag:s20] =	ssyncadd.s32 $0xFFFFF000;
	(pc) =	sbr.rel @p0 .LBB2_1-.Ltmp5, $4  }
0x268: {  	[hbm4b:s8+s4] =	stream.linear.scatter [tilespmem:s2], [sflag:$0x3], $0x200, $0x38;
	[tilespmem:$0x6800] =	vst v63  }
0x269: {  	_ =	swait.ge [sflag:s10], $0x200  }
0x26a: {  	[sflag:s10] =	ssyncset.done $0x0  }
0x26b: {  	[sflag:s10] =	ssyncadd.s32 $0xFFFFFE00  }
0x26c: {  	_ =	sfence.sel $0x180000  }
0x26d: {  	[bflag:$0x0] =	sbarrier.arrive $0xFFFF  }
0x26e: {  	_ =	strace $0x90000047  }
0x26f: {  	s0 =	stileid.u32;
	[bflag:$0x2] =	sbarrier.arrive $0xFFFF  }
0x270: {  	p0 =	sne.s32 s0, $0x0;
	s0 =	rddreg [dreg:$0x4]  }
0x271: {  	s0 =	sadd.s32 @!p0 $0x100000, s0  }
0x272: {  	[sflag:s0] =	ssyncadd.tile.s32 @!p0 $0x1;
	_ =	shalt  }
.Lfunc_end2:
_tile_overlayer_lowered:
.L_overlay_start_2:
0x273: {  	(tag) =	ssettag $0x2  }
0x274: {  	s0 =	rddreg [dreg:$0x0];
	s2 =	stileid.u32  }
0x275: {  	s1 =	rddreg [dreg:$0x1];
	p0 =	sne.s32 s2, $0x0  }
0x276: {  	s3 =	rddreg [dreg:$0x2];
	[bflag:$0x3] =	sbarrier.arrive $0xFFFF;
	s2 =	simm.s32 @!p0 $0x1C03  }
0x277: {  	[timem:s3], [sflag:s2] =	dma.local @!p0 [hbm:s0], s1  }
0x278: {  	s0 =	simm.s32 @!p0 $0x3  }
0x279: {  	_ =	swait.ge @!p0 [sflag:s0], s1  }
0x27a: {  	s1 =	ssub.s32 @!p0 $0x0, s1;
	[sflag:s0] =	ssyncset.done @!p0 $0x0  }
0x27b: {  	[sflag:s0] =	ssyncadd.s32 @!p0 s1  }
0x27c: {  	[bflag:$0x3] =	sbarrier.arrive $0xFFFF  }
0x27d: {  	_ =	shalt  }

</sc_bundles>
